<compile_context>
chip_gen: v7x
topology: tpu7x:2x2x1
jax: 0.10.2.dev20260603
libtpu: 0.0.44.dev20260713+nightly
codegen_flags: <defaults>
</compile_context>

<pallas_src>
import functools

import jax
import jax.numpy as jnp
from jax import lax
from jax.experimental import pallas as pl
from jax.experimental.pallas import tpu as pltpu
from jax.experimental.pallas import tpu_sc as plsc

_SMOOTH = 0.1
_B_SC = 4096
_RT = 16


def _chunks(C):
    full, rem = divmod(C, 128)
    out = [(k * 128, None) for k in range(full)]
    if rem:
        out.append((C - 128, full * 128))
    return out


def _loss_kernel(x_ref, t_ref, ps_ref):
    R, C = x_ref.shape
    t = t_ref[0, 0, :]
    tcol = t[:, None]

    m = jnp.full((R, 128), -3.0e38, dtype=jnp.float32)
    sx = jnp.zeros((R, 128), dtype=jnp.float32)
    xt = jnp.zeros((R, 128), dtype=jnp.float32)
    for off, mask_from in _chunks(C):
        xc = x_ref[:, off:off + 128]
        cols = lax.broadcasted_iota(jnp.int32, (R, 128), 1) + off
        hit = cols == tcol
        if mask_from is not None:
            valid = cols >= mask_from
            xc = jnp.where(valid, xc, 0.0)
            m = jnp.maximum(m, jnp.where(valid, xc, -3.0e38))
            hit = hit & valid
        else:
            m = jnp.maximum(m, xc)
        sx = sx + xc
        xt = xt + jnp.where(hit, xc, 0.0)
    mrow = jnp.max(m, axis=1, keepdims=True)
    s_row = jnp.sum(sx, axis=1)
    xt_row = jnp.sum(xt, axis=1)

    e = jnp.zeros((R, 128), dtype=jnp.float32)
    for off, mask_from in _chunks(C):
        xc = x_ref[:, off:off + 128]
        if mask_from is not None:
            cols = lax.broadcasted_iota(jnp.int32, (R, 128), 1) + off
            xc = jnp.where(cols >= mask_from, xc, -3.0e38)
        e = e + jnp.exp(xc - mrow)
    lse = jnp.log(jnp.sum(e, axis=1)) + mrow[:, 0]

    a = 1.0 - _SMOOTH - _SMOOTH / (C - 1)
    b = _SMOOTH / (C - 1)
    ps_ref[0, 0, :] = lse - a * xt_row - b * s_row


def _sc_loss(B, C, row0):
    info = plsc.get_sparse_core_info()
    NC, NS = info.num_cores, info.num_subcores
    NW = NC * NS
    rpw = _B_SC // NW
    ntiles = rpw // _RT
    a = 1.0 - _SMOOTH - _SMOOTH / (C - 1)
    b = _SMOOTH / (C - 1)
    nfull = C // 16
    rem = C % 16
    tail_off = C - 16
    amax = ((C - 16) // 16) * 16

    mesh = plsc.VectorSubcoreMesh(core_axis_name="c", subcore_axis_name="s")

    @functools.partial(
        pl.kernel, mesh=mesh,
        compiler_params=pltpu.CompilerParams(use_tc_tiling_on_sc=True),
        out_type=[jax.ShapeDtypeStruct((_B_SC * 16,), jnp.float32),
                  jax.ShapeDtypeStruct((_B_SC * 16,), jnp.float32),
                  jax.ShapeDtypeStruct((_B_SC * 16,), jnp.float32)],
        scratch_types=[pltpu.VMEM((_RT, C), jnp.float32),
                       pltpu.VMEM((_RT,), jnp.int32),
                       pltpu.VMEM((rpw * 16,), jnp.float32),
                       pltpu.VMEM((rpw * 16,), jnp.float32),
                       pltpu.VMEM((rpw * 16,), jnp.float32)],
    )
    def sc_k(x_hbm, t_hbm, m_hbm, s_hbm, w_hbm, xbuf, tbuf, mbuf, sbuf, wbuf):
        wid = lax.axis_index("s") * NC + lax.axis_index("c")
        base = wid * rpw
        lanes = lax.broadcasted_iota(jnp.int32, (16,), 0)
        tail_mask = lanes >= (16 - rem)
        neg = jnp.float32(-3.0e38)

        def tile_body(tile, _):
            r0 = row0 + base + tile * _RT
            pltpu.sync_copy(x_hbm.at[pl.ds(r0, _RT), :], xbuf)
            pltpu.sync_copy(t_hbm.at[pl.ds(r0, _RT)], tbuf)
            tv = tbuf[...]

            for k in range(_RT):
                def c1(c, m16):
                    return jnp.maximum(m16, xbuf[k, pl.ds(c * 16, 16)])

                m16 = lax.fori_loop(0, nfull, c1, jnp.full((16,), neg))
                xtail = xbuf[k, pl.ds(tail_off, 16)]
                m16 = jnp.maximum(m16, jnp.where(tail_mask, xtail, neg))

                def c2(c, sc):
                    s16, sx16 = sc
                    xc = xbuf[k, pl.ds(c * 16, 16)]
                    return s16 + jnp.exp(xc - m16), sx16 + xc

                s16, sx16 = lax.fori_loop(
                    0, nfull, c2,
                    (jnp.zeros((16,), jnp.float32),
                     jnp.zeros((16,), jnp.float32)))
                s16 = s16 + jnp.where(tail_mask, jnp.exp(xtail - m16), 0.0)
                sx16 = sx16 + jnp.where(tail_mask, xtail, 0.0)

                tk = tv[k]
                off_k = jnp.minimum((tk // 16) * 16, amax)
                xa = xbuf[k, pl.ds(off_k, 16)]
                in_tail = tk >= amax + 16
                xsel = jnp.where(in_tail, xtail, xa)
                base_col = jnp.where(in_tail, tail_off, off_k)
                xtv = jnp.where(lanes == tk - base_col, xsel, 0.0)

                row = tile * _RT + k
                mbuf[pl.ds(row * 16, 16)] = m16
                sbuf[pl.ds(row * 16, 16)] = s16
                wbuf[pl.ds(row * 16, 16)] = -a * xtv - b * sx16
            return 0

        lax.fori_loop(0, ntiles, tile_body, 0)
        pltpu.sync_copy(mbuf, m_hbm.at[pl.ds(base * 16, rpw * 16)])
        pltpu.sync_copy(sbuf, s_hbm.at[pl.ds(base * 16, rpw * 16)])
        pltpu.sync_copy(wbuf, w_hbm.at[pl.ds(base * 16, rpw * 16)])

    return sc_k


def _select_kernel(ps_ref, m_ref, s_ref, w_ref, o_ref, *, keep):
    v_tc = ps_ref[:, 0, :]
    m2 = m_ref[...]
    M = jnp.max(m2, axis=1)
    s_scaled = jnp.sum(s_ref[...] * jnp.exp(m2 - M[:, None]), axis=1)
    v_sc = jnp.log(s_scaled) + M + jnp.sum(w_ref[...], axis=1)

    def skey(v):
        bits = lax.bitcast_convert_type(v, jnp.int32)
        return jnp.where(bits < 0, bits ^ jnp.int32(0x7FFFFFFF), bits)

    k_tc, k_sc = skey(v_tc), skey(v_sc)

    def body(j, prefix):
        cand = prefix + (jnp.int32(1) << jnp.int32(31 - j))
        cnt = (jnp.sum((k_tc >= cand).astype(jnp.int32))
               + jnp.sum((k_sc >= cand).astype(jnp.int32)))
        return jnp.where(cnt >= keep, cand, prefix)

    kth = lax.fori_loop(0, 32, body, jnp.int32(-2147483648))
    tau_bits = jnp.where(kth < 0, kth ^ jnp.int32(0x7FFFFFFF), kth)
    tau = lax.bitcast_convert_type(tau_bits, jnp.float32)
    cnt_gt = (jnp.sum((k_tc > kth).astype(jnp.int32))
              + jnp.sum((k_sc > kth).astype(jnp.int32)))
    sum_gt = (jnp.sum(jnp.where(k_tc > kth, v_tc, 0.0))
              + jnp.sum(jnp.where(k_sc > kth, v_sc, 0.0)))
    total = sum_gt + (keep - cnt_gt).astype(jnp.float32) * tau
    o_ref[...] = jnp.reshape(total / keep, (1, 1))


def kernel(input, target):
    B, C = input.shape
    R = 1024
    b_tc = B - _B_SC
    G = b_tc // R
    keep = min(B, int(B * 0.7))
    t32 = target.astype(jnp.int32)
    t3 = t32[:b_tc].reshape(G, 1, R)

    ps_tc = pl.pallas_call(
        _loss_kernel,
        grid=(G,),
        in_specs=[
            pl.BlockSpec((R, C), lambda i: (i, 0)),
            pl.BlockSpec((1, 1, R), lambda i: (i, 0, 0)),
        ],
        out_specs=pl.BlockSpec((1, 1, R), lambda i: (i, 0, 0)),
        out_shape=jax.ShapeDtypeStruct((G, 1, R), jnp.float32),
        compiler_params=pltpu.CompilerParams(
            dimension_semantics=("parallel",)),
    )(input, t3)

    m_sc, s_sc, w_sc = _sc_loss(B, C, b_tc)(input, t32)

    out = pl.pallas_call(
        functools.partial(_select_kernel, keep=keep),
        out_shape=jax.ShapeDtypeStruct((1, 1), jnp.float32),
    )(ps_tc, m_sc.reshape(_B_SC, 16), s_sc.reshape(_B_SC, 16),
      w_sc.reshape(_B_SC, 16))
    return out[0, 0]

# --- scband reference (transcript-rebuilt; emitter-appended) ---
"""Pipeline reference for scband-ohemloss-18038862643428 (READ-ONLY COPY).

The authoritative reference and input builder live on the scoring server;
editing this copy changes nothing except your own understanding.
"""

import jax, jax.numpy as jnp
import numpy as np

RATE = 0.7
SMOOTH = 0.1


def setup_inputs(seed: int = 0) -> dict:
    key = jax.random.key(seed)
    k1, k2 = jax.random.split(key)
    x = jax.random.normal(k1, (16384, 1000), dtype=jnp.float32)
    t = jax.random.randint(k2, (16384,), 0, 1000)
    return {"input": x, "target": t}


def reference(input, target):
    B, C = input.shape
    # SmoothCrossEntropyLoss(reduction='none', smoothing=SMOOTH)
    logp = jax.nn.log_softmax(input, axis=-1)
    true_dist = jnp.full((B, C), SMOOTH / (C - 1), dtype=input.dtype)
    true_dist = true_dist.at[jnp.arange(B), target].set(1.0 - SMOOTH)
    per_sample = -jnp.sum(true_dist * logp, axis=-1)
    # OHEM: sort descending, keep top rate*B hardest examples
    keep_num = min(per_sample.shape[0], int(B * RATE))
    top_vals, _ = jax.lax.top_k(per_sample, keep_num)
    loss = jnp.sum(top_vals) / keep_num
    return loss

if __name__ == "__main__":
    import jax
    _d = setup_inputs()
    print(jax.jit(kernel)(*tuple(_d.values())))

</pallas_src>

<mosaic_0001>
#map = affine_map<(d0, d1) -> (0, 0)>
#map1 = affine_map<(d0, d1) -> (0)>
module attributes {stable_mosaic.version = 14 : i64} {
  func.func @sc_k(%arg0: i32, %arg1: i32, %arg2: memref<16384x1000xf32, #tpu.memory_space<hbm>>, %arg3: memref<16384xi32, #tpu.memory_space<hbm>>, %arg4: memref<65536xf32, #tpu.memory_space<hbm>>, %arg5: memref<65536xf32, #tpu.memory_space<hbm>>, %arg6: memref<65536xf32, #tpu.memory_space<hbm>>, %arg7: memref<16x1000xf32, #tpu.memory_space<vmem>>, %arg8: memref<16xi32, #tpu.memory_space<vmem>>, %arg9: memref<2048xf32, #tpu.memory_space<vmem>>, %arg10: memref<2048xf32, #tpu.memory_space<vmem>>, %arg11: memref<2048xf32, #tpu.memory_space<vmem>>) attributes {dimension_semantics = [#tpu.dimension_semantics<core_parallel>, #tpu.dimension_semantics<subcore_parallel>], iteration_bounds = array<i64: 2, 16>, scalar_prefetch = 0 : i64, scratch_operands = 5 : i64, tpu.core_type = #tpu.core_type<sc_vector_subcore>, window_params = [{transform_indices = #map}, {transform_indices = #map1}, {transform_indices = #map1}, {transform_indices = #map1}, {transform_indices = #map1}]} {
    %mul3A = arith.constant 2 : i32
    %mul3A_0 = arith.muli %arg1, %mul3A : i32
    %add3A = arith.addi %mul3A_0, %arg0 : i32
    %mul3A_1 = arith.constant 128 : i32
    %mul3A_2 = arith.muli %add3A, %mul3A_1 : i32
    %iota3A = tpu.iota {dimensions = array<i32: 0>} : vector<16xi32>
    %ge3A = arith.constant 8 : i32
    %ge3A_3 = vector.broadcast %ge3A : i32 to vector<16xi32>
    %ge3A_4 = arith.cmpi sge, %iota3A, %ge3A_3 : vector<16xi32>
    %scan3A = arith.constant -3.000000e+38 : f32
    %scan3A_5 = arith.constant 0 : i32
    %scan3A_6 = arith.constant 0 : i32
    %scan3A_7 = arith.constant 8 : i32
    %scan3A_8 = arith.addi %scan3A_6, %scan3A_7 : i32
    %scan3A_9 = arith.constant 1 : i32
    %scan3A_10 = scf.for %scan3A_18 = %scan3A_6 to %scan3A_8 step %scan3A_9 iter_args(%scan3A_19 = %scan3A_5) -> (i32)  : i32 {
      %add3A_20 = arith.constant 12288 : i32
      %add3A_21 = arith.addi %add3A_20, %mul3A_2 : i32
      %mul3A_22 = arith.constant 16 : i32
      %mul3A_23 = arith.muli %scan3A_18, %mul3A_22 : i32
      %add3A_24 = arith.addi %add3A_21, %mul3A_23 : i32
      "tpu.region"() ({
        %run_scoped3A = tpu.sem_alloc : memref<!tpu.dma_semaphore, #tpu.memory_space<semaphore_mem>>
        %dma_start3A = arith.constant 0 : i32
        %dma_start3A_1772 = tpu.memref_slice %arg2[%add3A_24, %dma_start3A] : memref<16384x1000xf32, #tpu.memory_space<hbm>> -> memref<16x1000xf32, #tpu.memory_space<hbm>>
        %dma_start3A_1773 = arith.constant 0 : i32
        %dma_start3A_1774 = tpu.memref_slice %arg2[%add3A_24, %dma_start3A_1773] : memref<16384x1000xf32, #tpu.memory_space<hbm>> -> memref<16x1000xf32, #tpu.memory_space<hbm>>
        tpu.enqueue_dma source(%dma_start3A_1774 : memref<16x1000xf32, #tpu.memory_space<hbm>>) target(%arg7 : memref<16x1000xf32, #tpu.memory_space<vmem>>) target_semaphore(%run_scoped3A : memref<!tpu.dma_semaphore, #tpu.memory_space<semaphore_mem>>)
        %dma_wait3A = arith.constant 0 : i32
        %dma_wait3A_1775 = tpu.memref_slice %arg2[%add3A_24, %dma_wait3A] : memref<16384x1000xf32, #tpu.memory_space<hbm>> -> memref<16x1000xf32, #tpu.memory_space<hbm>>
        %dma_wait3A_1776 = arith.constant 0 : i32
        %dma_wait3A_1777 = tpu.memref_slice %arg2[%add3A_24, %dma_wait3A_1776] : memref<16384x1000xf32, #tpu.memory_space<hbm>> -> memref<16x1000xf32, #tpu.memory_space<hbm>>
        tpu.wait_dma2 semaphore(%run_scoped3A : memref<!tpu.dma_semaphore, #tpu.memory_space<semaphore_mem>>) src(%dma_wait3A_1777 : memref<16x1000xf32, #tpu.memory_space<hbm>>) dst(%arg7 : memref<16x1000xf32, #tpu.memory_space<vmem>>)
        tpu.yield
      }) : () -> ()
      "tpu.region"() ({
        %run_scoped3A = tpu.sem_alloc : memref<!tpu.dma_semaphore, #tpu.memory_space<semaphore_mem>>
        %dma_start3A = tpu.memref_slice %arg3[%add3A_24] : memref<16384xi32, #tpu.memory_space<hbm>> -> memref<16xi32, #tpu.memory_space<hbm>>
        %dma_start3A_1772 = tpu.memref_slice %arg3[%add3A_24] : memref<16384xi32, #tpu.memory_space<hbm>> -> memref<16xi32, #tpu.memory_space<hbm>>
        tpu.enqueue_dma source(%dma_start3A_1772 : memref<16xi32, #tpu.memory_space<hbm>>) target(%arg8 : memref<16xi32, #tpu.memory_space<vmem>>) target_semaphore(%run_scoped3A : memref<!tpu.dma_semaphore, #tpu.memory_space<semaphore_mem>>)
        %dma_wait3A = tpu.memref_slice %arg3[%add3A_24] : memref<16384xi32, #tpu.memory_space<hbm>> -> memref<16xi32, #tpu.memory_space<hbm>>
        %dma_wait3A_1773 = tpu.memref_slice %arg3[%add3A_24] : memref<16384xi32, #tpu.memory_space<hbm>> -> memref<16xi32, #tpu.memory_space<hbm>>
        tpu.wait_dma2 semaphore(%run_scoped3A : memref<!tpu.dma_semaphore, #tpu.memory_space<semaphore_mem>>) src(%dma_wait3A_1773 : memref<16xi32, #tpu.memory_space<hbm>>) dst(%arg8 : memref<16xi32, #tpu.memory_space<vmem>>)
        tpu.yield
      }) : () -> ()
      %get3A = arith.constant 0 : index
      %get3A_25 = tpu.vector_load %arg8[%get3A] {strides = array<i32>} : memref<16xi32, #tpu.memory_space<vmem>>, vector<16xi32>,
      %get3A_26 = vector.shape_cast %get3A_25 : vector<16xi32> to vector<16xi32>
      %broadcast_in_dim3A = vector.broadcast %scan3A : f32 to vector<16xf32>
      %scan3A_27 = arith.constant 0 : i32
      %scan3A_28 = arith.constant 62 : i32
      %scan3A_29 = arith.addi %scan3A_27, %scan3A_28 : i32
      %scan3A_30 = arith.constant 1 : i32
      %scan3A_31 = scf.for %scan3A_1772 = %scan3A_27 to %scan3A_29 step %scan3A_30 iter_args(%scan3A_1773 = %broadcast_in_dim3A) -> (vector<16xf32>)  : i32 {
        %mul3A_1774 = arith.constant 16 : i32
        %mul3A_1775 = arith.muli %scan3A_1772, %mul3A_1774 : i32
        %get3A_1776 = arith.constant 0 : i32
        %get3A_1777 = arith.index_cast %get3A_1776 : i32 to index
        %get3A_1778 = arith.index_cast %mul3A_1775 : i32 to index
        %get3A_1779 = tpu.vector_load %arg7[%get3A_1777, %get3A_1778] {strides = array<i32>} : memref<16x1000xf32, #tpu.memory_space<vmem>>, vector<1x16xf32>,
        %get3A_1780 = vector.shape_cast %get3A_1779 : vector<1x16xf32> to vector<16xf32>
        %max3A_1781 = arith.maximumf %scan3A_1773, %get3A_1780 : vector<16xf32>
        scf.yield %max3A_1781 : vector<16xf32>
      }
      %scan3A_32 = arith.constant 62 : i32
      %get3A_33 = arith.constant 0 : i32
      %get3A_34 = arith.index_cast %get3A_33 : i32 to index
      %get3A_35 = arith.constant 984 : index
      %get3A_36 = tpu.vector_load %arg7[%get3A_34, %get3A_35] {strides = array<i32>} : memref<16x1000xf32, #tpu.memory_space<vmem>>, vector<1x16xf32>,
      %get3A_37 = vector.shape_cast %get3A_36 : vector<1x16xf32> to vector<16xf32>
      %broadcast_in_dim3A_38 = vector.broadcast %scan3A : f32 to vector<16xf32>
      %select_n3A = arith.select %ge3A_4, %get3A_37, %broadcast_in_dim3A_38 : vector<16xi1>, vector<16xf32>
      %max3A = arith.maximumf %scan3A_31, %select_n3A : vector<16xf32>
      %broadcast_in_dim3A_39 = arith.constant 0.000000e+00 : f32
      %broadcast_in_dim3A_40 = vector.broadcast %broadcast_in_dim3A_39 : f32 to vector<16xf32>
      %broadcast_in_dim3A_41 = arith.constant 0.000000e+00 : f32
      %broadcast_in_dim3A_42 = vector.broadcast %broadcast_in_dim3A_41 : f32 to vector<16xf32>
      %scan3A_43 = arith.constant 0 : i32
      %scan3A_44 = arith.constant 62 : i32
      %scan3A_45 = arith.addi %scan3A_43, %scan3A_44 : i32
      %scan3A_46 = arith.constant 1 : i32
      %scan3A_47:2 = scf.for %scan3A_1772 = %scan3A_43 to %scan3A_45 step %scan3A_46 iter_args(%scan3A_1773 = %broadcast_in_dim3A_40, %scan3A_1774 = %broadcast_in_dim3A_42) -> (vector<16xf32>, vector<16xf32>)  : i32 {
        %mul3A_1775 = arith.constant 16 : i32
        %mul3A_1776 = arith.muli %scan3A_1772, %mul3A_1775 : i32
        %get3A_1777 = arith.constant 0 : i32
        %get3A_1778 = arith.index_cast %get3A_1777 : i32 to index
        %get3A_1779 = arith.index_cast %mul3A_1776 : i32 to index
        %get3A_1780 = tpu.vector_load %arg7[%get3A_1778, %get3A_1779] {strides = array<i32>} : memref<16x1000xf32, #tpu.memory_space<vmem>>, vector<1x16xf32>,
        %get3A_1781 = vector.shape_cast %get3A_1780 : vector<1x16xf32> to vector<16xf32>
        %sub3A_1782 = arith.subf %get3A_1781, %max3A : vector<16xf32>
        %exp3A_1783 = math.exp %sub3A_1782 : vector<16xf32>
        %add3A_1784 = arith.addf %scan3A_1773, %exp3A_1783 : vector<16xf32>
        %add3A_1785 = arith.addf %scan3A_1774, %get3A_1781 : vector<16xf32>
        scf.yield %add3A_1784, %add3A_1785 : vector<16xf32>, vector<16xf32>
      }
      %scan3A_48 = arith.constant 62 : i32
      %sub3A = arith.subf %get3A_37, %max3A : vector<16xf32>
      %exp3A = math.exp %sub3A : vector<16xf32>
      %jit3A = arith.constant 0.000000e+00 : f32
      %broadcast_in_dim3A_49 = vector.broadcast %jit3A : f32 to vector<16xf32>
      %select_n3A_50 = arith.select %ge3A_4, %exp3A, %broadcast_in_dim3A_49 : vector<16xi1>, vector<16xf32>
      %add3A_51 = arith.addf %scan3A_47#0, %select_n3A_50 : vector<16xf32>
      %jit3A_52 = arith.constant 0.000000e+00 : f32
      %broadcast_in_dim3A_53 = vector.broadcast %jit3A_52 : f32 to vector<16xf32>
      %select_n3A_54 = arith.select %ge3A_4, %get3A_37, %broadcast_in_dim3A_53 : vector<16xi1>, vector<16xf32>
      %add3A_55 = arith.addf %scan3A_47#1, %select_n3A_54 : vector<16xf32>
      %slice3A = vector.extract_strided_slice %get3A_26 {offsets = [0], sizes = [1], strides = [1]} : vector<16xi32> to vector<1xi32>
      %squeeze3A = vector.extract %slice3A[0] : i32 from vector<1xi32>
      %jit3A_56 = arith.constant 16 : i32
      %div3A = arith.divsi %squeeze3A, %jit3A_56 : i32
      %sign3A = arith.constant 0 : i32
      %sign3A_57 = arith.cmpi sgt, %squeeze3A, %sign3A : i32
      %sign3A_58 = arith.extui %sign3A_57 : i1 to i32
      %sign3A_59 = arith.constant 0 : i32
      %sign3A_60 = arith.cmpi slt, %squeeze3A, %sign3A_59 : i32
      %sign3A_61 = arith.extui %sign3A_60 : i1 to i32
      %sign3A_62 = arith.subi %sign3A_58, %sign3A_61 : i32
      %sign3A_63 = arith.constant 0 : i32
      %sign3A_64 = arith.cmpi sgt, %jit3A_56, %sign3A_63 : i32
      %sign3A_65 = arith.extui %sign3A_64 : i1 to i32
      %sign3A_66 = arith.constant 0 : i32
      %sign3A_67 = arith.cmpi slt, %jit3A_56, %sign3A_66 : i32
      %sign3A_68 = arith.extui %sign3A_67 : i1 to i32
      %sign3A_69 = arith.subi %sign3A_65, %sign3A_68 : i32
      %ne3A = arith.cmpi ne, %sign3A_62, %sign3A_69 : i32
      %rem3A = arith.remsi %squeeze3A, %jit3A_56 : i32
      %ne3A_70 = arith.constant 0 : i32
      %ne3A_71 = arith.cmpi ne, %rem3A, %ne3A_70 : i32
      %and3A = arith.andi %ne3A, %ne3A_71 : i1
      %sub3A_72 = arith.constant 1 : i32
      %sub3A_73 = arith.subi %div3A, %sub3A_72 : i32
      %select_n3A_74 = arith.select %and3A, %sub3A_73, %div3A : i32
      %mul3A_75 = arith.constant 16 : i32
      %mul3A_76 = arith.muli %select_n3A_74, %mul3A_75 : i32
      %min3A = arith.constant 976 : i32
      %min3A_77 = arith.minsi %mul3A_76, %min3A : i32
      %get3A_78 = arith.constant 0 : i32
      %get3A_79 = arith.index_cast %get3A_78 : i32 to index
      %get3A_80 = arith.index_cast %min3A_77 : i32 to index
      %get3A_81 = tpu.vector_load %arg7[%get3A_79, %get3A_80] {strides = array<i32>} : memref<16x1000xf32, #tpu.memory_space<vmem>>, vector<1x16xf32>,
      %get3A_82 = vector.shape_cast %get3A_81 : vector<1x16xf32> to vector<16xf32>
      %ge3A_83 = arith.constant 992 : i32
      %ge3A_84 = arith.cmpi sge, %squeeze3A, %ge3A_83 : i32
      %select_n3A_85 = arith.select %ge3A_84, %get3A_37, %get3A_82 : vector<16xf32>
      %jit3A_86 = arith.constant 984 : i32
      %select_n3A_87 = arith.select %ge3A_84, %jit3A_86, %min3A_77 : i32
      %sub3A_88 = arith.subi %squeeze3A, %select_n3A_87 : i32
      %eq3A = vector.broadcast %sub3A_88 : i32 to vector<16xi32>
      %eq3A_89 = arith.cmpi eq, %iota3A, %eq3A : vector<16xi32>
      %jit3A_90 = arith.constant 0.000000e+00 : f32
      %broadcast_in_dim3A_91 = vector.broadcast %jit3A_90 : f32 to vector<16xf32>
      %select_n3A_92 = arith.select %eq3A_89, %select_n3A_85, %broadcast_in_dim3A_91 : vector<16xi1>, vector<16xf32>
      %mul3A_93 = arith.constant 16 : i32
      %mul3A_94 = arith.muli %scan3A_18, %mul3A_93 : i32
      %add3A_95 = arith.constant 0 : i32
      %add3A_96 = arith.addi %mul3A_94, %add3A_95 : i32
      %mul3A_97 = arith.constant 16 : i32
      %mul3A_98 = arith.muli %add3A_96, %mul3A_97 : i32
      %swap3A = arith.index_cast %mul3A_98 : i32 to index
      %swap3A_99 = tpu.vector_load %arg9[%swap3A] {strides = array<i32>} : memref<2048xf32, #tpu.memory_space<vmem>>, vector<16xf32>,
      %swap3A_100 = vector.shape_cast %swap3A_99 : vector<16xf32> to vector<16xf32>
      %swap3A_101 = vector.shape_cast %max3A : vector<16xf32> to vector<16xf32>
      tpu.vector_store %arg9[%swap3A], %swap3A_101 {strides = array<i32>} : memref<2048xf32, #tpu.memory_space<vmem>>, vector<16xf32>,
      %mul3A_102 = arith.constant 16 : i32
      %mul3A_103 = arith.muli %add3A_96, %mul3A_102 : i32
      %swap3A_104 = arith.index_cast %mul3A_103 : i32 to index
      %swap3A_105 = tpu.vector_load %arg10[%swap3A_104] {strides = array<i32>} : memref<2048xf32, #tpu.memory_space<vmem>>, vector<16xf32>,
      %swap3A_106 = vector.shape_cast %swap3A_105 : vector<16xf32> to vector<16xf32>
      %swap3A_107 = vector.shape_cast %add3A_51 : vector<16xf32> to vector<16xf32>
      tpu.vector_store %arg10[%swap3A_104], %swap3A_107 {strides = array<i32>} : memref<2048xf32, #tpu.memory_space<vmem>>, vector<16xf32>,
      %mul3A_108 = arith.constant -0.899899899 : f32
      %mul3A_109 = vector.broadcast %mul3A_108 : f32 to vector<16xf32>
      %mul3A_110 = arith.mulf %mul3A_109, %select_n3A_92 : vector<16xf32>
      %mul3A_111 = arith.constant 1.001001E-4 : f32
      %mul3A_112 = vector.broadcast %mul3A_111 : f32 to vector<16xf32>
      %mul3A_113 = arith.mulf %mul3A_112, %add3A_55 : vector<16xf32>
      %sub3A_114 = arith.subf %mul3A_110, %mul3A_113 : vector<16xf32>
      %mul3A_115 = arith.constant 16 : i32
      %mul3A_116 = arith.muli %add3A_96, %mul3A_115 : i32
      %swap3A_117 = arith.index_cast %mul3A_116 : i32 to index
      %swap3A_118 = tpu.vector_load %arg11[%swap3A_117] {strides = array<i32>} : memref<2048xf32, #tpu.memory_space<vmem>>, vector<16xf32>,
      %swap3A_119 = vector.shape_cast %swap3A_118 : vector<16xf32> to vector<16xf32>
      %swap3A_120 = vector.shape_cast %sub3A_114 : vector<16xf32> to vector<16xf32>
      tpu.vector_store %arg11[%swap3A_117], %swap3A_120 {strides = array<i32>} : memref<2048xf32, #tpu.memory_space<vmem>>, vector<16xf32>,
      %broadcast_in_dim3A_121 = vector.broadcast %scan3A : f32 to vector<16xf32>
      %scan3A_122 = arith.constant 0 : i32
      %scan3A_123 = arith.constant 62 : i32
      %scan3A_124 = arith.addi %scan3A_122, %scan3A_123 : i32
      %scan3A_125 = arith.constant 1 : i32
      %scan3A_126 = scf.for %scan3A_1772 = %scan3A_122 to %scan3A_124 step %scan3A_125 iter_args(%scan3A_1773 = %broadcast_in_dim3A_121) -> (vector<16xf32>)  : i32 {
        %mul3A_1774 = arith.constant 16 : i32
        %mul3A_1775 = arith.muli %scan3A_1772, %mul3A_1774 : i32
        %get3A_1776 = arith.constant 1 : i32
        %get3A_1777 = arith.index_cast %get3A_1776 : i32 to index
        %get3A_1778 = arith.index_cast %mul3A_1775 : i32 to index
        %get3A_1779 = tpu.vector_load %arg7[%get3A_1777, %get3A_1778] {strides = array<i32>} : memref<16x1000xf32, #tpu.memory_space<vmem>>, vector<1x16xf32>,
        %get3A_1780 = vector.shape_cast %get3A_1779 : vector<1x16xf32> to vector<16xf32>
        %max3A_1781 = arith.maximumf %scan3A_1773, %get3A_1780 : vector<16xf32>
        scf.yield %max3A_1781 : vector<16xf32>
      }
      %scan3A_127 = arith.constant 62 : i32
      %get3A_128 = arith.constant 1 : i32
      %get3A_129 = arith.index_cast %get3A_128 : i32 to index
      %get3A_130 = arith.constant 984 : index
      %get3A_131 = tpu.vector_load %arg7[%get3A_129, %get3A_130] {strides = array<i32>} : memref<16x1000xf32, #tpu.memory_space<vmem>>, vector<1x16xf32>,
      %get3A_132 = vector.shape_cast %get3A_131 : vector<1x16xf32> to vector<16xf32>
      %broadcast_in_dim3A_133 = vector.broadcast %scan3A : f32 to vector<16xf32>
      %select_n3A_134 = arith.select %ge3A_4, %get3A_132, %broadcast_in_dim3A_133 : vector<16xi1>, vector<16xf32>
      %max3A_135 = arith.maximumf %scan3A_126, %select_n3A_134 : vector<16xf32>
      %broadcast_in_dim3A_136 = arith.constant 0.000000e+00 : f32
      %broadcast_in_dim3A_137 = vector.broadcast %broadcast_in_dim3A_136 : f32 to vector<16xf32>
      %broadcast_in_dim3A_138 = arith.constant 0.000000e+00 : f32
      %broadcast_in_dim3A_139 = vector.broadcast %broadcast_in_dim3A_138 : f32 to vector<16xf32>
      %scan3A_140 = arith.constant 0 : i32
      %scan3A_141 = arith.constant 62 : i32
      %scan3A_142 = arith.addi %scan3A_140, %scan3A_141 : i32
      %scan3A_143 = arith.constant 1 : i32
      %scan3A_144:2 = scf.for %scan3A_1772 = %scan3A_140 to %scan3A_142 step %scan3A_143 iter_args(%scan3A_1773 = %broadcast_in_dim3A_137, %scan3A_1774 = %broadcast_in_dim3A_139) -> (vector<16xf32>, vector<16xf32>)  : i32 {
        %mul3A_1775 = arith.constant 16 : i32
        %mul3A_1776 = arith.muli %scan3A_1772, %mul3A_1775 : i32
        %get3A_1777 = arith.constant 1 : i32
        %get3A_1778 = arith.index_cast %get3A_1777 : i32 to index
        %get3A_1779 = arith.index_cast %mul3A_1776 : i32 to index
        %get3A_1780 = tpu.vector_load %arg7[%get3A_1778, %get3A_1779] {strides = array<i32>} : memref<16x1000xf32, #tpu.memory_space<vmem>>, vector<1x16xf32>,
        %get3A_1781 = vector.shape_cast %get3A_1780 : vector<1x16xf32> to vector<16xf32>
        %sub3A_1782 = arith.subf %get3A_1781, %max3A_135 : vector<16xf32>
        %exp3A_1783 = math.exp %sub3A_1782 : vector<16xf32>
        %add3A_1784 = arith.addf %scan3A_1773, %exp3A_1783 : vector<16xf32>
        %add3A_1785 = arith.addf %scan3A_1774, %get3A_1781 : vector<16xf32>
        scf.yield %add3A_1784, %add3A_1785 : vector<16xf32>, vector<16xf32>
      }
      %scan3A_145 = arith.constant 62 : i32
      %sub3A_146 = arith.subf %get3A_132, %max3A_135 : vector<16xf32>
      %exp3A_147 = math.exp %sub3A_146 : vector<16xf32>
      %jit3A_148 = arith.constant 0.000000e+00 : f32
      %broadcast_in_dim3A_149 = vector.broadcast %jit3A_148 : f32 to vector<16xf32>
      %select_n3A_150 = arith.select %ge3A_4, %exp3A_147, %broadcast_in_dim3A_149 : vector<16xi1>, vector<16xf32>
      %add3A_151 = arith.addf %scan3A_144#0, %select_n3A_150 : vector<16xf32>
      %jit3A_152 = arith.constant 0.000000e+00 : f32
      %broadcast_in_dim3A_153 = vector.broadcast %jit3A_152 : f32 to vector<16xf32>
      %select_n3A_154 = arith.select %ge3A_4, %get3A_132, %broadcast_in_dim3A_153 : vector<16xi1>, vector<16xf32>
      %add3A_155 = arith.addf %scan3A_144#1, %select_n3A_154 : vector<16xf32>
      %slice3A_156 = vector.extract_strided_slice %get3A_26 {offsets = [1], sizes = [1], strides = [1]} : vector<16xi32> to vector<1xi32>
      %squeeze3A_157 = vector.extract %slice3A_156[0] : i32 from vector<1xi32>
      %jit3A_158 = arith.constant 16 : i32
      %div3A_159 = arith.divsi %squeeze3A_157, %jit3A_158 : i32
      %sign3A_160 = arith.constant 0 : i32
      %sign3A_161 = arith.cmpi sgt, %squeeze3A_157, %sign3A_160 : i32
      %sign3A_162 = arith.extui %sign3A_161 : i1 to i32
      %sign3A_163 = arith.constant 0 : i32
      %sign3A_164 = arith.cmpi slt, %squeeze3A_157, %sign3A_163 : i32
      %sign3A_165 = arith.extui %sign3A_164 : i1 to i32
      %sign3A_166 = arith.subi %sign3A_162, %sign3A_165 : i32
      %sign3A_167 = arith.constant 0 : i32
      %sign3A_168 = arith.cmpi sgt, %jit3A_158, %sign3A_167 : i32
      %sign3A_169 = arith.extui %sign3A_168 : i1 to i32
      %sign3A_170 = arith.constant 0 : i32
      %sign3A_171 = arith.cmpi slt, %jit3A_158, %sign3A_170 : i32
      %sign3A_172 = arith.extui %sign3A_171 : i1 to i32
      %sign3A_173 = arith.subi %sign3A_169, %sign3A_172 : i32
      %ne3A_174 = arith.cmpi ne, %sign3A_166, %sign3A_173 : i32
      %rem3A_175 = arith.remsi %squeeze3A_157, %jit3A_158 : i32
      %ne3A_176 = arith.constant 0 : i32
      %ne3A_177 = arith.cmpi ne, %rem3A_175, %ne3A_176 : i32
      %and3A_178 = arith.andi %ne3A_174, %ne3A_177 : i1
      %sub3A_179 = arith.constant 1 : i32
      %sub3A_180 = arith.subi %div3A_159, %sub3A_179 : i32
      %select_n3A_181 = arith.select %and3A_178, %sub3A_180, %div3A_159 : i32
      %mul3A_182 = arith.constant 16 : i32
      %mul3A_183 = arith.muli %select_n3A_181, %mul3A_182 : i32
      %min3A_184 = arith.constant 976 : i32
      %min3A_185 = arith.minsi %mul3A_183, %min3A_184 : i32
      %get3A_186 = arith.constant 1 : i32
      %get3A_187 = arith.index_cast %get3A_186 : i32 to index
      %get3A_188 = arith.index_cast %min3A_185 : i32 to index
      %get3A_189 = tpu.vector_load %arg7[%get3A_187, %get3A_188] {strides = array<i32>} : memref<16x1000xf32, #tpu.memory_space<vmem>>, vector<1x16xf32>,
      %get3A_190 = vector.shape_cast %get3A_189 : vector<1x16xf32> to vector<16xf32>
      %ge3A_191 = arith.constant 992 : i32
      %ge3A_192 = arith.cmpi sge, %squeeze3A_157, %ge3A_191 : i32
      %select_n3A_193 = arith.select %ge3A_192, %get3A_132, %get3A_190 : vector<16xf32>
      %jit3A_194 = arith.constant 984 : i32
      %select_n3A_195 = arith.select %ge3A_192, %jit3A_194, %min3A_185 : i32
      %sub3A_196 = arith.subi %squeeze3A_157, %select_n3A_195 : i32
      %eq3A_197 = vector.broadcast %sub3A_196 : i32 to vector<16xi32>
      %eq3A_198 = arith.cmpi eq, %iota3A, %eq3A_197 : vector<16xi32>
      %jit3A_199 = arith.constant 0.000000e+00 : f32
      %broadcast_in_dim3A_200 = vector.broadcast %jit3A_199 : f32 to vector<16xf32>
      %select_n3A_201 = arith.select %eq3A_198, %select_n3A_193, %broadcast_in_dim3A_200 : vector<16xi1>, vector<16xf32>
      %mul3A_202 = arith.constant 16 : i32
      %mul3A_203 = arith.muli %scan3A_18, %mul3A_202 : i32
      %add3A_204 = arith.constant 1 : i32
      %add3A_205 = arith.addi %mul3A_203, %add3A_204 : i32
      %mul3A_206 = arith.constant 16 : i32
      %mul3A_207 = arith.muli %add3A_205, %mul3A_206 : i32
      %swap3A_208 = arith.index_cast %mul3A_207 : i32 to index
      %swap3A_209 = tpu.vector_load %arg9[%swap3A_208] {strides = array<i32>} : memref<2048xf32, #tpu.memory_space<vmem>>, vector<16xf32>,
      %swap3A_210 = vector.shape_cast %swap3A_209 : vector<16xf32> to vector<16xf32>
      %swap3A_211 = vector.shape_cast %max3A_135 : vector<16xf32> to vector<16xf32>
      tpu.vector_store %arg9[%swap3A_208], %swap3A_211 {strides = array<i32>} : memref<2048xf32, #tpu.memory_space<vmem>>, vector<16xf32>,
      %mul3A_212 = arith.constant 16 : i32
      %mul3A_213 = arith.muli %add3A_205, %mul3A_212 : i32
      %swap3A_214 = arith.index_cast %mul3A_213 : i32 to index
      %swap3A_215 = tpu.vector_load %arg10[%swap3A_214] {strides = array<i32>} : memref<2048xf32, #tpu.memory_space<vmem>>, vector<16xf32>,
      %swap3A_216 = vector.shape_cast %swap3A_215 : vector<16xf32> to vector<16xf32>
      %swap3A_217 = vector.shape_cast %add3A_151 : vector<16xf32> to vector<16xf32>
      tpu.vector_store %arg10[%swap3A_214], %swap3A_217 {strides = array<i32>} : memref<2048xf32, #tpu.memory_space<vmem>>, vector<16xf32>,
      %mul3A_218 = arith.constant -0.899899899 : f32
      %mul3A_219 = vector.broadcast %mul3A_218 : f32 to vector<16xf32>
      %mul3A_220 = arith.mulf %mul3A_219, %select_n3A_201 : vector<16xf32>
      %mul3A_221 = arith.constant 1.001001E-4 : f32
      %mul3A_222 = vector.broadcast %mul3A_221 : f32 to vector<16xf32>
      %mul3A_223 = arith.mulf %mul3A_222, %add3A_155 : vector<16xf32>
      %sub3A_224 = arith.subf %mul3A_220, %mul3A_223 : vector<16xf32>
      %mul3A_225 = arith.constant 16 : i32
      %mul3A_226 = arith.muli %add3A_205, %mul3A_225 : i32
      %swap3A_227 = arith.index_cast %mul3A_226 : i32 to index
      %swap3A_228 = tpu.vector_load %arg11[%swap3A_227] {strides = array<i32>} : memref<2048xf32, #tpu.memory_space<vmem>>, vector<16xf32>,
      %swap3A_229 = vector.shape_cast %swap3A_228 : vector<16xf32> to vector<16xf32>
      %swap3A_230 = vector.shape_cast %sub3A_224 : vector<16xf32> to vector<16xf32>
      tpu.vector_store %arg11[%swap3A_227], %swap3A_230 {strides = array<i32>} : memref<2048xf32, #tpu.memory_space<vmem>>, vector<16xf32>,
      %broadcast_in_dim3A_231 = vector.broadcast %scan3A : f32 to vector<16xf32>
      %scan3A_232 = arith.constant 0 : i32
      %scan3A_233 = arith.constant 62 : i32
      %scan3A_234 = arith.addi %scan3A_232, %scan3A_233 : i32
      %scan3A_235 = arith.constant 1 : i32
      %scan3A_236 = scf.for %scan3A_1772 = %scan3A_232 to %scan3A_234 step %scan3A_235 iter_args(%scan3A_1773 = %broadcast_in_dim3A_231) -> (vector<16xf32>)  : i32 {
        %mul3A_1774 = arith.constant 16 : i32
        %mul3A_1775 = arith.muli %scan3A_1772, %mul3A_1774 : i32
        %get3A_1776 = arith.constant 2 : i32
        %get3A_1777 = arith.index_cast %get3A_1776 : i32 to index
        %get3A_1778 = arith.index_cast %mul3A_1775 : i32 to index
        %get3A_1779 = tpu.vector_load %arg7[%get3A_1777, %get3A_1778] {strides = array<i32>} : memref<16x1000xf32, #tpu.memory_space<vmem>>, vector<1x16xf32>,
        %get3A_1780 = vector.shape_cast %get3A_1779 : vector<1x16xf32> to vector<16xf32>
        %max3A_1781 = arith.maximumf %scan3A_1773, %get3A_1780 : vector<16xf32>
        scf.yield %max3A_1781 : vector<16xf32>
      }
      %scan3A_237 = arith.constant 62 : i32
      %get3A_238 = arith.constant 2 : i32
      %get3A_239 = arith.index_cast %get3A_238 : i32 to index
      %get3A_240 = arith.constant 984 : index
      %get3A_241 = tpu.vector_load %arg7[%get3A_239, %get3A_240] {strides = array<i32>} : memref<16x1000xf32, #tpu.memory_space<vmem>>, vector<1x16xf32>,
      %get3A_242 = vector.shape_cast %get3A_241 : vector<1x16xf32> to vector<16xf32>
      %broadcast_in_dim3A_243 = vector.broadcast %scan3A : f32 to vector<16xf32>
      %select_n3A_244 = arith.select %ge3A_4, %get3A_242, %broadcast_in_dim3A_243 : vector<16xi1>, vector<16xf32>
      %max3A_245 = arith.maximumf %scan3A_236, %select_n3A_244 : vector<16xf32>
      %broadcast_in_dim3A_246 = arith.constant 0.000000e+00 : f32
      %broadcast_in_dim3A_247 = vector.broadcast %broadcast_in_dim3A_246 : f32 to vector<16xf32>
      %broadcast_in_dim3A_248 = arith.constant 0.000000e+00 : f32
      %broadcast_in_dim3A_249 = vector.broadcast %broadcast_in_dim3A_248 : f32 to vector<16xf32>
      %scan3A_250 = arith.constant 0 : i32
      %scan3A_251 = arith.constant 62 : i32
      %scan3A_252 = arith.addi %scan3A_250, %scan3A_251 : i32
      %scan3A_253 = arith.constant 1 : i32
      %scan3A_254:2 = scf.for %scan3A_1772 = %scan3A_250 to %scan3A_252 step %scan3A_253 iter_args(%scan3A_1773 = %broadcast_in_dim3A_247, %scan3A_1774 = %broadcast_in_dim3A_249) -> (vector<16xf32>, vector<16xf32>)  : i32 {
        %mul3A_1775 = arith.constant 16 : i32
        %mul3A_1776 = arith.muli %scan3A_1772, %mul3A_1775 : i32
        %get3A_1777 = arith.constant 2 : i32
        %get3A_1778 = arith.index_cast %get3A_1777 : i32 to index
        %get3A_1779 = arith.index_cast %mul3A_1776 : i32 to index
        %get3A_1780 = tpu.vector_load %arg7[%get3A_1778, %get3A_1779] {strides = array<i32>} : memref<16x1000xf32, #tpu.memory_space<vmem>>, vector<1x16xf32>,
        %get3A_1781 = vector.shape_cast %get3A_1780 : vector<1x16xf32> to vector<16xf32>
        %sub3A_1782 = arith.subf %get3A_1781, %max3A_245 : vector<16xf32>
        %exp3A_1783 = math.exp %sub3A_1782 : vector<16xf32>
        %add3A_1784 = arith.addf %scan3A_1773, %exp3A_1783 : vector<16xf32>
        %add3A_1785 = arith.addf %scan3A_1774, %get3A_1781 : vector<16xf32>
        scf.yield %add3A_1784, %add3A_1785 : vector<16xf32>, vector<16xf32>
      }
      %scan3A_255 = arith.constant 62 : i32
      %sub3A_256 = arith.subf %get3A_242, %max3A_245 : vector<16xf32>
      %exp3A_257 = math.exp %sub3A_256 : vector<16xf32>
      %jit3A_258 = arith.constant 0.000000e+00 : f32
      %broadcast_in_dim3A_259 = vector.broadcast %jit3A_258 : f32 to vector<16xf32>
      %select_n3A_260 = arith.select %ge3A_4, %exp3A_257, %broadcast_in_dim3A_259 : vector<16xi1>, vector<16xf32>
      %add3A_261 = arith.addf %scan3A_254#0, %select_n3A_260 : vector<16xf32>
      %jit3A_262 = arith.constant 0.000000e+00 : f32
      %broadcast_in_dim3A_263 = vector.broadcast %jit3A_262 : f32 to vector<16xf32>
      %select_n3A_264 = arith.select %ge3A_4, %get3A_242, %broadcast_in_dim3A_263 : vector<16xi1>, vector<16xf32>
      %add3A_265 = arith.addf %scan3A_254#1, %select_n3A_264 : vector<16xf32>
      %slice3A_266 = vector.extract_strided_slice %get3A_26 {offsets = [2], sizes = [1], strides = [1]} : vector<16xi32> to vector<1xi32>
      %squeeze3A_267 = vector.extract %slice3A_266[0] : i32 from vector<1xi32>
      %jit3A_268 = arith.constant 16 : i32
      %div3A_269 = arith.divsi %squeeze3A_267, %jit3A_268 : i32
      %sign3A_270 = arith.constant 0 : i32
      %sign3A_271 = arith.cmpi sgt, %squeeze3A_267, %sign3A_270 : i32
      %sign3A_272 = arith.extui %sign3A_271 : i1 to i32
      %sign3A_273 = arith.constant 0 : i32
      %sign3A_274 = arith.cmpi slt, %squeeze3A_267, %sign3A_273 : i32
      %sign3A_275 = arith.extui %sign3A_274 : i1 to i32
      %sign3A_276 = arith.subi %sign3A_272, %sign3A_275 : i32
      %sign3A_277 = arith.constant 0 : i32
      %sign3A_278 = arith.cmpi sgt, %jit3A_268, %sign3A_277 : i32
      %sign3A_279 = arith.extui %sign3A_278 : i1 to i32
      %sign3A_280 = arith.constant 0 : i32
      %sign3A_281 = arith.cmpi slt, %jit3A_268, %sign3A_280 : i32
      %sign3A_282 = arith.extui %sign3A_281 : i1 to i32
      %sign3A_283 = arith.subi %sign3A_279, %sign3A_282 : i32
      %ne3A_284 = arith.cmpi ne, %sign3A_276, %sign3A_283 : i32
      %rem3A_285 = arith.remsi %squeeze3A_267, %jit3A_268 : i32
      %ne3A_286 = arith.constant 0 : i32
      %ne3A_287 = arith.cmpi ne, %rem3A_285, %ne3A_286 : i32
      %and3A_288 = arith.andi %ne3A_284, %ne3A_287 : i1
      %sub3A_289 = arith.constant 1 : i32
      %sub3A_290 = arith.subi %div3A_269, %sub3A_289 : i32
      %select_n3A_291 = arith.select %and3A_288, %sub3A_290, %div3A_269 : i32
      %mul3A_292 = arith.constant 16 : i32
      %mul3A_293 = arith.muli %select_n3A_291, %mul3A_292 : i32
      %min3A_294 = arith.constant 976 : i32
      %min3A_295 = arith.minsi %mul3A_293, %min3A_294 : i32
      %get3A_296 = arith.constant 2 : i32
      %get3A_297 = arith.index_cast %get3A_296 : i32 to index
      %get3A_298 = arith.index_cast %min3A_295 : i32 to index
      %get3A_299 = tpu.vector_load %arg7[%get3A_297, %get3A_298] {strides = array<i32>} : memref<16x1000xf32, #tpu.memory_space<vmem>>, vector<1x16xf32>,
      %get3A_300 = vector.shape_cast %get3A_299 : vector<1x16xf32> to vector<16xf32>
      %ge3A_301 = arith.constant 992 : i32
      %ge3A_302 = arith.cmpi sge, %squeeze3A_267, %ge3A_301 : i32
      %select_n3A_303 = arith.select %ge3A_302, %get3A_242, %get3A_300 : vector<16xf32>
      %jit3A_304 = arith.constant 984 : i32
      %select_n3A_305 = arith.select %ge3A_302, %jit3A_304, %min3A_295 : i32
      %sub3A_306 = arith.subi %squeeze3A_267, %select_n3A_305 : i32
      %eq3A_307 = vector.broadcast %sub3A_306 : i32 to vector<16xi32>
      %eq3A_308 = arith.cmpi eq, %iota3A, %eq3A_307 : vector<16xi32>
      %jit3A_309 = arith.constant 0.000000e+00 : f32
      %broadcast_in_dim3A_310 = vector.broadcast %jit3A_309 : f32 to vector<16xf32>
      %select_n3A_311 = arith.select %eq3A_308, %select_n3A_303, %broadcast_in_dim3A_310 : vector<16xi1>, vector<16xf32>
      %mul3A_312 = arith.constant 16 : i32
      %mul3A_313 = arith.muli %scan3A_18, %mul3A_312 : i32
      %add3A_314 = arith.constant 2 : i32
      %add3A_315 = arith.addi %mul3A_313, %add3A_314 : i32
      %mul3A_316 = arith.constant 16 : i32
      %mul3A_317 = arith.muli %add3A_315, %mul3A_316 : i32
      %swap3A_318 = arith.index_cast %mul3A_317 : i32 to index
      %swap3A_319 = tpu.vector_load %arg9[%swap3A_318] {strides = array<i32>} : memref<2048xf32, #tpu.memory_space<vmem>>, vector<16xf32>,
      %swap3A_320 = vector.shape_cast %swap3A_319 : vector<16xf32> to vector<16xf32>
      %swap3A_321 = vector.shape_cast %max3A_245 : vector<16xf32> to vector<16xf32>
      tpu.vector_store %arg9[%swap3A_318], %swap3A_321 {strides = array<i32>} : memref<2048xf32, #tpu.memory_space<vmem>>, vector<16xf32>,
      %mul3A_322 = arith.constant 16 : i32
      %mul3A_323 = arith.muli %add3A_315, %mul3A_322 : i32
      %swap3A_324 = arith.index_cast %mul3A_323 : i32 to index
      %swap3A_325 = tpu.vector_load %arg10[%swap3A_324] {strides = array<i32>} : memref<2048xf32, #tpu.memory_space<vmem>>, vector<16xf32>,
      %swap3A_326 = vector.shape_cast %swap3A_325 : vector<16xf32> to vector<16xf32>
      %swap3A_327 = vector.shape_cast %add3A_261 : vector<16xf32> to vector<16xf32>
      tpu.vector_store %arg10[%swap3A_324], %swap3A_327 {strides = array<i32>} : memref<2048xf32, #tpu.memory_space<vmem>>, vector<16xf32>,
      %mul3A_328 = arith.constant -0.899899899 : f32
      %mul3A_329 = vector.broadcast %mul3A_328 : f32 to vector<16xf32>
      %mul3A_330 = arith.mulf %mul3A_329, %select_n3A_311 : vector<16xf32>
      %mul3A_331 = arith.constant 1.001001E-4 : f32
      %mul3A_332 = vector.broadcast %mul3A_331 : f32 to vector<16xf32>
      %mul3A_333 = arith.mulf %mul3A_332, %add3A_265 : vector<16xf32>
      %sub3A_334 = arith.subf %mul3A_330, %mul3A_333 : vector<16xf32>
      %mul3A_335 = arith.constant 16 : i32
      %mul3A_336 = arith.muli %add3A_315, %mul3A_335 : i32
      %swap3A_337 = arith.index_cast %mul3A_336 : i32 to index
      %swap3A_338 = tpu.vector_load %arg11[%swap3A_337] {strides = array<i32>} : memref<2048xf32, #tpu.memory_space<vmem>>, vector<16xf32>,
      %swap3A_339 = vector.shape_cast %swap3A_338 : vector<16xf32> to vector<16xf32>
      %swap3A_340 = vector.shape_cast %sub3A_334 : vector<16xf32> to vector<16xf32>
      tpu.vector_store %arg11[%swap3A_337], %swap3A_340 {strides = array<i32>} : memref<2048xf32, #tpu.memory_space<vmem>>, vector<16xf32>,
      %broadcast_in_dim3A_341 = vector.broadcast %scan3A : f32 to vector<16xf32>
      %scan3A_342 = arith.constant 0 : i32
      %scan3A_343 = arith.constant 62 : i32
      %scan3A_344 = arith.addi %scan3A_342, %scan3A_343 : i32
      %scan3A_345 = arith.constant 1 : i32
      %scan3A_346 = scf.for %scan3A_1772 = %scan3A_342 to %scan3A_344 step %scan3A_345 iter_args(%scan3A_1773 = %broadcast_in_dim3A_341) -> (vector<16xf32>)  : i32 {
        %mul3A_1774 = arith.constant 16 : i32
        %mul3A_1775 = arith.muli %scan3A_1772, %mul3A_1774 : i32
        %get3A_1776 = arith.constant 3 : i32
        %get3A_1777 = arith.index_cast %get3A_1776 : i32 to index
        %get3A_1778 = arith.index_cast %mul3A_1775 : i32 to index
        %get3A_1779 = tpu.vector_load %arg7[%get3A_1777, %get3A_1778] {strides = array<i32>} : memref<16x1000xf32, #tpu.memory_space<vmem>>, vector<1x16xf32>,
        %get3A_1780 = vector.shape_cast %get3A_1779 : vector<1x16xf32> to vector<16xf32>
        %max3A_1781 = arith.maximumf %scan3A_1773, %get3A_1780 : vector<16xf32>
        scf.yield %max3A_1781 : vector<16xf32>
      }
      %scan3A_347 = arith.constant 62 : i32
      %get3A_348 = arith.constant 3 : i32
      %get3A_349 = arith.index_cast %get3A_348 : i32 to index
      %get3A_350 = arith.constant 984 : index
      %get3A_351 = tpu.vector_load %arg7[%get3A_349, %get3A_350] {strides = array<i32>} : memref<16x1000xf32, #tpu.memory_space<vmem>>, vector<1x16xf32>,
      %get3A_352 = vector.shape_cast %get3A_351 : vector<1x16xf32> to vector<16xf32>
      %broadcast_in_dim3A_353 = vector.broadcast %scan3A : f32 to vector<16xf32>
      %select_n3A_354 = arith.select %ge3A_4, %get3A_352, %broadcast_in_dim3A_353 : vector<16xi1>, vector<16xf32>
      %max3A_355 = arith.maximumf %scan3A_346, %select_n3A_354 : vector<16xf32>
      %broadcast_in_dim3A_356 = arith.constant 0.000000e+00 : f32
      %broadcast_in_dim3A_357 = vector.broadcast %broadcast_in_dim3A_356 : f32 to vector<16xf32>
      %broadcast_in_dim3A_358 = arith.constant 0.000000e+00 : f32
      %broadcast_in_dim3A_359 = vector.broadcast %broadcast_in_dim3A_358 : f32 to vector<16xf32>
      %scan3A_360 = arith.constant 0 : i32
      %scan3A_361 = arith.constant 62 : i32
      %scan3A_362 = arith.addi %scan3A_360, %scan3A_361 : i32
      %scan3A_363 = arith.constant 1 : i32
      %scan3A_364:2 = scf.for %scan3A_1772 = %scan3A_360 to %scan3A_362 step %scan3A_363 iter_args(%scan3A_1773 = %broadcast_in_dim3A_357, %scan3A_1774 = %broadcast_in_dim3A_359) -> (vector<16xf32>, vector<16xf32>)  : i32 {
        %mul3A_1775 = arith.constant 16 : i32
        %mul3A_1776 = arith.muli %scan3A_1772, %mul3A_1775 : i32
        %get3A_1777 = arith.constant 3 : i32
        %get3A_1778 = arith.index_cast %get3A_1777 : i32 to index
        %get3A_1779 = arith.index_cast %mul3A_1776 : i32 to index
        %get3A_1780 = tpu.vector_load %arg7[%get3A_1778, %get3A_1779] {strides = array<i32>} : memref<16x1000xf32, #tpu.memory_space<vmem>>, vector<1x16xf32>,
        %get3A_1781 = vector.shape_cast %get3A_1780 : vector<1x16xf32> to vector<16xf32>
        %sub3A_1782 = arith.subf %get3A_1781, %max3A_355 : vector<16xf32>
        %exp3A_1783 = math.exp %sub3A_1782 : vector<16xf32>
        %add3A_1784 = arith.addf %scan3A_1773, %exp3A_1783 : vector<16xf32>
        %add3A_1785 = arith.addf %scan3A_1774, %get3A_1781 : vector<16xf32>
        scf.yield %add3A_1784, %add3A_1785 : vector<16xf32>, vector<16xf32>
      }
      %scan3A_365 = arith.constant 62 : i32
      %sub3A_366 = arith.subf %get3A_352, %max3A_355 : vector<16xf32>
      %exp3A_367 = math.exp %sub3A_366 : vector<16xf32>
      %jit3A_368 = arith.constant 0.000000e+00 : f32
      %broadcast_in_dim3A_369 = vector.broadcast %jit3A_368 : f32 to vector<16xf32>
      %select_n3A_370 = arith.select %ge3A_4, %exp3A_367, %broadcast_in_dim3A_369 : vector<16xi1>, vector<16xf32>
      %add3A_371 = arith.addf %scan3A_364#0, %select_n3A_370 : vector<16xf32>
      %jit3A_372 = arith.constant 0.000000e+00 : f32
      %broadcast_in_dim3A_373 = vector.broadcast %jit3A_372 : f32 to vector<16xf32>
      %select_n3A_374 = arith.select %ge3A_4, %get3A_352, %broadcast_in_dim3A_373 : vector<16xi1>, vector<16xf32>
      %add3A_375 = arith.addf %scan3A_364#1, %select_n3A_374 : vector<16xf32>
      %slice3A_376 = vector.extract_strided_slice %get3A_26 {offsets = [3], sizes = [1], strides = [1]} : vector<16xi32> to vector<1xi32>
      %squeeze3A_377 = vector.extract %slice3A_376[0] : i32 from vector<1xi32>
      %jit3A_378 = arith.constant 16 : i32
      %div3A_379 = arith.divsi %squeeze3A_377, %jit3A_378 : i32
      %sign3A_380 = arith.constant 0 : i32
      %sign3A_381 = arith.cmpi sgt, %squeeze3A_377, %sign3A_380 : i32
      %sign3A_382 = arith.extui %sign3A_381 : i1 to i32
      %sign3A_383 = arith.constant 0 : i32
      %sign3A_384 = arith.cmpi slt, %squeeze3A_377, %sign3A_383 : i32
      %sign3A_385 = arith.extui %sign3A_384 : i1 to i32
      %sign3A_386 = arith.subi %sign3A_382, %sign3A_385 : i32
      %sign3A_387 = arith.constant 0 : i32
      %sign3A_388 = arith.cmpi sgt, %jit3A_378, %sign3A_387 : i32
      %sign3A_389 = arith.extui %sign3A_388 : i1 to i32
      %sign3A_390 = arith.constant 0 : i32
      %sign3A_391 = arith.cmpi slt, %jit3A_378, %sign3A_390 : i32
      %sign3A_392 = arith.extui %sign3A_391 : i1 to i32
      %sign3A_393 = arith.subi %sign3A_389, %sign3A_392 : i32
      %ne3A_394 = arith.cmpi ne, %sign3A_386, %sign3A_393 : i32
      %rem3A_395 = arith.remsi %squeeze3A_377, %jit3A_378 : i32
      %ne3A_396 = arith.constant 0 : i32
      %ne3A_397 = arith.cmpi ne, %rem3A_395, %ne3A_396 : i32
      %and3A_398 = arith.andi %ne3A_394, %ne3A_397 : i1
      %sub3A_399 = arith.constant 1 : i32
      %sub3A_400 = arith.subi %div3A_379, %sub3A_399 : i32
      %select_n3A_401 = arith.select %and3A_398, %sub3A_400, %div3A_379 : i32
      %mul3A_402 = arith.constant 16 : i32
      %mul3A_403 = arith.muli %select_n3A_401, %mul3A_402 : i32
      %min3A_404 = arith.constant 976 : i32
      %min3A_405 = arith.minsi %mul3A_403, %min3A_404 : i32
      %get3A_406 = arith.constant 3 : i32
      %get3A_407 = arith.index_cast %get3A_406 : i32 to index
      %get3A_408 = arith.index_cast %min3A_405 : i32 to index
      %get3A_409 = tpu.vector_load %arg7[%get3A_407, %get3A_408] {strides = array<i32>} : memref<16x1000xf32, #tpu.memory_space<vmem>>, vector<1x16xf32>,
      %get3A_410 = vector.shape_cast %get3A_409 : vector<1x16xf32> to vector<16xf32>
      %ge3A_411 = arith.constant 992 : i32
      %ge3A_412 = arith.cmpi sge, %squeeze3A_377, %ge3A_411 : i32
      %select_n3A_413 = arith.select %ge3A_412, %get3A_352, %get3A_410 : vector<16xf32>
      %jit3A_414 = arith.constant 984 : i32
      %select_n3A_415 = arith.select %ge3A_412, %jit3A_414, %min3A_405 : i32
      %sub3A_416 = arith.subi %squeeze3A_377, %select_n3A_415 : i32
      %eq3A_417 = vector.broadcast %sub3A_416 : i32 to vector<16xi32>
      %eq3A_418 = arith.cmpi eq, %iota3A, %eq3A_417 : vector<16xi32>
      %jit3A_419 = arith.constant 0.000000e+00 : f32
      %broadcast_in_dim3A_420 = vector.broadcast %jit3A_419 : f32 to vector<16xf32>
      %select_n3A_421 = arith.select %eq3A_418, %select_n3A_413, %broadcast_in_dim3A_420 : vector<16xi1>, vector<16xf32>
      %mul3A_422 = arith.constant 16 : i32
      %mul3A_423 = arith.muli %scan3A_18, %mul3A_422 : i32
      %add3A_424 = arith.constant 3 : i32
      %add3A_425 = arith.addi %mul3A_423, %add3A_424 : i32
      %mul3A_426 = arith.constant 16 : i32
      %mul3A_427 = arith.muli %add3A_425, %mul3A_426 : i32
      %swap3A_428 = arith.index_cast %mul3A_427 : i32 to index
      %swap3A_429 = tpu.vector_load %arg9[%swap3A_428] {strides = array<i32>} : memref<2048xf32, #tpu.memory_space<vmem>>, vector<16xf32>,
      %swap3A_430 = vector.shape_cast %swap3A_429 : vector<16xf32> to vector<16xf32>
      %swap3A_431 = vector.shape_cast %max3A_355 : vector<16xf32> to vector<16xf32>
      tpu.vector_store %arg9[%swap3A_428], %swap3A_431 {strides = array<i32>} : memref<2048xf32, #tpu.memory_space<vmem>>, vector<16xf32>,
      %mul3A_432 = arith.constant 16 : i32
      %mul3A_433 = arith.muli %add3A_425, %mul3A_432 : i32
      %swap3A_434 = arith.index_cast %mul3A_433 : i32 to index
      %swap3A_435 = tpu.vector_load %arg10[%swap3A_434] {strides = array<i32>} : memref<2048xf32, #tpu.memory_space<vmem>>, vector<16xf32>,
      %swap3A_436 = vector.shape_cast %swap3A_435 : vector<16xf32> to vector<16xf32>
      %swap3A_437 = vector.shape_cast %add3A_371 : vector<16xf32> to vector<16xf32>
      tpu.vector_store %arg10[%swap3A_434], %swap3A_437 {strides = array<i32>} : memref<2048xf32, #tpu.memory_space<vmem>>, vector<16xf32>,
      %mul3A_438 = arith.constant -0.899899899 : f32
      %mul3A_439 = vector.broadcast %mul3A_438 : f32 to vector<16xf32>
      %mul3A_440 = arith.mulf %mul3A_439, %select_n3A_421 : vector<16xf32>
      %mul3A_441 = arith.constant 1.001001E-4 : f32
      %mul3A_442 = vector.broadcast %mul3A_441 : f32 to vector<16xf32>
      %mul3A_443 = arith.mulf %mul3A_442, %add3A_375 : vector<16xf32>
      %sub3A_444 = arith.subf %mul3A_440, %mul3A_443 : vector<16xf32>
      %mul3A_445 = arith.constant 16 : i32
      %mul3A_446 = arith.muli %add3A_425, %mul3A_445 : i32
      %swap3A_447 = arith.index_cast %mul3A_446 : i32 to index
      %swap3A_448 = tpu.vector_load %arg11[%swap3A_447] {strides = array<i32>} : memref<2048xf32, #tpu.memory_space<vmem>>, vector<16xf32>,
      %swap3A_449 = vector.shape_cast %swap3A_448 : vector<16xf32> to vector<16xf32>
      %swap3A_450 = vector.shape_cast %sub3A_444 : vector<16xf32> to vector<16xf32>
      tpu.vector_store %arg11[%swap3A_447], %swap3A_450 {strides = array<i32>} : memref<2048xf32, #tpu.memory_space<vmem>>, vector<16xf32>,
      %broadcast_in_dim3A_451 = vector.broadcast %scan3A : f32 to vector<16xf32>
      %scan3A_452 = arith.constant 0 : i32
      %scan3A_453 = arith.constant 62 : i32
      %scan3A_454 = arith.addi %scan3A_452, %scan3A_453 : i32
      %scan3A_455 = arith.constant 1 : i32
      %scan3A_456 = scf.for %scan3A_1772 = %scan3A_452 to %scan3A_454 step %scan3A_455 iter_args(%scan3A_1773 = %broadcast_in_dim3A_451) -> (vector<16xf32>)  : i32 {
        %mul3A_1774 = arith.constant 16 : i32
        %mul3A_1775 = arith.muli %scan3A_1772, %mul3A_1774 : i32
        %get3A_1776 = arith.constant 4 : i32
        %get3A_1777 = arith.index_cast %get3A_1776 : i32 to index
        %get3A_1778 = arith.index_cast %mul3A_1775 : i32 to index
        %get3A_1779 = tpu.vector_load %arg7[%get3A_1777, %get3A_1778] {strides = array<i32>} : memref<16x1000xf32, #tpu.memory_space<vmem>>, vector<1x16xf32>,
        %get3A_1780 = vector.shape_cast %get3A_1779 : vector<1x16xf32> to vector<16xf32>
        %max3A_1781 = arith.maximumf %scan3A_1773, %get3A_1780 : vector<16xf32>
        scf.yield %max3A_1781 : vector<16xf32>
      }
      %scan3A_457 = arith.constant 62 : i32
      %get3A_458 = arith.constant 4 : i32
      %get3A_459 = arith.index_cast %get3A_458 : i32 to index
      %get3A_460 = arith.constant 984 : index
      %get3A_461 = tpu.vector_load %arg7[%get3A_459, %get3A_460] {strides = array<i32>} : memref<16x1000xf32, #tpu.memory_space<vmem>>, vector<1x16xf32>,
      %get3A_462 = vector.shape_cast %get3A_461 : vector<1x16xf32> to vector<16xf32>
      %broadcast_in_dim3A_463 = vector.broadcast %scan3A : f32 to vector<16xf32>
      %select_n3A_464 = arith.select %ge3A_4, %get3A_462, %broadcast_in_dim3A_463 : vector<16xi1>, vector<16xf32>
      %max3A_465 = arith.maximumf %scan3A_456, %select_n3A_464 : vector<16xf32>
      %broadcast_in_dim3A_466 = arith.constant 0.000000e+00 : f32
      %broadcast_in_dim3A_467 = vector.broadcast %broadcast_in_dim3A_466 : f32 to vector<16xf32>
      %broadcast_in_dim3A_468 = arith.constant 0.000000e+00 : f32
      %broadcast_in_dim3A_469 = vector.broadcast %broadcast_in_dim3A_468 : f32 to vector<16xf32>
      %scan3A_470 = arith.constant 0 : i32
      %scan3A_471 = arith.constant 62 : i32
      %scan3A_472 = arith.addi %scan3A_470, %scan3A_471 : i32
      %scan3A_473 = arith.constant 1 : i32
      %scan3A_474:2 = scf.for %scan3A_1772 = %scan3A_470 to %scan3A_472 step %scan3A_473 iter_args(%scan3A_1773 = %broadcast_in_dim3A_467, %scan3A_1774 = %broadcast_in_dim3A_469) -> (vector<16xf32>, vector<16xf32>)  : i32 {
        %mul3A_1775 = arith.constant 16 : i32
        %mul3A_1776 = arith.muli %scan3A_1772, %mul3A_1775 : i32
        %get3A_1777 = arith.constant 4 : i32
        %get3A_1778 = arith.index_cast %get3A_1777 : i32 to index
        %get3A_1779 = arith.index_cast %mul3A_1776 : i32 to index
        %get3A_1780 = tpu.vector_load %arg7[%get3A_1778, %get3A_1779] {strides = array<i32>} : memref<16x1000xf32, #tpu.memory_space<vmem>>, vector<1x16xf32>,
        %get3A_1781 = vector.shape_cast %get3A_1780 : vector<1x16xf32> to vector<16xf32>
        %sub3A_1782 = arith.subf %get3A_1781, %max3A_465 : vector<16xf32>
        %exp3A_1783 = math.exp %sub3A_1782 : vector<16xf32>
        %add3A_1784 = arith.addf %scan3A_1773, %exp3A_1783 : vector<16xf32>
        %add3A_1785 = arith.addf %scan3A_1774, %get3A_1781 : vector<16xf32>
        scf.yield %add3A_1784, %add3A_1785 : vector<16xf32>, vector<16xf32>
      }
      %scan3A_475 = arith.constant 62 : i32
      %sub3A_476 = arith.subf %get3A_462, %max3A_465 : vector<16xf32>
      %exp3A_477 = math.exp %sub3A_476 : vector<16xf32>
      %jit3A_478 = arith.constant 0.000000e+00 : f32
      %broadcast_in_dim3A_479 = vector.broadcast %jit3A_478 : f32 to vector<16xf32>
      %select_n3A_480 = arith.select %ge3A_4, %exp3A_477, %broadcast_in_dim3A_479 : vector<16xi1>, vector<16xf32>
      %add3A_481 = arith.addf %scan3A_474#0, %select_n3A_480 : vector<16xf32>
      %jit3A_482 = arith.constant 0.000000e+00 : f32
      %broadcast_in_dim3A_483 = vector.broadcast %jit3A_482 : f32 to vector<16xf32>
      %select_n3A_484 = arith.select %ge3A_4, %get3A_462, %broadcast_in_dim3A_483 : vector<16xi1>, vector<16xf32>
      %add3A_485 = arith.addf %scan3A_474#1, %select_n3A_484 : vector<16xf32>
      %slice3A_486 = vector.extract_strided_slice %get3A_26 {offsets = [4], sizes = [1], strides = [1]} : vector<16xi32> to vector<1xi32>
      %squeeze3A_487 = vector.extract %slice3A_486[0] : i32 from vector<1xi32>
      %jit3A_488 = arith.constant 16 : i32
      %div3A_489 = arith.divsi %squeeze3A_487, %jit3A_488 : i32
      %sign3A_490 = arith.constant 0 : i32
      %sign3A_491 = arith.cmpi sgt, %squeeze3A_487, %sign3A_490 : i32
      %sign3A_492 = arith.extui %sign3A_491 : i1 to i32
      %sign3A_493 = arith.constant 0 : i32
      %sign3A_494 = arith.cmpi slt, %squeeze3A_487, %sign3A_493 : i32
      %sign3A_495 = arith.extui %sign3A_494 : i1 to i32
      %sign3A_496 = arith.subi %sign3A_492, %sign3A_495 : i32
      %sign3A_497 = arith.constant 0 : i32
      %sign3A_498 = arith.cmpi sgt, %jit3A_488, %sign3A_497 : i32
      %sign3A_499 = arith.extui %sign3A_498 : i1 to i32
      %sign3A_500 = arith.constant 0 : i32
      %sign3A_501 = arith.cmpi slt, %jit3A_488, %sign3A_500 : i32
      %sign3A_502 = arith.extui %sign3A_501 : i1 to i32
      %sign3A_503 = arith.subi %sign3A_499, %sign3A_502 : i32
      %ne3A_504 = arith.cmpi ne, %sign3A_496, %sign3A_503 : i32
      %rem3A_505 = arith.remsi %squeeze3A_487, %jit3A_488 : i32
      %ne3A_506 = arith.constant 0 : i32
      %ne3A_507 = arith.cmpi ne, %rem3A_505, %ne3A_506 : i32
      %and3A_508 = arith.andi %ne3A_504, %ne3A_507 : i1
      %sub3A_509 = arith.constant 1 : i32
      %sub3A_510 = arith.subi %div3A_489, %sub3A_509 : i32
      %select_n3A_511 = arith.select %and3A_508, %sub3A_510, %div3A_489 : i32
      %mul3A_512 = arith.constant 16 : i32
      %mul3A_513 = arith.muli %select_n3A_511, %mul3A_512 : i32
      %min3A_514 = arith.constant 976 : i32
      %min3A_515 = arith.minsi %mul3A_513, %min3A_514 : i32
      %get3A_516 = arith.constant 4 : i32
      %get3A_517 = arith.index_cast %get3A_516 : i32 to index
      %get3A_518 = arith.index_cast %min3A_515 : i32 to index
      %get3A_519 = tpu.vector_load %arg7[%get3A_517, %get3A_518] {strides = array<i32>} : memref<16x1000xf32, #tpu.memory_space<vmem>>, vector<1x16xf32>,
      %get3A_520 = vector.shape_cast %get3A_519 : vector<1x16xf32> to vector<16xf32>
      %ge3A_521 = arith.constant 992 : i32
      %ge3A_522 = arith.cmpi sge, %squeeze3A_487, %ge3A_521 : i32
      %select_n3A_523 = arith.select %ge3A_522, %get3A_462, %get3A_520 : vector<16xf32>
      %jit3A_524 = arith.constant 984 : i32
      %select_n3A_525 = arith.select %ge3A_522, %jit3A_524, %min3A_515 : i32
      %sub3A_526 = arith.subi %squeeze3A_487, %select_n3A_525 : i32
      %eq3A_527 = vector.broadcast %sub3A_526 : i32 to vector<16xi32>
      %eq3A_528 = arith.cmpi eq, %iota3A, %eq3A_527 : vector<16xi32>
      %jit3A_529 = arith.constant 0.000000e+00 : f32
      %broadcast_in_dim3A_530 = vector.broadcast %jit3A_529 : f32 to vector<16xf32>
      %select_n3A_531 = arith.select %eq3A_528, %select_n3A_523, %broadcast_in_dim3A_530 : vector<16xi1>, vector<16xf32>
      %mul3A_532 = arith.constant 16 : i32
      %mul3A_533 = arith.muli %scan3A_18, %mul3A_532 : i32
      %add3A_534 = arith.constant 4 : i32
      %add3A_535 = arith.addi %mul3A_533, %add3A_534 : i32
      %mul3A_536 = arith.constant 16 : i32
      %mul3A_537 = arith.muli %add3A_535, %mul3A_536 : i32
      %swap3A_538 = arith.index_cast %mul3A_537 : i32 to index
      %swap3A_539 = tpu.vector_load %arg9[%swap3A_538] {strides = array<i32>} : memref<2048xf32, #tpu.memory_space<vmem>>, vector<16xf32>,
      %swap3A_540 = vector.shape_cast %swap3A_539 : vector<16xf32> to vector<16xf32>
      %swap3A_541 = vector.shape_cast %max3A_465 : vector<16xf32> to vector<16xf32>
      tpu.vector_store %arg9[%swap3A_538], %swap3A_541 {strides = array<i32>} : memref<2048xf32, #tpu.memory_space<vmem>>, vector<16xf32>,
      %mul3A_542 = arith.constant 16 : i32
      %mul3A_543 = arith.muli %add3A_535, %mul3A_542 : i32
      %swap3A_544 = arith.index_cast %mul3A_543 : i32 to index
      %swap3A_545 = tpu.vector_load %arg10[%swap3A_544] {strides = array<i32>} : memref<2048xf32, #tpu.memory_space<vmem>>, vector<16xf32>,
      %swap3A_546 = vector.shape_cast %swap3A_545 : vector<16xf32> to vector<16xf32>
      %swap3A_547 = vector.shape_cast %add3A_481 : vector<16xf32> to vector<16xf32>
      tpu.vector_store %arg10[%swap3A_544], %swap3A_547 {strides = array<i32>} : memref<2048xf32, #tpu.memory_space<vmem>>, vector<16xf32>,
      %mul3A_548 = arith.constant -0.899899899 : f32
      %mul3A_549 = vector.broadcast %mul3A_548 : f32 to vector<16xf32>
      %mul3A_550 = arith.mulf %mul3A_549, %select_n3A_531 : vector<16xf32>
      %mul3A_551 = arith.constant 1.001001E-4 : f32
      %mul3A_552 = vector.broadcast %mul3A_551 : f32 to vector<16xf32>
      %mul3A_553 = arith.mulf %mul3A_552, %add3A_485 : vector<16xf32>
      %sub3A_554 = arith.subf %mul3A_550, %mul3A_553 : vector<16xf32>
      %mul3A_555 = arith.constant 16 : i32
      %mul3A_556 = arith.muli %add3A_535, %mul3A_555 : i32
      %swap3A_557 = arith.index_cast %mul3A_556 : i32 to index
      %swap3A_558 = tpu.vector_load %arg11[%swap3A_557] {strides = array<i32>} : memref<2048xf32, #tpu.memory_space<vmem>>, vector<16xf32>,
      %swap3A_559 = vector.shape_cast %swap3A_558 : vector<16xf32> to vector<16xf32>
      %swap3A_560 = vector.shape_cast %sub3A_554 : vector<16xf32> to vector<16xf32>
      tpu.vector_store %arg11[%swap3A_557], %swap3A_560 {strides = array<i32>} : memref<2048xf32, #tpu.memory_space<vmem>>, vector<16xf32>,
      %broadcast_in_dim3A_561 = vector.broadcast %scan3A : f32 to vector<16xf32>
      %scan3A_562 = arith.constant 0 : i32
      %scan3A_563 = arith.constant 62 : i32
      %scan3A_564 = arith.addi %scan3A_562, %scan3A_563 : i32
      %scan3A_565 = arith.constant 1 : i32
      %scan3A_566 = scf.for %scan3A_1772 = %scan3A_562 to %scan3A_564 step %scan3A_565 iter_args(%scan3A_1773 = %broadcast_in_dim3A_561) -> (vector<16xf32>)  : i32 {
        %mul3A_1774 = arith.constant 16 : i32
        %mul3A_1775 = arith.muli %scan3A_1772, %mul3A_1774 : i32
        %get3A_1776 = arith.constant 5 : i32
        %get3A_1777 = arith.index_cast %get3A_1776 : i32 to index
        %get3A_1778 = arith.index_cast %mul3A_1775 : i32 to index
        %get3A_1779 = tpu.vector_load %arg7[%get3A_1777, %get3A_1778] {strides = array<i32>} : memref<16x1000xf32, #tpu.memory_space<vmem>>, vector<1x16xf32>,
        %get3A_1780 = vector.shape_cast %get3A_1779 : vector<1x16xf32> to vector<16xf32>
        %max3A_1781 = arith.maximumf %scan3A_1773, %get3A_1780 : vector<16xf32>
        scf.yield %max3A_1781 : vector<16xf32>
      }
      %scan3A_567 = arith.constant 62 : i32
      %get3A_568 = arith.constant 5 : i32
      %get3A_569 = arith.index_cast %get3A_568 : i32 to index
      %get3A_570 = arith.constant 984 : index
      %get3A_571 = tpu.vector_load %arg7[%get3A_569, %get3A_570] {strides = array<i32>} : memref<16x1000xf32, #tpu.memory_space<vmem>>, vector<1x16xf32>,
      %get3A_572 = vector.shape_cast %get3A_571 : vector<1x16xf32> to vector<16xf32>
      %broadcast_in_dim3A_573 = vector.broadcast %scan3A : f32 to vector<16xf32>
      %select_n3A_574 = arith.select %ge3A_4, %get3A_572, %broadcast_in_dim3A_573 : vector<16xi1>, vector<16xf32>
      %max3A_575 = arith.maximumf %scan3A_566, %select_n3A_574 : vector<16xf32>
      %broadcast_in_dim3A_576 = arith.constant 0.000000e+00 : f32
      %broadcast_in_dim3A_577 = vector.broadcast %broadcast_in_dim3A_576 : f32 to vector<16xf32>
      %broadcast_in_dim3A_578 = arith.constant 0.000000e+00 : f32
      %broadcast_in_dim3A_579 = vector.broadcast %broadcast_in_dim3A_578 : f32 to vector<16xf32>
      %scan3A_580 = arith.constant 0 : i32
      %scan3A_581 = arith.constant 62 : i32
      %scan3A_582 = arith.addi %scan3A_580, %scan3A_581 : i32
      %scan3A_583 = arith.constant 1 : i32
      %scan3A_584:2 = scf.for %scan3A_1772 = %scan3A_580 to %scan3A_582 step %scan3A_583 iter_args(%scan3A_1773 = %broadcast_in_dim3A_577, %scan3A_1774 = %broadcast_in_dim3A_579) -> (vector<16xf32>, vector<16xf32>)  : i32 {
        %mul3A_1775 = arith.constant 16 : i32
        %mul3A_1776 = arith.muli %scan3A_1772, %mul3A_1775 : i32
        %get3A_1777 = arith.constant 5 : i32
        %get3A_1778 = arith.index_cast %get3A_1777 : i32 to index
        %get3A_1779 = arith.index_cast %mul3A_1776 : i32 to index
        %get3A_1780 = tpu.vector_load %arg7[%get3A_1778, %get3A_1779] {strides = array<i32>} : memref<16x1000xf32, #tpu.memory_space<vmem>>, vector<1x16xf32>,
        %get3A_1781 = vector.shape_cast %get3A_1780 : vector<1x16xf32> to vector<16xf32>
        %sub3A_1782 = arith.subf %get3A_1781, %max3A_575 : vector<16xf32>
        %exp3A_1783 = math.exp %sub3A_1782 : vector<16xf32>
        %add3A_1784 = arith.addf %scan3A_1773, %exp3A_1783 : vector<16xf32>
        %add3A_1785 = arith.addf %scan3A_1774, %get3A_1781 : vector<16xf32>
        scf.yield %add3A_1784, %add3A_1785 : vector<16xf32>, vector<16xf32>
      }
      %scan3A_585 = arith.constant 62 : i32
      %sub3A_586 = arith.subf %get3A_572, %max3A_575 : vector<16xf32>
      %exp3A_587 = math.exp %sub3A_586 : vector<16xf32>
      %jit3A_588 = arith.constant 0.000000e+00 : f32
      %broadcast_in_dim3A_589 = vector.broadcast %jit3A_588 : f32 to vector<16xf32>
      %select_n3A_590 = arith.select %ge3A_4, %exp3A_587, %broadcast_in_dim3A_589 : vector<16xi1>, vector<16xf32>
      %add3A_591 = arith.addf %scan3A_584#0, %select_n3A_590 : vector<16xf32>
      %jit3A_592 = arith.constant 0.000000e+00 : f32
      %broadcast_in_dim3A_593 = vector.broadcast %jit3A_592 : f32 to vector<16xf32>
      %select_n3A_594 = arith.select %ge3A_4, %get3A_572, %broadcast_in_dim3A_593 : vector<16xi1>, vector<16xf32>
      %add3A_595 = arith.addf %scan3A_584#1, %select_n3A_594 : vector<16xf32>
      %slice3A_596 = vector.extract_strided_slice %get3A_26 {offsets = [5], sizes = [1], strides = [1]} : vector<16xi32> to vector<1xi32>
      %squeeze3A_597 = vector.extract %slice3A_596[0] : i32 from vector<1xi32>
      %jit3A_598 = arith.constant 16 : i32
      %div3A_599 = arith.divsi %squeeze3A_597, %jit3A_598 : i32
      %sign3A_600 = arith.constant 0 : i32
      %sign3A_601 = arith.cmpi sgt, %squeeze3A_597, %sign3A_600 : i32
      %sign3A_602 = arith.extui %sign3A_601 : i1 to i32
      %sign3A_603 = arith.constant 0 : i32
      %sign3A_604 = arith.cmpi slt, %squeeze3A_597, %sign3A_603 : i32
      %sign3A_605 = arith.extui %sign3A_604 : i1 to i32
      %sign3A_606 = arith.subi %sign3A_602, %sign3A_605 : i32
      %sign3A_607 = arith.constant 0 : i32
      %sign3A_608 = arith.cmpi sgt, %jit3A_598, %sign3A_607 : i32
      %sign3A_609 = arith.extui %sign3A_608 : i1 to i32
      %sign3A_610 = arith.constant 0 : i32
      %sign3A_611 = arith.cmpi slt, %jit3A_598, %sign3A_610 : i32
      %sign3A_612 = arith.extui %sign3A_611 : i1 to i32
      %sign3A_613 = arith.subi %sign3A_609, %sign3A_612 : i32
      %ne3A_614 = arith.cmpi ne, %sign3A_606, %sign3A_613 : i32
      %rem3A_615 = arith.remsi %squeeze3A_597, %jit3A_598 : i32
      %ne3A_616 = arith.constant 0 : i32
      %ne3A_617 = arith.cmpi ne, %rem3A_615, %ne3A_616 : i32
      %and3A_618 = arith.andi %ne3A_614, %ne3A_617 : i1
      %sub3A_619 = arith.constant 1 : i32
      %sub3A_620 = arith.subi %div3A_599, %sub3A_619 : i32
      %select_n3A_621 = arith.select %and3A_618, %sub3A_620, %div3A_599 : i32
      %mul3A_622 = arith.constant 16 : i32
      %mul3A_623 = arith.muli %select_n3A_621, %mul3A_622 : i32
      %min3A_624 = arith.constant 976 : i32
      %min3A_625 = arith.minsi %mul3A_623, %min3A_624 : i32
      %get3A_626 = arith.constant 5 : i32
      %get3A_627 = arith.index_cast %get3A_626 : i32 to index
      %get3A_628 = arith.index_cast %min3A_625 : i32 to index
      %get3A_629 = tpu.vector_load %arg7[%get3A_627, %get3A_628] {strides = array<i32>} : memref<16x1000xf32, #tpu.memory_space<vmem>>, vector<1x16xf32>,
      %get3A_630 = vector.shape_cast %get3A_629 : vector<1x16xf32> to vector<16xf32>
      %ge3A_631 = arith.constant 992 : i32
      %ge3A_632 = arith.cmpi sge, %squeeze3A_597, %ge3A_631 : i32
      %select_n3A_633 = arith.select %ge3A_632, %get3A_572, %get3A_630 : vector<16xf32>
      %jit3A_634 = arith.constant 984 : i32
      %select_n3A_635 = arith.select %ge3A_632, %jit3A_634, %min3A_625 : i32
      %sub3A_636 = arith.subi %squeeze3A_597, %select_n3A_635 : i32
      %eq3A_637 = vector.broadcast %sub3A_636 : i32 to vector<16xi32>
      %eq3A_638 = arith.cmpi eq, %iota3A, %eq3A_637 : vector<16xi32>
      %jit3A_639 = arith.constant 0.000000e+00 : f32
      %broadcast_in_dim3A_640 = vector.broadcast %jit3A_639 : f32 to vector<16xf32>
      %select_n3A_641 = arith.select %eq3A_638, %select_n3A_633, %broadcast_in_dim3A_640 : vector<16xi1>, vector<16xf32>
      %mul3A_642 = arith.constant 16 : i32
      %mul3A_643 = arith.muli %scan3A_18, %mul3A_642 : i32
      %add3A_644 = arith.constant 5 : i32
      %add3A_645 = arith.addi %mul3A_643, %add3A_644 : i32
      %mul3A_646 = arith.constant 16 : i32
      %mul3A_647 = arith.muli %add3A_645, %mul3A_646 : i32
      %swap3A_648 = arith.index_cast %mul3A_647 : i32 to index
      %swap3A_649 = tpu.vector_load %arg9[%swap3A_648] {strides = array<i32>} : memref<2048xf32, #tpu.memory_space<vmem>>, vector<16xf32>,
      %swap3A_650 = vector.shape_cast %swap3A_649 : vector<16xf32> to vector<16xf32>
      %swap3A_651 = vector.shape_cast %max3A_575 : vector<16xf32> to vector<16xf32>
      tpu.vector_store %arg9[%swap3A_648], %swap3A_651 {strides = array<i32>} : memref<2048xf32, #tpu.memory_space<vmem>>, vector<16xf32>,
      %mul3A_652 = arith.constant 16 : i32
      %mul3A_653 = arith.muli %add3A_645, %mul3A_652 : i32
      %swap3A_654 = arith.index_cast %mul3A_653 : i32 to index
      %swap3A_655 = tpu.vector_load %arg10[%swap3A_654] {strides = array<i32>} : memref<2048xf32, #tpu.memory_space<vmem>>, vector<16xf32>,
      %swap3A_656 = vector.shape_cast %swap3A_655 : vector<16xf32> to vector<16xf32>
      %swap3A_657 = vector.shape_cast %add3A_591 : vector<16xf32> to vector<16xf32>
      tpu.vector_store %arg10[%swap3A_654], %swap3A_657 {strides = array<i32>} : memref<2048xf32, #tpu.memory_space<vmem>>, vector<16xf32>,
      %mul3A_658 = arith.constant -0.899899899 : f32
      %mul3A_659 = vector.broadcast %mul3A_658 : f32 to vector<16xf32>
      %mul3A_660 = arith.mulf %mul3A_659, %select_n3A_641 : vector<16xf32>
      %mul3A_661 = arith.constant 1.001001E-4 : f32
      %mul3A_662 = vector.broadcast %mul3A_661 : f32 to vector<16xf32>
      %mul3A_663 = arith.mulf %mul3A_662, %add3A_595 : vector<16xf32>
      %sub3A_664 = arith.subf %mul3A_660, %mul3A_663 : vector<16xf32>
      %mul3A_665 = arith.constant 16 : i32
      %mul3A_666 = arith.muli %add3A_645, %mul3A_665 : i32
      %swap3A_667 = arith.index_cast %mul3A_666 : i32 to index
      %swap3A_668 = tpu.vector_load %arg11[%swap3A_667] {strides = array<i32>} : memref<2048xf32, #tpu.memory_space<vmem>>, vector<16xf32>,
      %swap3A_669 = vector.shape_cast %swap3A_668 : vector<16xf32> to vector<16xf32>
      %swap3A_670 = vector.shape_cast %sub3A_664 : vector<16xf32> to vector<16xf32>
      tpu.vector_store %arg11[%swap3A_667], %swap3A_670 {strides = array<i32>} : memref<2048xf32, #tpu.memory_space<vmem>>, vector<16xf32>,
      %broadcast_in_dim3A_671 = vector.broadcast %scan3A : f32 to vector<16xf32>
      %scan3A_672 = arith.constant 0 : i32
      %scan3A_673 = arith.constant 62 : i32
      %scan3A_674 = arith.addi %scan3A_672, %scan3A_673 : i32
      %scan3A_675 = arith.constant 1 : i32
      %scan3A_676 = scf.for %scan3A_1772 = %scan3A_672 to %scan3A_674 step %scan3A_675 iter_args(%scan3A_1773 = %broadcast_in_dim3A_671) -> (vector<16xf32>)  : i32 {
        %mul3A_1774 = arith.constant 16 : i32
        %mul3A_1775 = arith.muli %scan3A_1772, %mul3A_1774 : i32
        %get3A_1776 = arith.constant 6 : i32
        %get3A_1777 = arith.index_cast %get3A_1776 : i32 to index
        %get3A_1778 = arith.index_cast %mul3A_1775 : i32 to index
        %get3A_1779 = tpu.vector_load %arg7[%get3A_1777, %get3A_1778] {strides = array<i32>} : memref<16x1000xf32, #tpu.memory_space<vmem>>, vector<1x16xf32>,
        %get3A_1780 = vector.shape_cast %get3A_1779 : vector<1x16xf32> to vector<16xf32>
        %max3A_1781 = arith.maximumf %scan3A_1773, %get3A_1780 : vector<16xf32>
        scf.yield %max3A_1781 : vector<16xf32>
      }
      %scan3A_677 = arith.constant 62 : i32
      %get3A_678 = arith.constant 6 : i32
      %get3A_679 = arith.index_cast %get3A_678 : i32 to index
      %get3A_680 = arith.constant 984 : index
      %get3A_681 = tpu.vector_load %arg7[%get3A_679, %get3A_680] {strides = array<i32>} : memref<16x1000xf32, #tpu.memory_space<vmem>>, vector<1x16xf32>,
      %get3A_682 = vector.shape_cast %get3A_681 : vector<1x16xf32> to vector<16xf32>
      %broadcast_in_dim3A_683 = vector.broadcast %scan3A : f32 to vector<16xf32>
      %select_n3A_684 = arith.select %ge3A_4, %get3A_682, %broadcast_in_dim3A_683 : vector<16xi1>, vector<16xf32>
      %max3A_685 = arith.maximumf %scan3A_676, %select_n3A_684 : vector<16xf32>
      %broadcast_in_dim3A_686 = arith.constant 0.000000e+00 : f32
      %broadcast_in_dim3A_687 = vector.broadcast %broadcast_in_dim3A_686 : f32 to vector<16xf32>
      %broadcast_in_dim3A_688 = arith.constant 0.000000e+00 : f32
      %broadcast_in_dim3A_689 = vector.broadcast %broadcast_in_dim3A_688 : f32 to vector<16xf32>
      %scan3A_690 = arith.constant 0 : i32
      %scan3A_691 = arith.constant 62 : i32
      %scan3A_692 = arith.addi %scan3A_690, %scan3A_691 : i32
      %scan3A_693 = arith.constant 1 : i32
      %scan3A_694:2 = scf.for %scan3A_1772 = %scan3A_690 to %scan3A_692 step %scan3A_693 iter_args(%scan3A_1773 = %broadcast_in_dim3A_687, %scan3A_1774 = %broadcast_in_dim3A_689) -> (vector<16xf32>, vector<16xf32>)  : i32 {
        %mul3A_1775 = arith.constant 16 : i32
        %mul3A_1776 = arith.muli %scan3A_1772, %mul3A_1775 : i32
        %get3A_1777 = arith.constant 6 : i32
        %get3A_1778 = arith.index_cast %get3A_1777 : i32 to index
        %get3A_1779 = arith.index_cast %mul3A_1776 : i32 to index
        %get3A_1780 = tpu.vector_load %arg7[%get3A_1778, %get3A_1779] {strides = array<i32>} : memref<16x1000xf32, #tpu.memory_space<vmem>>, vector<1x16xf32>,
        %get3A_1781 = vector.shape_cast %get3A_1780 : vector<1x16xf32> to vector<16xf32>
        %sub3A_1782 = arith.subf %get3A_1781, %max3A_685 : vector<16xf32>
        %exp3A_1783 = math.exp %sub3A_1782 : vector<16xf32>
        %add3A_1784 = arith.addf %scan3A_1773, %exp3A_1783 : vector<16xf32>
        %add3A_1785 = arith.addf %scan3A_1774, %get3A_1781 : vector<16xf32>
        scf.yield %add3A_1784, %add3A_1785 : vector<16xf32>, vector<16xf32>
      }
      %scan3A_695 = arith.constant 62 : i32
      %sub3A_696 = arith.subf %get3A_682, %max3A_685 : vector<16xf32>
      %exp3A_697 = math.exp %sub3A_696 : vector<16xf32>
      %jit3A_698 = arith.constant 0.000000e+00 : f32
      %broadcast_in_dim3A_699 = vector.broadcast %jit3A_698 : f32 to vector<16xf32>
      %select_n3A_700 = arith.select %ge3A_4, %exp3A_697, %broadcast_in_dim3A_699 : vector<16xi1>, vector<16xf32>
      %add3A_701 = arith.addf %scan3A_694#0, %select_n3A_700 : vector<16xf32>
      %jit3A_702 = arith.constant 0.000000e+00 : f32
      %broadcast_in_dim3A_703 = vector.broadcast %jit3A_702 : f32 to vector<16xf32>
      %select_n3A_704 = arith.select %ge3A_4, %get3A_682, %broadcast_in_dim3A_703 : vector<16xi1>, vector<16xf32>
      %add3A_705 = arith.addf %scan3A_694#1, %select_n3A_704 : vector<16xf32>
      %slice3A_706 = vector.extract_strided_slice %get3A_26 {offsets = [6], sizes = [1], strides = [1]} : vector<16xi32> to vector<1xi32>
      %squeeze3A_707 = vector.extract %slice3A_706[0] : i32 from vector<1xi32>
      %jit3A_708 = arith.constant 16 : i32
      %div3A_709 = arith.divsi %squeeze3A_707, %jit3A_708 : i32
      %sign3A_710 = arith.constant 0 : i32
      %sign3A_711 = arith.cmpi sgt, %squeeze3A_707, %sign3A_710 : i32
      %sign3A_712 = arith.extui %sign3A_711 : i1 to i32
      %sign3A_713 = arith.constant 0 : i32
      %sign3A_714 = arith.cmpi slt, %squeeze3A_707, %sign3A_713 : i32
      %sign3A_715 = arith.extui %sign3A_714 : i1 to i32
      %sign3A_716 = arith.subi %sign3A_712, %sign3A_715 : i32
      %sign3A_717 = arith.constant 0 : i32
      %sign3A_718 = arith.cmpi sgt, %jit3A_708, %sign3A_717 : i32
      %sign3A_719 = arith.extui %sign3A_718 : i1 to i32
      %sign3A_720 = arith.constant 0 : i32
      %sign3A_721 = arith.cmpi slt, %jit3A_708, %sign3A_720 : i32
      %sign3A_722 = arith.extui %sign3A_721 : i1 to i32
      %sign3A_723 = arith.subi %sign3A_719, %sign3A_722 : i32
      %ne3A_724 = arith.cmpi ne, %sign3A_716, %sign3A_723 : i32
      %rem3A_725 = arith.remsi %squeeze3A_707, %jit3A_708 : i32
      %ne3A_726 = arith.constant 0 : i32
      %ne3A_727 = arith.cmpi ne, %rem3A_725, %ne3A_726 : i32
      %and3A_728 = arith.andi %ne3A_724, %ne3A_727 : i1
      %sub3A_729 = arith.constant 1 : i32
      %sub3A_730 = arith.subi %div3A_709, %sub3A_729 : i32
      %select_n3A_731 = arith.select %and3A_728, %sub3A_730, %div3A_709 : i32
      %mul3A_732 = arith.constant 16 : i32
      %mul3A_733 = arith.muli %select_n3A_731, %mul3A_732 : i32
      %min3A_734 = arith.constant 976 : i32
      %min3A_735 = arith.minsi %mul3A_733, %min3A_734 : i32
      %get3A_736 = arith.constant 6 : i32
      %get3A_737 = arith.index_cast %get3A_736 : i32 to index
      %get3A_738 = arith.index_cast %min3A_735 : i32 to index
      %get3A_739 = tpu.vector_load %arg7[%get3A_737, %get3A_738] {strides = array<i32>} : memref<16x1000xf32, #tpu.memory_space<vmem>>, vector<1x16xf32>,
      %get3A_740 = vector.shape_cast %get3A_739 : vector<1x16xf32> to vector<16xf32>
      %ge3A_741 = arith.constant 992 : i32
      %ge3A_742 = arith.cmpi sge, %squeeze3A_707, %ge3A_741 : i32
      %select_n3A_743 = arith.select %ge3A_742, %get3A_682, %get3A_740 : vector<16xf32>
      %jit3A_744 = arith.constant 984 : i32
      %select_n3A_745 = arith.select %ge3A_742, %jit3A_744, %min3A_735 : i32
      %sub3A_746 = arith.subi %squeeze3A_707, %select_n3A_745 : i32
      %eq3A_747 = vector.broadcast %sub3A_746 : i32 to vector<16xi32>
      %eq3A_748 = arith.cmpi eq, %iota3A, %eq3A_747 : vector<16xi32>
      %jit3A_749 = arith.constant 0.000000e+00 : f32
      %broadcast_in_dim3A_750 = vector.broadcast %jit3A_749 : f32 to vector<16xf32>
      %select_n3A_751 = arith.select %eq3A_748, %select_n3A_743, %broadcast_in_dim3A_750 : vector<16xi1>, vector<16xf32>
      %mul3A_752 = arith.constant 16 : i32
      %mul3A_753 = arith.muli %scan3A_18, %mul3A_752 : i32
      %add3A_754 = arith.constant 6 : i32
      %add3A_755 = arith.addi %mul3A_753, %add3A_754 : i32
      %mul3A_756 = arith.constant 16 : i32
      %mul3A_757 = arith.muli %add3A_755, %mul3A_756 : i32
      %swap3A_758 = arith.index_cast %mul3A_757 : i32 to index
      %swap3A_759 = tpu.vector_load %arg9[%swap3A_758] {strides = array<i32>} : memref<2048xf32, #tpu.memory_space<vmem>>, vector<16xf32>,
      %swap3A_760 = vector.shape_cast %swap3A_759 : vector<16xf32> to vector<16xf32>
      %swap3A_761 = vector.shape_cast %max3A_685 : vector<16xf32> to vector<16xf32>
      tpu.vector_store %arg9[%swap3A_758], %swap3A_761 {strides = array<i32>} : memref<2048xf32, #tpu.memory_space<vmem>>, vector<16xf32>,
      %mul3A_762 = arith.constant 16 : i32
      %mul3A_763 = arith.muli %add3A_755, %mul3A_762 : i32
      %swap3A_764 = arith.index_cast %mul3A_763 : i32 to index
      %swap3A_765 = tpu.vector_load %arg10[%swap3A_764] {strides = array<i32>} : memref<2048xf32, #tpu.memory_space<vmem>>, vector<16xf32>,
      %swap3A_766 = vector.shape_cast %swap3A_765 : vector<16xf32> to vector<16xf32>
      %swap3A_767 = vector.shape_cast %add3A_701 : vector<16xf32> to vector<16xf32>
      tpu.vector_store %arg10[%swap3A_764], %swap3A_767 {strides = array<i32>} : memref<2048xf32, #tpu.memory_space<vmem>>, vector<16xf32>,
      %mul3A_768 = arith.constant -0.899899899 : f32
      %mul3A_769 = vector.broadcast %mul3A_768 : f32 to vector<16xf32>
      %mul3A_770 = arith.mulf %mul3A_769, %select_n3A_751 : vector<16xf32>
      %mul3A_771 = arith.constant 1.001001E-4 : f32
      %mul3A_772 = vector.broadcast %mul3A_771 : f32 to vector<16xf32>
      %mul3A_773 = arith.mulf %mul3A_772, %add3A_705 : vector<16xf32>
      %sub3A_774 = arith.subf %mul3A_770, %mul3A_773 : vector<16xf32>
      %mul3A_775 = arith.constant 16 : i32
      %mul3A_776 = arith.muli %add3A_755, %mul3A_775 : i32
      %swap3A_777 = arith.index_cast %mul3A_776 : i32 to index
      %swap3A_778 = tpu.vector_load %arg11[%swap3A_777] {strides = array<i32>} : memref<2048xf32, #tpu.memory_space<vmem>>, vector<16xf32>,
      %swap3A_779 = vector.shape_cast %swap3A_778 : vector<16xf32> to vector<16xf32>
      %swap3A_780 = vector.shape_cast %sub3A_774 : vector<16xf32> to vector<16xf32>
      tpu.vector_store %arg11[%swap3A_777], %swap3A_780 {strides = array<i32>} : memref<2048xf32, #tpu.memory_space<vmem>>, vector<16xf32>,
      %broadcast_in_dim3A_781 = vector.broadcast %scan3A : f32 to vector<16xf32>
      %scan3A_782 = arith.constant 0 : i32
      %scan3A_783 = arith.constant 62 : i32
      %scan3A_784 = arith.addi %scan3A_782, %scan3A_783 : i32
      %scan3A_785 = arith.constant 1 : i32
      %scan3A_786 = scf.for %scan3A_1772 = %scan3A_782 to %scan3A_784 step %scan3A_785 iter_args(%scan3A_1773 = %broadcast_in_dim3A_781) -> (vector<16xf32>)  : i32 {
        %mul3A_1774 = arith.constant 16 : i32
        %mul3A_1775 = arith.muli %scan3A_1772, %mul3A_1774 : i32
        %get3A_1776 = arith.constant 7 : i32
        %get3A_1777 = arith.index_cast %get3A_1776 : i32 to index
        %get3A_1778 = arith.index_cast %mul3A_1775 : i32 to index
        %get3A_1779 = tpu.vector_load %arg7[%get3A_1777, %get3A_1778] {strides = array<i32>} : memref<16x1000xf32, #tpu.memory_space<vmem>>, vector<1x16xf32>,
        %get3A_1780 = vector.shape_cast %get3A_1779 : vector<1x16xf32> to vector<16xf32>
        %max3A_1781 = arith.maximumf %scan3A_1773, %get3A_1780 : vector<16xf32>
        scf.yield %max3A_1781 : vector<16xf32>
      }
      %scan3A_787 = arith.constant 62 : i32
      %get3A_788 = arith.constant 7 : i32
      %get3A_789 = arith.index_cast %get3A_788 : i32 to index
      %get3A_790 = arith.constant 984 : index
      %get3A_791 = tpu.vector_load %arg7[%get3A_789, %get3A_790] {strides = array<i32>} : memref<16x1000xf32, #tpu.memory_space<vmem>>, vector<1x16xf32>,
      %get3A_792 = vector.shape_cast %get3A_791 : vector<1x16xf32> to vector<16xf32>
      %broadcast_in_dim3A_793 = vector.broadcast %scan3A : f32 to vector<16xf32>
      %select_n3A_794 = arith.select %ge3A_4, %get3A_792, %broadcast_in_dim3A_793 : vector<16xi1>, vector<16xf32>
      %max3A_795 = arith.maximumf %scan3A_786, %select_n3A_794 : vector<16xf32>
      %broadcast_in_dim3A_796 = arith.constant 0.000000e+00 : f32
      %broadcast_in_dim3A_797 = vector.broadcast %broadcast_in_dim3A_796 : f32 to vector<16xf32>
      %broadcast_in_dim3A_798 = arith.constant 0.000000e+00 : f32
      %broadcast_in_dim3A_799 = vector.broadcast %broadcast_in_dim3A_798 : f32 to vector<16xf32>
      %scan3A_800 = arith.constant 0 : i32
      %scan3A_801 = arith.constant 62 : i32
      %scan3A_802 = arith.addi %scan3A_800, %scan3A_801 : i32
      %scan3A_803 = arith.constant 1 : i32
      %scan3A_804:2 = scf.for %scan3A_1772 = %scan3A_800 to %scan3A_802 step %scan3A_803 iter_args(%scan3A_1773 = %broadcast_in_dim3A_797, %scan3A_1774 = %broadcast_in_dim3A_799) -> (vector<16xf32>, vector<16xf32>)  : i32 {
        %mul3A_1775 = arith.constant 16 : i32
        %mul3A_1776 = arith.muli %scan3A_1772, %mul3A_1775 : i32
        %get3A_1777 = arith.constant 7 : i32
        %get3A_1778 = arith.index_cast %get3A_1777 : i32 to index
        %get3A_1779 = arith.index_cast %mul3A_1776 : i32 to index
        %get3A_1780 = tpu.vector_load %arg7[%get3A_1778, %get3A_1779] {strides = array<i32>} : memref<16x1000xf32, #tpu.memory_space<vmem>>, vector<1x16xf32>,
        %get3A_1781 = vector.shape_cast %get3A_1780 : vector<1x16xf32> to vector<16xf32>
        %sub3A_1782 = arith.subf %get3A_1781, %max3A_795 : vector<16xf32>
        %exp3A_1783 = math.exp %sub3A_1782 : vector<16xf32>
        %add3A_1784 = arith.addf %scan3A_1773, %exp3A_1783 : vector<16xf32>
        %add3A_1785 = arith.addf %scan3A_1774, %get3A_1781 : vector<16xf32>
        scf.yield %add3A_1784, %add3A_1785 : vector<16xf32>, vector<16xf32>
      }
      %scan3A_805 = arith.constant 62 : i32
      %sub3A_806 = arith.subf %get3A_792, %max3A_795 : vector<16xf32>
      %exp3A_807 = math.exp %sub3A_806 : vector<16xf32>
      %jit3A_808 = arith.constant 0.000000e+00 : f32
      %broadcast_in_dim3A_809 = vector.broadcast %jit3A_808 : f32 to vector<16xf32>
      %select_n3A_810 = arith.select %ge3A_4, %exp3A_807, %broadcast_in_dim3A_809 : vector<16xi1>, vector<16xf32>
      %add3A_811 = arith.addf %scan3A_804#0, %select_n3A_810 : vector<16xf32>
      %jit3A_812 = arith.constant 0.000000e+00 : f32
      %broadcast_in_dim3A_813 = vector.broadcast %jit3A_812 : f32 to vector<16xf32>
      %select_n3A_814 = arith.select %ge3A_4, %get3A_792, %broadcast_in_dim3A_813 : vector<16xi1>, vector<16xf32>
      %add3A_815 = arith.addf %scan3A_804#1, %select_n3A_814 : vector<16xf32>
      %slice3A_816 = vector.extract_strided_slice %get3A_26 {offsets = [7], sizes = [1], strides = [1]} : vector<16xi32> to vector<1xi32>
      %squeeze3A_817 = vector.extract %slice3A_816[0] : i32 from vector<1xi32>
      %jit3A_818 = arith.constant 16 : i32
      %div3A_819 = arith.divsi %squeeze3A_817, %jit3A_818 : i32
      %sign3A_820 = arith.constant 0 : i32
      %sign3A_821 = arith.cmpi sgt, %squeeze3A_817, %sign3A_820 : i32
      %sign3A_822 = arith.extui %sign3A_821 : i1 to i32
      %sign3A_823 = arith.constant 0 : i32
      %sign3A_824 = arith.cmpi slt, %squeeze3A_817, %sign3A_823 : i32
      %sign3A_825 = arith.extui %sign3A_824 : i1 to i32
      %sign3A_826 = arith.subi %sign3A_822, %sign3A_825 : i32
      %sign3A_827 = arith.constant 0 : i32
      %sign3A_828 = arith.cmpi sgt, %jit3A_818, %sign3A_827 : i32
      %sign3A_829 = arith.extui %sign3A_828 : i1 to i32
      %sign3A_830 = arith.constant 0 : i32
      %sign3A_831 = arith.cmpi slt, %jit3A_818, %sign3A_830 : i32
      %sign3A_832 = arith.extui %sign3A_831 : i1 to i32
      %sign3A_833 = arith.subi %sign3A_829, %sign3A_832 : i32
      %ne3A_834 = arith.cmpi ne, %sign3A_826, %sign3A_833 : i32
      %rem3A_835 = arith.remsi %squeeze3A_817, %jit3A_818 : i32
      %ne3A_836 = arith.constant 0 : i32
      %ne3A_837 = arith.cmpi ne, %rem3A_835, %ne3A_836 : i32
      %and3A_838 = arith.andi %ne3A_834, %ne3A_837 : i1
      %sub3A_839 = arith.constant 1 : i32
      %sub3A_840 = arith.subi %div3A_819, %sub3A_839 : i32
      %select_n3A_841 = arith.select %and3A_838, %sub3A_840, %div3A_819 : i32
      %mul3A_842 = arith.constant 16 : i32
      %mul3A_843 = arith.muli %select_n3A_841, %mul3A_842 : i32
      %min3A_844 = arith.constant 976 : i32
      %min3A_845 = arith.minsi %mul3A_843, %min3A_844 : i32
      %get3A_846 = arith.constant 7 : i32
      %get3A_847 = arith.index_cast %get3A_846 : i32 to index
      %get3A_848 = arith.index_cast %min3A_845 : i32 to index
      %get3A_849 = tpu.vector_load %arg7[%get3A_847, %get3A_848] {strides = array<i32>} : memref<16x1000xf32, #tpu.memory_space<vmem>>, vector<1x16xf32>,
      %get3A_850 = vector.shape_cast %get3A_849 : vector<1x16xf32> to vector<16xf32>
      %ge3A_851 = arith.constant 992 : i32
      %ge3A_852 = arith.cmpi sge, %squeeze3A_817, %ge3A_851 : i32
      %select_n3A_853 = arith.select %ge3A_852, %get3A_792, %get3A_850 : vector<16xf32>
      %jit3A_854 = arith.constant 984 : i32
      %select_n3A_855 = arith.select %ge3A_852, %jit3A_854, %min3A_845 : i32
      %sub3A_856 = arith.subi %squeeze3A_817, %select_n3A_855 : i32
      %eq3A_857 = vector.broadcast %sub3A_856 : i32 to vector<16xi32>
      %eq3A_858 = arith.cmpi eq, %iota3A, %eq3A_857 : vector<16xi32>
      %jit3A_859 = arith.constant 0.000000e+00 : f32
      %broadcast_in_dim3A_860 = vector.broadcast %jit3A_859 : f32 to vector<16xf32>
      %select_n3A_861 = arith.select %eq3A_858, %select_n3A_853, %broadcast_in_dim3A_860 : vector<16xi1>, vector<16xf32>
      %mul3A_862 = arith.constant 16 : i32
      %mul3A_863 = arith.muli %scan3A_18, %mul3A_862 : i32
      %add3A_864 = arith.constant 7 : i32
      %add3A_865 = arith.addi %mul3A_863, %add3A_864 : i32
      %mul3A_866 = arith.constant 16 : i32
      %mul3A_867 = arith.muli %add3A_865, %mul3A_866 : i32
      %swap3A_868 = arith.index_cast %mul3A_867 : i32 to index
      %swap3A_869 = tpu.vector_load %arg9[%swap3A_868] {strides = array<i32>} : memref<2048xf32, #tpu.memory_space<vmem>>, vector<16xf32>,
      %swap3A_870 = vector.shape_cast %swap3A_869 : vector<16xf32> to vector<16xf32>
      %swap3A_871 = vector.shape_cast %max3A_795 : vector<16xf32> to vector<16xf32>
      tpu.vector_store %arg9[%swap3A_868], %swap3A_871 {strides = array<i32>} : memref<2048xf32, #tpu.memory_space<vmem>>, vector<16xf32>,
      %mul3A_872 = arith.constant 16 : i32
      %mul3A_873 = arith.muli %add3A_865, %mul3A_872 : i32
      %swap3A_874 = arith.index_cast %mul3A_873 : i32 to index
      %swap3A_875 = tpu.vector_load %arg10[%swap3A_874] {strides = array<i32>} : memref<2048xf32, #tpu.memory_space<vmem>>, vector<16xf32>,
      %swap3A_876 = vector.shape_cast %swap3A_875 : vector<16xf32> to vector<16xf32>
      %swap3A_877 = vector.shape_cast %add3A_811 : vector<16xf32> to vector<16xf32>
      tpu.vector_store %arg10[%swap3A_874], %swap3A_877 {strides = array<i32>} : memref<2048xf32, #tpu.memory_space<vmem>>, vector<16xf32>,
      %mul3A_878 = arith.constant -0.899899899 : f32
      %mul3A_879 = vector.broadcast %mul3A_878 : f32 to vector<16xf32>
      %mul3A_880 = arith.mulf %mul3A_879, %select_n3A_861 : vector<16xf32>
      %mul3A_881 = arith.constant 1.001001E-4 : f32
      %mul3A_882 = vector.broadcast %mul3A_881 : f32 to vector<16xf32>
      %mul3A_883 = arith.mulf %mul3A_882, %add3A_815 : vector<16xf32>
      %sub3A_884 = arith.subf %mul3A_880, %mul3A_883 : vector<16xf32>
      %mul3A_885 = arith.constant 16 : i32
      %mul3A_886 = arith.muli %add3A_865, %mul3A_885 : i32
      %swap3A_887 = arith.index_cast %mul3A_886 : i32 to index
      %swap3A_888 = tpu.vector_load %arg11[%swap3A_887] {strides = array<i32>} : memref<2048xf32, #tpu.memory_space<vmem>>, vector<16xf32>,
      %swap3A_889 = vector.shape_cast %swap3A_888 : vector<16xf32> to vector<16xf32>
      %swap3A_890 = vector.shape_cast %sub3A_884 : vector<16xf32> to vector<16xf32>
      tpu.vector_store %arg11[%swap3A_887], %swap3A_890 {strides = array<i32>} : memref<2048xf32, #tpu.memory_space<vmem>>, vector<16xf32>,
      %broadcast_in_dim3A_891 = vector.broadcast %scan3A : f32 to vector<16xf32>
      %scan3A_892 = arith.constant 0 : i32
      %scan3A_893 = arith.constant 62 : i32
      %scan3A_894 = arith.addi %scan3A_892, %scan3A_893 : i32
      %scan3A_895 = arith.constant 1 : i32
      %scan3A_896 = scf.for %scan3A_1772 = %scan3A_892 to %scan3A_894 step %scan3A_895 iter_args(%scan3A_1773 = %broadcast_in_dim3A_891) -> (vector<16xf32>)  : i32 {
        %mul3A_1774 = arith.constant 16 : i32
        %mul3A_1775 = arith.muli %scan3A_1772, %mul3A_1774 : i32
        %get3A_1776 = arith.constant 8 : i32
        %get3A_1777 = arith.index_cast %get3A_1776 : i32 to index
        %get3A_1778 = arith.index_cast %mul3A_1775 : i32 to index
        %get3A_1779 = tpu.vector_load %arg7[%get3A_1777, %get3A_1778] {strides = array<i32>} : memref<16x1000xf32, #tpu.memory_space<vmem>>, vector<1x16xf32>,
        %get3A_1780 = vector.shape_cast %get3A_1779 : vector<1x16xf32> to vector<16xf32>
        %max3A_1781 = arith.maximumf %scan3A_1773, %get3A_1780 : vector<16xf32>
        scf.yield %max3A_1781 : vector<16xf32>
      }
      %scan3A_897 = arith.constant 62 : i32
      %get3A_898 = arith.constant 8 : i32
      %get3A_899 = arith.index_cast %get3A_898 : i32 to index
      %get3A_900 = arith.constant 984 : index
      %get3A_901 = tpu.vector_load %arg7[%get3A_899, %get3A_900] {strides = array<i32>} : memref<16x1000xf32, #tpu.memory_space<vmem>>, vector<1x16xf32>,
      %get3A_902 = vector.shape_cast %get3A_901 : vector<1x16xf32> to vector<16xf32>
      %broadcast_in_dim3A_903 = vector.broadcast %scan3A : f32 to vector<16xf32>
      %select_n3A_904 = arith.select %ge3A_4, %get3A_902, %broadcast_in_dim3A_903 : vector<16xi1>, vector<16xf32>
      %max3A_905 = arith.maximumf %scan3A_896, %select_n3A_904 : vector<16xf32>
      %broadcast_in_dim3A_906 = arith.constant 0.000000e+00 : f32
      %broadcast_in_dim3A_907 = vector.broadcast %broadcast_in_dim3A_906 : f32 to vector<16xf32>
      %broadcast_in_dim3A_908 = arith.constant 0.000000e+00 : f32
      %broadcast_in_dim3A_909 = vector.broadcast %broadcast_in_dim3A_908 : f32 to vector<16xf32>
      %scan3A_910 = arith.constant 0 : i32
      %scan3A_911 = arith.constant 62 : i32
      %scan3A_912 = arith.addi %scan3A_910, %scan3A_911 : i32
      %scan3A_913 = arith.constant 1 : i32
      %scan3A_914:2 = scf.for %scan3A_1772 = %scan3A_910 to %scan3A_912 step %scan3A_913 iter_args(%scan3A_1773 = %broadcast_in_dim3A_907, %scan3A_1774 = %broadcast_in_dim3A_909) -> (vector<16xf32>, vector<16xf32>)  : i32 {
        %mul3A_1775 = arith.constant 16 : i32
        %mul3A_1776 = arith.muli %scan3A_1772, %mul3A_1775 : i32
        %get3A_1777 = arith.constant 8 : i32
        %get3A_1778 = arith.index_cast %get3A_1777 : i32 to index
        %get3A_1779 = arith.index_cast %mul3A_1776 : i32 to index
        %get3A_1780 = tpu.vector_load %arg7[%get3A_1778, %get3A_1779] {strides = array<i32>} : memref<16x1000xf32, #tpu.memory_space<vmem>>, vector<1x16xf32>,
        %get3A_1781 = vector.shape_cast %get3A_1780 : vector<1x16xf32> to vector<16xf32>
        %sub3A_1782 = arith.subf %get3A_1781, %max3A_905 : vector<16xf32>
        %exp3A_1783 = math.exp %sub3A_1782 : vector<16xf32>
        %add3A_1784 = arith.addf %scan3A_1773, %exp3A_1783 : vector<16xf32>
        %add3A_1785 = arith.addf %scan3A_1774, %get3A_1781 : vector<16xf32>
        scf.yield %add3A_1784, %add3A_1785 : vector<16xf32>, vector<16xf32>
      }
      %scan3A_915 = arith.constant 62 : i32
      %sub3A_916 = arith.subf %get3A_902, %max3A_905 : vector<16xf32>
      %exp3A_917 = math.exp %sub3A_916 : vector<16xf32>
      %jit3A_918 = arith.constant 0.000000e+00 : f32
      %broadcast_in_dim3A_919 = vector.broadcast %jit3A_918 : f32 to vector<16xf32>
      %select_n3A_920 = arith.select %ge3A_4, %exp3A_917, %broadcast_in_dim3A_919 : vector<16xi1>, vector<16xf32>
      %add3A_921 = arith.addf %scan3A_914#0, %select_n3A_920 : vector<16xf32>
      %jit3A_922 = arith.constant 0.000000e+00 : f32
      %broadcast_in_dim3A_923 = vector.broadcast %jit3A_922 : f32 to vector<16xf32>
      %select_n3A_924 = arith.select %ge3A_4, %get3A_902, %broadcast_in_dim3A_923 : vector<16xi1>, vector<16xf32>
      %add3A_925 = arith.addf %scan3A_914#1, %select_n3A_924 : vector<16xf32>
      %slice3A_926 = vector.extract_strided_slice %get3A_26 {offsets = [8], sizes = [1], strides = [1]} : vector<16xi32> to vector<1xi32>
      %squeeze3A_927 = vector.extract %slice3A_926[0] : i32 from vector<1xi32>
      %jit3A_928 = arith.constant 16 : i32
      %div3A_929 = arith.divsi %squeeze3A_927, %jit3A_928 : i32
      %sign3A_930 = arith.constant 0 : i32
      %sign3A_931 = arith.cmpi sgt, %squeeze3A_927, %sign3A_930 : i32
      %sign3A_932 = arith.extui %sign3A_931 : i1 to i32
      %sign3A_933 = arith.constant 0 : i32
      %sign3A_934 = arith.cmpi slt, %squeeze3A_927, %sign3A_933 : i32
      %sign3A_935 = arith.extui %sign3A_934 : i1 to i32
      %sign3A_936 = arith.subi %sign3A_932, %sign3A_935 : i32
      %sign3A_937 = arith.constant 0 : i32
      %sign3A_938 = arith.cmpi sgt, %jit3A_928, %sign3A_937 : i32
      %sign3A_939 = arith.extui %sign3A_938 : i1 to i32
      %sign3A_940 = arith.constant 0 : i32
      %sign3A_941 = arith.cmpi slt, %jit3A_928, %sign3A_940 : i32
      %sign3A_942 = arith.extui %sign3A_941 : i1 to i32
      %sign3A_943 = arith.subi %sign3A_939, %sign3A_942 : i32
      %ne3A_944 = arith.cmpi ne, %sign3A_936, %sign3A_943 : i32
      %rem3A_945 = arith.remsi %squeeze3A_927, %jit3A_928 : i32
      %ne3A_946 = arith.constant 0 : i32
      %ne3A_947 = arith.cmpi ne, %rem3A_945, %ne3A_946 : i32
      %and3A_948 = arith.andi %ne3A_944, %ne3A_947 : i1
      %sub3A_949 = arith.constant 1 : i32
      %sub3A_950 = arith.subi %div3A_929, %sub3A_949 : i32
      %select_n3A_951 = arith.select %and3A_948, %sub3A_950, %div3A_929 : i32
      %mul3A_952 = arith.constant 16 : i32
      %mul3A_953 = arith.muli %select_n3A_951, %mul3A_952 : i32
      %min3A_954 = arith.constant 976 : i32
      %min3A_955 = arith.minsi %mul3A_953, %min3A_954 : i32
      %get3A_956 = arith.constant 8 : i32
      %get3A_957 = arith.index_cast %get3A_956 : i32 to index
      %get3A_958 = arith.index_cast %min3A_955 : i32 to index
      %get3A_959 = tpu.vector_load %arg7[%get3A_957, %get3A_958] {strides = array<i32>} : memref<16x1000xf32, #tpu.memory_space<vmem>>, vector<1x16xf32>,
      %get3A_960 = vector.shape_cast %get3A_959 : vector<1x16xf32> to vector<16xf32>
      %ge3A_961 = arith.constant 992 : i32
      %ge3A_962 = arith.cmpi sge, %squeeze3A_927, %ge3A_961 : i32
      %select_n3A_963 = arith.select %ge3A_962, %get3A_902, %get3A_960 : vector<16xf32>
      %jit3A_964 = arith.constant 984 : i32
      %select_n3A_965 = arith.select %ge3A_962, %jit3A_964, %min3A_955 : i32
      %sub3A_966 = arith.subi %squeeze3A_927, %select_n3A_965 : i32
      %eq3A_967 = vector.broadcast %sub3A_966 : i32 to vector<16xi32>
      %eq3A_968 = arith.cmpi eq, %iota3A, %eq3A_967 : vector<16xi32>
      %jit3A_969 = arith.constant 0.000000e+00 : f32
      %broadcast_in_dim3A_970 = vector.broadcast %jit3A_969 : f32 to vector<16xf32>
      %select_n3A_971 = arith.select %eq3A_968, %select_n3A_963, %broadcast_in_dim3A_970 : vector<16xi1>, vector<16xf32>
      %mul3A_972 = arith.constant 16 : i32
      %mul3A_973 = arith.muli %scan3A_18, %mul3A_972 : i32
      %add3A_974 = arith.constant 8 : i32
      %add3A_975 = arith.addi %mul3A_973, %add3A_974 : i32
      %mul3A_976 = arith.constant 16 : i32
      %mul3A_977 = arith.muli %add3A_975, %mul3A_976 : i32
      %swap3A_978 = arith.index_cast %mul3A_977 : i32 to index
      %swap3A_979 = tpu.vector_load %arg9[%swap3A_978] {strides = array<i32>} : memref<2048xf32, #tpu.memory_space<vmem>>, vector<16xf32>,
      %swap3A_980 = vector.shape_cast %swap3A_979 : vector<16xf32> to vector<16xf32>
      %swap3A_981 = vector.shape_cast %max3A_905 : vector<16xf32> to vector<16xf32>
      tpu.vector_store %arg9[%swap3A_978], %swap3A_981 {strides = array<i32>} : memref<2048xf32, #tpu.memory_space<vmem>>, vector<16xf32>,
      %mul3A_982 = arith.constant 16 : i32
      %mul3A_983 = arith.muli %add3A_975, %mul3A_982 : i32
      %swap3A_984 = arith.index_cast %mul3A_983 : i32 to index
      %swap3A_985 = tpu.vector_load %arg10[%swap3A_984] {strides = array<i32>} : memref<2048xf32, #tpu.memory_space<vmem>>, vector<16xf32>,
      %swap3A_986 = vector.shape_cast %swap3A_985 : vector<16xf32> to vector<16xf32>
      %swap3A_987 = vector.shape_cast %add3A_921 : vector<16xf32> to vector<16xf32>
      tpu.vector_store %arg10[%swap3A_984], %swap3A_987 {strides = array<i32>} : memref<2048xf32, #tpu.memory_space<vmem>>, vector<16xf32>,
      %mul3A_988 = arith.constant -0.899899899 : f32
      %mul3A_989 = vector.broadcast %mul3A_988 : f32 to vector<16xf32>
      %mul3A_990 = arith.mulf %mul3A_989, %select_n3A_971 : vector<16xf32>
      %mul3A_991 = arith.constant 1.001001E-4 : f32
      %mul3A_992 = vector.broadcast %mul3A_991 : f32 to vector<16xf32>
      %mul3A_993 = arith.mulf %mul3A_992, %add3A_925 : vector<16xf32>
      %sub3A_994 = arith.subf %mul3A_990, %mul3A_993 : vector<16xf32>
      %mul3A_995 = arith.constant 16 : i32
      %mul3A_996 = arith.muli %add3A_975, %mul3A_995 : i32
      %swap3A_997 = arith.index_cast %mul3A_996 : i32 to index
      %swap3A_998 = tpu.vector_load %arg11[%swap3A_997] {strides = array<i32>} : memref<2048xf32, #tpu.memory_space<vmem>>, vector<16xf32>,
      %swap3A_999 = vector.shape_cast %swap3A_998 : vector<16xf32> to vector<16xf32>
      %swap3A_1000 = vector.shape_cast %sub3A_994 : vector<16xf32> to vector<16xf32>
      tpu.vector_store %arg11[%swap3A_997], %swap3A_1000 {strides = array<i32>} : memref<2048xf32, #tpu.memory_space<vmem>>, vector<16xf32>,
      %broadcast_in_dim3A_1001 = vector.broadcast %scan3A : f32 to vector<16xf32>
      %scan3A_1002 = arith.constant 0 : i32
      %scan3A_1003 = arith.constant 62 : i32
      %scan3A_1004 = arith.addi %scan3A_1002, %scan3A_1003 : i32
      %scan3A_1005 = arith.constant 1 : i32
      %scan3A_1006 = scf.for %scan3A_1772 = %scan3A_1002 to %scan3A_1004 step %scan3A_1005 iter_args(%scan3A_1773 = %broadcast_in_dim3A_1001) -> (vector<16xf32>)  : i32 {
        %mul3A_1774 = arith.constant 16 : i32
        %mul3A_1775 = arith.muli %scan3A_1772, %mul3A_1774 : i32
        %get3A_1776 = arith.constant 9 : i32
        %get3A_1777 = arith.index_cast %get3A_1776 : i32 to index
        %get3A_1778 = arith.index_cast %mul3A_1775 : i32 to index
        %get3A_1779 = tpu.vector_load %arg7[%get3A_1777, %get3A_1778] {strides = array<i32>} : memref<16x1000xf32, #tpu.memory_space<vmem>>, vector<1x16xf32>,
        %get3A_1780 = vector.shape_cast %get3A_1779 : vector<1x16xf32> to vector<16xf32>
        %max3A_1781 = arith.maximumf %scan3A_1773, %get3A_1780 : vector<16xf32>
        scf.yield %max3A_1781 : vector<16xf32>
      }
      %scan3A_1007 = arith.constant 62 : i32
      %get3A_1008 = arith.constant 9 : i32
      %get3A_1009 = arith.index_cast %get3A_1008 : i32 to index
      %get3A_1010 = arith.constant 984 : index
      %get3A_1011 = tpu.vector_load %arg7[%get3A_1009, %get3A_1010] {strides = array<i32>} : memref<16x1000xf32, #tpu.memory_space<vmem>>, vector<1x16xf32>,
      %get3A_1012 = vector.shape_cast %get3A_1011 : vector<1x16xf32> to vector<16xf32>
      %broadcast_in_dim3A_1013 = vector.broadcast %scan3A : f32 to vector<16xf32>
      %select_n3A_1014 = arith.select %ge3A_4, %get3A_1012, %broadcast_in_dim3A_1013 : vector<16xi1>, vector<16xf32>
      %max3A_1015 = arith.maximumf %scan3A_1006, %select_n3A_1014 : vector<16xf32>
      %broadcast_in_dim3A_1016 = arith.constant 0.000000e+00 : f32
      %broadcast_in_dim3A_1017 = vector.broadcast %broadcast_in_dim3A_1016 : f32 to vector<16xf32>
      %broadcast_in_dim3A_1018 = arith.constant 0.000000e+00 : f32
      %broadcast_in_dim3A_1019 = vector.broadcast %broadcast_in_dim3A_1018 : f32 to vector<16xf32>
      %scan3A_1020 = arith.constant 0 : i32
      %scan3A_1021 = arith.constant 62 : i32
      %scan3A_1022 = arith.addi %scan3A_1020, %scan3A_1021 : i32
      %scan3A_1023 = arith.constant 1 : i32
      %scan3A_1024:2 = scf.for %scan3A_1772 = %scan3A_1020 to %scan3A_1022 step %scan3A_1023 iter_args(%scan3A_1773 = %broadcast_in_dim3A_1017, %scan3A_1774 = %broadcast_in_dim3A_1019) -> (vector<16xf32>, vector<16xf32>)  : i32 {
        %mul3A_1775 = arith.constant 16 : i32
        %mul3A_1776 = arith.muli %scan3A_1772, %mul3A_1775 : i32
        %get3A_1777 = arith.constant 9 : i32
        %get3A_1778 = arith.index_cast %get3A_1777 : i32 to index
        %get3A_1779 = arith.index_cast %mul3A_1776 : i32 to index
        %get3A_1780 = tpu.vector_load %arg7[%get3A_1778, %get3A_1779] {strides = array<i32>} : memref<16x1000xf32, #tpu.memory_space<vmem>>, vector<1x16xf32>,
        %get3A_1781 = vector.shape_cast %get3A_1780 : vector<1x16xf32> to vector<16xf32>
        %sub3A_1782 = arith.subf %get3A_1781, %max3A_1015 : vector<16xf32>
        %exp3A_1783 = math.exp %sub3A_1782 : vector<16xf32>
        %add3A_1784 = arith.addf %scan3A_1773, %exp3A_1783 : vector<16xf32>
        %add3A_1785 = arith.addf %scan3A_1774, %get3A_1781 : vector<16xf32>
        scf.yield %add3A_1784, %add3A_1785 : vector<16xf32>, vector<16xf32>
      }
      %scan3A_1025 = arith.constant 62 : i32
      %sub3A_1026 = arith.subf %get3A_1012, %max3A_1015 : vector<16xf32>
      %exp3A_1027 = math.exp %sub3A_1026 : vector<16xf32>
      %jit3A_1028 = arith.constant 0.000000e+00 : f32
      %broadcast_in_dim3A_1029 = vector.broadcast %jit3A_1028 : f32 to vector<16xf32>
      %select_n3A_1030 = arith.select %ge3A_4, %exp3A_1027, %broadcast_in_dim3A_1029 : vector<16xi1>, vector<16xf32>
      %add3A_1031 = arith.addf %scan3A_1024#0, %select_n3A_1030 : vector<16xf32>
      %jit3A_1032 = arith.constant 0.000000e+00 : f32
      %broadcast_in_dim3A_1033 = vector.broadcast %jit3A_1032 : f32 to vector<16xf32>
      %select_n3A_1034 = arith.select %ge3A_4, %get3A_1012, %broadcast_in_dim3A_1033 : vector<16xi1>, vector<16xf32>
      %add3A_1035 = arith.addf %scan3A_1024#1, %select_n3A_1034 : vector<16xf32>
      %slice3A_1036 = vector.extract_strided_slice %get3A_26 {offsets = [9], sizes = [1], strides = [1]} : vector<16xi32> to vector<1xi32>
      %squeeze3A_1037 = vector.extract %slice3A_1036[0] : i32 from vector<1xi32>
      %jit3A_1038 = arith.constant 16 : i32
      %div3A_1039 = arith.divsi %squeeze3A_1037, %jit3A_1038 : i32
      %sign3A_1040 = arith.constant 0 : i32
      %sign3A_1041 = arith.cmpi sgt, %squeeze3A_1037, %sign3A_1040 : i32
      %sign3A_1042 = arith.extui %sign3A_1041 : i1 to i32
      %sign3A_1043 = arith.constant 0 : i32
      %sign3A_1044 = arith.cmpi slt, %squeeze3A_1037, %sign3A_1043 : i32
      %sign3A_1045 = arith.extui %sign3A_1044 : i1 to i32
      %sign3A_1046 = arith.subi %sign3A_1042, %sign3A_1045 : i32
      %sign3A_1047 = arith.constant 0 : i32
      %sign3A_1048 = arith.cmpi sgt, %jit3A_1038, %sign3A_1047 : i32
      %sign3A_1049 = arith.extui %sign3A_1048 : i1 to i32
      %sign3A_1050 = arith.constant 0 : i32
      %sign3A_1051 = arith.cmpi slt, %jit3A_1038, %sign3A_1050 : i32
      %sign3A_1052 = arith.extui %sign3A_1051 : i1 to i32
      %sign3A_1053 = arith.subi %sign3A_1049, %sign3A_1052 : i32
      %ne3A_1054 = arith.cmpi ne, %sign3A_1046, %sign3A_1053 : i32
      %rem3A_1055 = arith.remsi %squeeze3A_1037, %jit3A_1038 : i32
      %ne3A_1056 = arith.constant 0 : i32
      %ne3A_1057 = arith.cmpi ne, %rem3A_1055, %ne3A_1056 : i32
      %and3A_1058 = arith.andi %ne3A_1054, %ne3A_1057 : i1
      %sub3A_1059 = arith.constant 1 : i32
      %sub3A_1060 = arith.subi %div3A_1039, %sub3A_1059 : i32
      %select_n3A_1061 = arith.select %and3A_1058, %sub3A_1060, %div3A_1039 : i32
      %mul3A_1062 = arith.constant 16 : i32
      %mul3A_1063 = arith.muli %select_n3A_1061, %mul3A_1062 : i32
      %min3A_1064 = arith.constant 976 : i32
      %min3A_1065 = arith.minsi %mul3A_1063, %min3A_1064 : i32
      %get3A_1066 = arith.constant 9 : i32
      %get3A_1067 = arith.index_cast %get3A_1066 : i32 to index
      %get3A_1068 = arith.index_cast %min3A_1065 : i32 to index
      %get3A_1069 = tpu.vector_load %arg7[%get3A_1067, %get3A_1068] {strides = array<i32>} : memref<16x1000xf32, #tpu.memory_space<vmem>>, vector<1x16xf32>,
      %get3A_1070 = vector.shape_cast %get3A_1069 : vector<1x16xf32> to vector<16xf32>
      %ge3A_1071 = arith.constant 992 : i32
      %ge3A_1072 = arith.cmpi sge, %squeeze3A_1037, %ge3A_1071 : i32
      %select_n3A_1073 = arith.select %ge3A_1072, %get3A_1012, %get3A_1070 : vector<16xf32>
      %jit3A_1074 = arith.constant 984 : i32
      %select_n3A_1075 = arith.select %ge3A_1072, %jit3A_1074, %min3A_1065 : i32
      %sub3A_1076 = arith.subi %squeeze3A_1037, %select_n3A_1075 : i32
      %eq3A_1077 = vector.broadcast %sub3A_1076 : i32 to vector<16xi32>
      %eq3A_1078 = arith.cmpi eq, %iota3A, %eq3A_1077 : vector<16xi32>
      %jit3A_1079 = arith.constant 0.000000e+00 : f32
      %broadcast_in_dim3A_1080 = vector.broadcast %jit3A_1079 : f32 to vector<16xf32>
      %select_n3A_1081 = arith.select %eq3A_1078, %select_n3A_1073, %broadcast_in_dim3A_1080 : vector<16xi1>, vector<16xf32>
      %mul3A_1082 = arith.constant 16 : i32
      %mul3A_1083 = arith.muli %scan3A_18, %mul3A_1082 : i32
      %add3A_1084 = arith.constant 9 : i32
      %add3A_1085 = arith.addi %mul3A_1083, %add3A_1084 : i32
      %mul3A_1086 = arith.constant 16 : i32
      %mul3A_1087 = arith.muli %add3A_1085, %mul3A_1086 : i32
      %swap3A_1088 = arith.index_cast %mul3A_1087 : i32 to index
      %swap3A_1089 = tpu.vector_load %arg9[%swap3A_1088] {strides = array<i32>} : memref<2048xf32, #tpu.memory_space<vmem>>, vector<16xf32>,
      %swap3A_1090 = vector.shape_cast %swap3A_1089 : vector<16xf32> to vector<16xf32>
      %swap3A_1091 = vector.shape_cast %max3A_1015 : vector<16xf32> to vector<16xf32>
      tpu.vector_store %arg9[%swap3A_1088], %swap3A_1091 {strides = array<i32>} : memref<2048xf32, #tpu.memory_space<vmem>>, vector<16xf32>,
      %mul3A_1092 = arith.constant 16 : i32
      %mul3A_1093 = arith.muli %add3A_1085, %mul3A_1092 : i32
      %swap3A_1094 = arith.index_cast %mul3A_1093 : i32 to index
      %swap3A_1095 = tpu.vector_load %arg10[%swap3A_1094] {strides = array<i32>} : memref<2048xf32, #tpu.memory_space<vmem>>, vector<16xf32>,
      %swap3A_1096 = vector.shape_cast %swap3A_1095 : vector<16xf32> to vector<16xf32>
      %swap3A_1097 = vector.shape_cast %add3A_1031 : vector<16xf32> to vector<16xf32>
      tpu.vector_store %arg10[%swap3A_1094], %swap3A_1097 {strides = array<i32>} : memref<2048xf32, #tpu.memory_space<vmem>>, vector<16xf32>,
      %mul3A_1098 = arith.constant -0.899899899 : f32
      %mul3A_1099 = vector.broadcast %mul3A_1098 : f32 to vector<16xf32>
      %mul3A_1100 = arith.mulf %mul3A_1099, %select_n3A_1081 : vector<16xf32>
      %mul3A_1101 = arith.constant 1.001001E-4 : f32
      %mul3A_1102 = vector.broadcast %mul3A_1101 : f32 to vector<16xf32>
      %mul3A_1103 = arith.mulf %mul3A_1102, %add3A_1035 : vector<16xf32>
      %sub3A_1104 = arith.subf %mul3A_1100, %mul3A_1103 : vector<16xf32>
      %mul3A_1105 = arith.constant 16 : i32
      %mul3A_1106 = arith.muli %add3A_1085, %mul3A_1105 : i32
      %swap3A_1107 = arith.index_cast %mul3A_1106 : i32 to index
      %swap3A_1108 = tpu.vector_load %arg11[%swap3A_1107] {strides = array<i32>} : memref<2048xf32, #tpu.memory_space<vmem>>, vector<16xf32>,
      %swap3A_1109 = vector.shape_cast %swap3A_1108 : vector<16xf32> to vector<16xf32>
      %swap3A_1110 = vector.shape_cast %sub3A_1104 : vector<16xf32> to vector<16xf32>
      tpu.vector_store %arg11[%swap3A_1107], %swap3A_1110 {strides = array<i32>} : memref<2048xf32, #tpu.memory_space<vmem>>, vector<16xf32>,
      %broadcast_in_dim3A_1111 = vector.broadcast %scan3A : f32 to vector<16xf32>
      %scan3A_1112 = arith.constant 0 : i32
      %scan3A_1113 = arith.constant 62 : i32
      %scan3A_1114 = arith.addi %scan3A_1112, %scan3A_1113 : i32
      %scan3A_1115 = arith.constant 1 : i32
      %scan3A_1116 = scf.for %scan3A_1772 = %scan3A_1112 to %scan3A_1114 step %scan3A_1115 iter_args(%scan3A_1773 = %broadcast_in_dim3A_1111) -> (vector<16xf32>)  : i32 {
        %mul3A_1774 = arith.constant 16 : i32
        %mul3A_1775 = arith.muli %scan3A_1772, %mul3A_1774 : i32
        %get3A_1776 = arith.constant 10 : i32
        %get3A_1777 = arith.index_cast %get3A_1776 : i32 to index
        %get3A_1778 = arith.index_cast %mul3A_1775 : i32 to index
        %get3A_1779 = tpu.vector_load %arg7[%get3A_1777, %get3A_1778] {strides = array<i32>} : memref<16x1000xf32, #tpu.memory_space<vmem>>, vector<1x16xf32>,
        %get3A_1780 = vector.shape_cast %get3A_1779 : vector<1x16xf32> to vector<16xf32>
        %max3A_1781 = arith.maximumf %scan3A_1773, %get3A_1780 : vector<16xf32>
        scf.yield %max3A_1781 : vector<16xf32>
      }
      %scan3A_1117 = arith.constant 62 : i32
      %get3A_1118 = arith.constant 10 : i32
      %get3A_1119 = arith.index_cast %get3A_1118 : i32 to index
      %get3A_1120 = arith.constant 984 : index
      %get3A_1121 = tpu.vector_load %arg7[%get3A_1119, %get3A_1120] {strides = array<i32>} : memref<16x1000xf32, #tpu.memory_space<vmem>>, vector<1x16xf32>,
      %get3A_1122 = vector.shape_cast %get3A_1121 : vector<1x16xf32> to vector<16xf32>
      %broadcast_in_dim3A_1123 = vector.broadcast %scan3A : f32 to vector<16xf32>
      %select_n3A_1124 = arith.select %ge3A_4, %get3A_1122, %broadcast_in_dim3A_1123 : vector<16xi1>, vector<16xf32>
      %max3A_1125 = arith.maximumf %scan3A_1116, %select_n3A_1124 : vector<16xf32>
      %broadcast_in_dim3A_1126 = arith.constant 0.000000e+00 : f32
      %broadcast_in_dim3A_1127 = vector.broadcast %broadcast_in_dim3A_1126 : f32 to vector<16xf32>
      %broadcast_in_dim3A_1128 = arith.constant 0.000000e+00 : f32
      %broadcast_in_dim3A_1129 = vector.broadcast %broadcast_in_dim3A_1128 : f32 to vector<16xf32>
      %scan3A_1130 = arith.constant 0 : i32
      %scan3A_1131 = arith.constant 62 : i32
      %scan3A_1132 = arith.addi %scan3A_1130, %scan3A_1131 : i32
      %scan3A_1133 = arith.constant 1 : i32
      %scan3A_1134:2 = scf.for %scan3A_1772 = %scan3A_1130 to %scan3A_1132 step %scan3A_1133 iter_args(%scan3A_1773 = %broadcast_in_dim3A_1127, %scan3A_1774 = %broadcast_in_dim3A_1129) -> (vector<16xf32>, vector<16xf32>)  : i32 {
        %mul3A_1775 = arith.constant 16 : i32
        %mul3A_1776 = arith.muli %scan3A_1772, %mul3A_1775 : i32
        %get3A_1777 = arith.constant 10 : i32
        %get3A_1778 = arith.index_cast %get3A_1777 : i32 to index
        %get3A_1779 = arith.index_cast %mul3A_1776 : i32 to index
        %get3A_1780 = tpu.vector_load %arg7[%get3A_1778, %get3A_1779] {strides = array<i32>} : memref<16x1000xf32, #tpu.memory_space<vmem>>, vector<1x16xf32>,
        %get3A_1781 = vector.shape_cast %get3A_1780 : vector<1x16xf32> to vector<16xf32>
        %sub3A_1782 = arith.subf %get3A_1781, %max3A_1125 : vector<16xf32>
        %exp3A_1783 = math.exp %sub3A_1782 : vector<16xf32>
        %add3A_1784 = arith.addf %scan3A_1773, %exp3A_1783 : vector<16xf32>
        %add3A_1785 = arith.addf %scan3A_1774, %get3A_1781 : vector<16xf32>
        scf.yield %add3A_1784, %add3A_1785 : vector<16xf32>, vector<16xf32>
      }
      %scan3A_1135 = arith.constant 62 : i32
      %sub3A_1136 = arith.subf %get3A_1122, %max3A_1125 : vector<16xf32>
      %exp3A_1137 = math.exp %sub3A_1136 : vector<16xf32>
      %jit3A_1138 = arith.constant 0.000000e+00 : f32
      %broadcast_in_dim3A_1139 = vector.broadcast %jit3A_1138 : f32 to vector<16xf32>
      %select_n3A_1140 = arith.select %ge3A_4, %exp3A_1137, %broadcast_in_dim3A_1139 : vector<16xi1>, vector<16xf32>
      %add3A_1141 = arith.addf %scan3A_1134#0, %select_n3A_1140 : vector<16xf32>
      %jit3A_1142 = arith.constant 0.000000e+00 : f32
      %broadcast_in_dim3A_1143 = vector.broadcast %jit3A_1142 : f32 to vector<16xf32>
      %select_n3A_1144 = arith.select %ge3A_4, %get3A_1122, %broadcast_in_dim3A_1143 : vector<16xi1>, vector<16xf32>
      %add3A_1145 = arith.addf %scan3A_1134#1, %select_n3A_1144 : vector<16xf32>
      %slice3A_1146 = vector.extract_strided_slice %get3A_26 {offsets = [10], sizes = [1], strides = [1]} : vector<16xi32> to vector<1xi32>
      %squeeze3A_1147 = vector.extract %slice3A_1146[0] : i32 from vector<1xi32>
      %jit3A_1148 = arith.constant 16 : i32
      %div3A_1149 = arith.divsi %squeeze3A_1147, %jit3A_1148 : i32
      %sign3A_1150 = arith.constant 0 : i32
      %sign3A_1151 = arith.cmpi sgt, %squeeze3A_1147, %sign3A_1150 : i32
      %sign3A_1152 = arith.extui %sign3A_1151 : i1 to i32
      %sign3A_1153 = arith.constant 0 : i32
      %sign3A_1154 = arith.cmpi slt, %squeeze3A_1147, %sign3A_1153 : i32
      %sign3A_1155 = arith.extui %sign3A_1154 : i1 to i32
      %sign3A_1156 = arith.subi %sign3A_1152, %sign3A_1155 : i32
      %sign3A_1157 = arith.constant 0 : i32
      %sign3A_1158 = arith.cmpi sgt, %jit3A_1148, %sign3A_1157 : i32
      %sign3A_1159 = arith.extui %sign3A_1158 : i1 to i32
      %sign3A_1160 = arith.constant 0 : i32
      %sign3A_1161 = arith.cmpi slt, %jit3A_1148, %sign3A_1160 : i32
      %sign3A_1162 = arith.extui %sign3A_1161 : i1 to i32
      %sign3A_1163 = arith.subi %sign3A_1159, %sign3A_1162 : i32
      %ne3A_1164 = arith.cmpi ne, %sign3A_1156, %sign3A_1163 : i32
      %rem3A_1165 = arith.remsi %squeeze3A_1147, %jit3A_1148 : i32
      %ne3A_1166 = arith.constant 0 : i32
      %ne3A_1167 = arith.cmpi ne, %rem3A_1165, %ne3A_1166 : i32
      %and3A_1168 = arith.andi %ne3A_1164, %ne3A_1167 : i1
      %sub3A_1169 = arith.constant 1 : i32
      %sub3A_1170 = arith.subi %div3A_1149, %sub3A_1169 : i32
      %select_n3A_1171 = arith.select %and3A_1168, %sub3A_1170, %div3A_1149 : i32
      %mul3A_1172 = arith.constant 16 : i32
      %mul3A_1173 = arith.muli %select_n3A_1171, %mul3A_1172 : i32
      %min3A_1174 = arith.constant 976 : i32
      %min3A_1175 = arith.minsi %mul3A_1173, %min3A_1174 : i32
      %get3A_1176 = arith.constant 10 : i32
      %get3A_1177 = arith.index_cast %get3A_1176 : i32 to index
      %get3A_1178 = arith.index_cast %min3A_1175 : i32 to index
      %get3A_1179 = tpu.vector_load %arg7[%get3A_1177, %get3A_1178] {strides = array<i32>} : memref<16x1000xf32, #tpu.memory_space<vmem>>, vector<1x16xf32>,
      %get3A_1180 = vector.shape_cast %get3A_1179 : vector<1x16xf32> to vector<16xf32>
      %ge3A_1181 = arith.constant 992 : i32
      %ge3A_1182 = arith.cmpi sge, %squeeze3A_1147, %ge3A_1181 : i32
      %select_n3A_1183 = arith.select %ge3A_1182, %get3A_1122, %get3A_1180 : vector<16xf32>
      %jit3A_1184 = arith.constant 984 : i32
      %select_n3A_1185 = arith.select %ge3A_1182, %jit3A_1184, %min3A_1175 : i32
      %sub3A_1186 = arith.subi %squeeze3A_1147, %select_n3A_1185 : i32
      %eq3A_1187 = vector.broadcast %sub3A_1186 : i32 to vector<16xi32>
      %eq3A_1188 = arith.cmpi eq, %iota3A, %eq3A_1187 : vector<16xi32>
      %jit3A_1189 = arith.constant 0.000000e+00 : f32
      %broadcast_in_dim3A_1190 = vector.broadcast %jit3A_1189 : f32 to vector<16xf32>
      %select_n3A_1191 = arith.select %eq3A_1188, %select_n3A_1183, %broadcast_in_dim3A_1190 : vector<16xi1>, vector<16xf32>
      %mul3A_1192 = arith.constant 16 : i32
      %mul3A_1193 = arith.muli %scan3A_18, %mul3A_1192 : i32
      %add3A_1194 = arith.constant 10 : i32
      %add3A_1195 = arith.addi %mul3A_1193, %add3A_1194 : i32
      %mul3A_1196 = arith.constant 16 : i32
      %mul3A_1197 = arith.muli %add3A_1195, %mul3A_1196 : i32
      %swap3A_1198 = arith.index_cast %mul3A_1197 : i32 to index
      %swap3A_1199 = tpu.vector_load %arg9[%swap3A_1198] {strides = array<i32>} : memref<2048xf32, #tpu.memory_space<vmem>>, vector<16xf32>,
      %swap3A_1200 = vector.shape_cast %swap3A_1199 : vector<16xf32> to vector<16xf32>
      %swap3A_1201 = vector.shape_cast %max3A_1125 : vector<16xf32> to vector<16xf32>
      tpu.vector_store %arg9[%swap3A_1198], %swap3A_1201 {strides = array<i32>} : memref<2048xf32, #tpu.memory_space<vmem>>, vector<16xf32>,
      %mul3A_1202 = arith.constant 16 : i32
      %mul3A_1203 = arith.muli %add3A_1195, %mul3A_1202 : i32
      %swap3A_1204 = arith.index_cast %mul3A_1203 : i32 to index
      %swap3A_1205 = tpu.vector_load %arg10[%swap3A_1204] {strides = array<i32>} : memref<2048xf32, #tpu.memory_space<vmem>>, vector<16xf32>,
      %swap3A_1206 = vector.shape_cast %swap3A_1205 : vector<16xf32> to vector<16xf32>
      %swap3A_1207 = vector.shape_cast %add3A_1141 : vector<16xf32> to vector<16xf32>
      tpu.vector_store %arg10[%swap3A_1204], %swap3A_1207 {strides = array<i32>} : memref<2048xf32, #tpu.memory_space<vmem>>, vector<16xf32>,
      %mul3A_1208 = arith.constant -0.899899899 : f32
      %mul3A_1209 = vector.broadcast %mul3A_1208 : f32 to vector<16xf32>
      %mul3A_1210 = arith.mulf %mul3A_1209, %select_n3A_1191 : vector<16xf32>
      %mul3A_1211 = arith.constant 1.001001E-4 : f32
      %mul3A_1212 = vector.broadcast %mul3A_1211 : f32 to vector<16xf32>
      %mul3A_1213 = arith.mulf %mul3A_1212, %add3A_1145 : vector<16xf32>
      %sub3A_1214 = arith.subf %mul3A_1210, %mul3A_1213 : vector<16xf32>
      %mul3A_1215 = arith.constant 16 : i32
      %mul3A_1216 = arith.muli %add3A_1195, %mul3A_1215 : i32
      %swap3A_1217 = arith.index_cast %mul3A_1216 : i32 to index
      %swap3A_1218 = tpu.vector_load %arg11[%swap3A_1217] {strides = array<i32>} : memref<2048xf32, #tpu.memory_space<vmem>>, vector<16xf32>,
      %swap3A_1219 = vector.shape_cast %swap3A_1218 : vector<16xf32> to vector<16xf32>
      %swap3A_1220 = vector.shape_cast %sub3A_1214 : vector<16xf32> to vector<16xf32>
      tpu.vector_store %arg11[%swap3A_1217], %swap3A_1220 {strides = array<i32>} : memref<2048xf32, #tpu.memory_space<vmem>>, vector<16xf32>,
      %broadcast_in_dim3A_1221 = vector.broadcast %scan3A : f32 to vector<16xf32>
      %scan3A_1222 = arith.constant 0 : i32
      %scan3A_1223 = arith.constant 62 : i32
      %scan3A_1224 = arith.addi %scan3A_1222, %scan3A_1223 : i32
      %scan3A_1225 = arith.constant 1 : i32
      %scan3A_1226 = scf.for %scan3A_1772 = %scan3A_1222 to %scan3A_1224 step %scan3A_1225 iter_args(%scan3A_1773 = %broadcast_in_dim3A_1221) -> (vector<16xf32>)  : i32 {
        %mul3A_1774 = arith.constant 16 : i32
        %mul3A_1775 = arith.muli %scan3A_1772, %mul3A_1774 : i32
        %get3A_1776 = arith.constant 11 : i32
        %get3A_1777 = arith.index_cast %get3A_1776 : i32 to index
        %get3A_1778 = arith.index_cast %mul3A_1775 : i32 to index
        %get3A_1779 = tpu.vector_load %arg7[%get3A_1777, %get3A_1778] {strides = array<i32>} : memref<16x1000xf32, #tpu.memory_space<vmem>>, vector<1x16xf32>,
        %get3A_1780 = vector.shape_cast %get3A_1779 : vector<1x16xf32> to vector<16xf32>
        %max3A_1781 = arith.maximumf %scan3A_1773, %get3A_1780 : vector<16xf32>
        scf.yield %max3A_1781 : vector<16xf32>
      }
      %scan3A_1227 = arith.constant 62 : i32
      %get3A_1228 = arith.constant 11 : i32
      %get3A_1229 = arith.index_cast %get3A_1228 : i32 to index
      %get3A_1230 = arith.constant 984 : index
      %get3A_1231 = tpu.vector_load %arg7[%get3A_1229, %get3A_1230] {strides = array<i32>} : memref<16x1000xf32, #tpu.memory_space<vmem>>, vector<1x16xf32>,
      %get3A_1232 = vector.shape_cast %get3A_1231 : vector<1x16xf32> to vector<16xf32>
      %broadcast_in_dim3A_1233 = vector.broadcast %scan3A : f32 to vector<16xf32>
      %select_n3A_1234 = arith.select %ge3A_4, %get3A_1232, %broadcast_in_dim3A_1233 : vector<16xi1>, vector<16xf32>
      %max3A_1235 = arith.maximumf %scan3A_1226, %select_n3A_1234 : vector<16xf32>
      %broadcast_in_dim3A_1236 = arith.constant 0.000000e+00 : f32
      %broadcast_in_dim3A_1237 = vector.broadcast %broadcast_in_dim3A_1236 : f32 to vector<16xf32>
      %broadcast_in_dim3A_1238 = arith.constant 0.000000e+00 : f32
      %broadcast_in_dim3A_1239 = vector.broadcast %broadcast_in_dim3A_1238 : f32 to vector<16xf32>
      %scan3A_1240 = arith.constant 0 : i32
      %scan3A_1241 = arith.constant 62 : i32
      %scan3A_1242 = arith.addi %scan3A_1240, %scan3A_1241 : i32
      %scan3A_1243 = arith.constant 1 : i32
      %scan3A_1244:2 = scf.for %scan3A_1772 = %scan3A_1240 to %scan3A_1242 step %scan3A_1243 iter_args(%scan3A_1773 = %broadcast_in_dim3A_1237, %scan3A_1774 = %broadcast_in_dim3A_1239) -> (vector<16xf32>, vector<16xf32>)  : i32 {
        %mul3A_1775 = arith.constant 16 : i32
        %mul3A_1776 = arith.muli %scan3A_1772, %mul3A_1775 : i32
        %get3A_1777 = arith.constant 11 : i32
        %get3A_1778 = arith.index_cast %get3A_1777 : i32 to index
        %get3A_1779 = arith.index_cast %mul3A_1776 : i32 to index
        %get3A_1780 = tpu.vector_load %arg7[%get3A_1778, %get3A_1779] {strides = array<i32>} : memref<16x1000xf32, #tpu.memory_space<vmem>>, vector<1x16xf32>,
        %get3A_1781 = vector.shape_cast %get3A_1780 : vector<1x16xf32> to vector<16xf32>
        %sub3A_1782 = arith.subf %get3A_1781, %max3A_1235 : vector<16xf32>
        %exp3A_1783 = math.exp %sub3A_1782 : vector<16xf32>
        %add3A_1784 = arith.addf %scan3A_1773, %exp3A_1783 : vector<16xf32>
        %add3A_1785 = arith.addf %scan3A_1774, %get3A_1781 : vector<16xf32>
        scf.yield %add3A_1784, %add3A_1785 : vector<16xf32>, vector<16xf32>
      }
      %scan3A_1245 = arith.constant 62 : i32
      %sub3A_1246 = arith.subf %get3A_1232, %max3A_1235 : vector<16xf32>
      %exp3A_1247 = math.exp %sub3A_1246 : vector<16xf32>
      %jit3A_1248 = arith.constant 0.000000e+00 : f32
      %broadcast_in_dim3A_1249 = vector.broadcast %jit3A_1248 : f32 to vector<16xf32>
      %select_n3A_1250 = arith.select %ge3A_4, %exp3A_1247, %broadcast_in_dim3A_1249 : vector<16xi1>, vector<16xf32>
      %add3A_1251 = arith.addf %scan3A_1244#0, %select_n3A_1250 : vector<16xf32>
      %jit3A_1252 = arith.constant 0.000000e+00 : f32
      %broadcast_in_dim3A_1253 = vector.broadcast %jit3A_1252 : f32 to vector<16xf32>
      %select_n3A_1254 = arith.select %ge3A_4, %get3A_1232, %broadcast_in_dim3A_1253 : vector<16xi1>, vector<16xf32>
      %add3A_1255 = arith.addf %scan3A_1244#1, %select_n3A_1254 : vector<16xf32>
      %slice3A_1256 = vector.extract_strided_slice %get3A_26 {offsets = [11], sizes = [1], strides = [1]} : vector<16xi32> to vector<1xi32>
      %squeeze3A_1257 = vector.extract %slice3A_1256[0] : i32 from vector<1xi32>
      %jit3A_1258 = arith.constant 16 : i32
      %div3A_1259 = arith.divsi %squeeze3A_1257, %jit3A_1258 : i32
      %sign3A_1260 = arith.constant 0 : i32
      %sign3A_1261 = arith.cmpi sgt, %squeeze3A_1257, %sign3A_1260 : i32
      %sign3A_1262 = arith.extui %sign3A_1261 : i1 to i32
      %sign3A_1263 = arith.constant 0 : i32
      %sign3A_1264 = arith.cmpi slt, %squeeze3A_1257, %sign3A_1263 : i32
      %sign3A_1265 = arith.extui %sign3A_1264 : i1 to i32
      %sign3A_1266 = arith.subi %sign3A_1262, %sign3A_1265 : i32
      %sign3A_1267 = arith.constant 0 : i32
      %sign3A_1268 = arith.cmpi sgt, %jit3A_1258, %sign3A_1267 : i32
      %sign3A_1269 = arith.extui %sign3A_1268 : i1 to i32
      %sign3A_1270 = arith.constant 0 : i32
      %sign3A_1271 = arith.cmpi slt, %jit3A_1258, %sign3A_1270 : i32
      %sign3A_1272 = arith.extui %sign3A_1271 : i1 to i32
      %sign3A_1273 = arith.subi %sign3A_1269, %sign3A_1272 : i32
      %ne3A_1274 = arith.cmpi ne, %sign3A_1266, %sign3A_1273 : i32
      %rem3A_1275 = arith.remsi %squeeze3A_1257, %jit3A_1258 : i32
      %ne3A_1276 = arith.constant 0 : i32
      %ne3A_1277 = arith.cmpi ne, %rem3A_1275, %ne3A_1276 : i32
      %and3A_1278 = arith.andi %ne3A_1274, %ne3A_1277 : i1
      %sub3A_1279 = arith.constant 1 : i32
      %sub3A_1280 = arith.subi %div3A_1259, %sub3A_1279 : i32
      %select_n3A_1281 = arith.select %and3A_1278, %sub3A_1280, %div3A_1259 : i32
      %mul3A_1282 = arith.constant 16 : i32
      %mul3A_1283 = arith.muli %select_n3A_1281, %mul3A_1282 : i32
      %min3A_1284 = arith.constant 976 : i32
      %min3A_1285 = arith.minsi %mul3A_1283, %min3A_1284 : i32
      %get3A_1286 = arith.constant 11 : i32
      %get3A_1287 = arith.index_cast %get3A_1286 : i32 to index
      %get3A_1288 = arith.index_cast %min3A_1285 : i32 to index
      %get3A_1289 = tpu.vector_load %arg7[%get3A_1287, %get3A_1288] {strides = array<i32>} : memref<16x1000xf32, #tpu.memory_space<vmem>>, vector<1x16xf32>,
      %get3A_1290 = vector.shape_cast %get3A_1289 : vector<1x16xf32> to vector<16xf32>
      %ge3A_1291 = arith.constant 992 : i32
      %ge3A_1292 = arith.cmpi sge, %squeeze3A_1257, %ge3A_1291 : i32
      %select_n3A_1293 = arith.select %ge3A_1292, %get3A_1232, %get3A_1290 : vector<16xf32>
      %jit3A_1294 = arith.constant 984 : i32
      %select_n3A_1295 = arith.select %ge3A_1292, %jit3A_1294, %min3A_1285 : i32
      %sub3A_1296 = arith.subi %squeeze3A_1257, %select_n3A_1295 : i32
      %eq3A_1297 = vector.broadcast %sub3A_1296 : i32 to vector<16xi32>
      %eq3A_1298 = arith.cmpi eq, %iota3A, %eq3A_1297 : vector<16xi32>
      %jit3A_1299 = arith.constant 0.000000e+00 : f32
      %broadcast_in_dim3A_1300 = vector.broadcast %jit3A_1299 : f32 to vector<16xf32>
      %select_n3A_1301 = arith.select %eq3A_1298, %select_n3A_1293, %broadcast_in_dim3A_1300 : vector<16xi1>, vector<16xf32>
      %mul3A_1302 = arith.constant 16 : i32
      %mul3A_1303 = arith.muli %scan3A_18, %mul3A_1302 : i32
      %add3A_1304 = arith.constant 11 : i32
      %add3A_1305 = arith.addi %mul3A_1303, %add3A_1304 : i32
      %mul3A_1306 = arith.constant 16 : i32
      %mul3A_1307 = arith.muli %add3A_1305, %mul3A_1306 : i32
      %swap3A_1308 = arith.index_cast %mul3A_1307 : i32 to index
      %swap3A_1309 = tpu.vector_load %arg9[%swap3A_1308] {strides = array<i32>} : memref<2048xf32, #tpu.memory_space<vmem>>, vector<16xf32>,
      %swap3A_1310 = vector.shape_cast %swap3A_1309 : vector<16xf32> to vector<16xf32>
      %swap3A_1311 = vector.shape_cast %max3A_1235 : vector<16xf32> to vector<16xf32>
      tpu.vector_store %arg9[%swap3A_1308], %swap3A_1311 {strides = array<i32>} : memref<2048xf32, #tpu.memory_space<vmem>>, vector<16xf32>,
      %mul3A_1312 = arith.constant 16 : i32
      %mul3A_1313 = arith.muli %add3A_1305, %mul3A_1312 : i32
      %swap3A_1314 = arith.index_cast %mul3A_1313 : i32 to index
      %swap3A_1315 = tpu.vector_load %arg10[%swap3A_1314] {strides = array<i32>} : memref<2048xf32, #tpu.memory_space<vmem>>, vector<16xf32>,
      %swap3A_1316 = vector.shape_cast %swap3A_1315 : vector<16xf32> to vector<16xf32>
      %swap3A_1317 = vector.shape_cast %add3A_1251 : vector<16xf32> to vector<16xf32>
      tpu.vector_store %arg10[%swap3A_1314], %swap3A_1317 {strides = array<i32>} : memref<2048xf32, #tpu.memory_space<vmem>>, vector<16xf32>,
      %mul3A_1318 = arith.constant -0.899899899 : f32
      %mul3A_1319 = vector.broadcast %mul3A_1318 : f32 to vector<16xf32>
      %mul3A_1320 = arith.mulf %mul3A_1319, %select_n3A_1301 : vector<16xf32>
      %mul3A_1321 = arith.constant 1.001001E-4 : f32
      %mul3A_1322 = vector.broadcast %mul3A_1321 : f32 to vector<16xf32>
      %mul3A_1323 = arith.mulf %mul3A_1322, %add3A_1255 : vector<16xf32>
      %sub3A_1324 = arith.subf %mul3A_1320, %mul3A_1323 : vector<16xf32>
      %mul3A_1325 = arith.constant 16 : i32
      %mul3A_1326 = arith.muli %add3A_1305, %mul3A_1325 : i32
      %swap3A_1327 = arith.index_cast %mul3A_1326 : i32 to index
      %swap3A_1328 = tpu.vector_load %arg11[%swap3A_1327] {strides = array<i32>} : memref<2048xf32, #tpu.memory_space<vmem>>, vector<16xf32>,
      %swap3A_1329 = vector.shape_cast %swap3A_1328 : vector<16xf32> to vector<16xf32>
      %swap3A_1330 = vector.shape_cast %sub3A_1324 : vector<16xf32> to vector<16xf32>
      tpu.vector_store %arg11[%swap3A_1327], %swap3A_1330 {strides = array<i32>} : memref<2048xf32, #tpu.memory_space<vmem>>, vector<16xf32>,
      %broadcast_in_dim3A_1331 = vector.broadcast %scan3A : f32 to vector<16xf32>
      %scan3A_1332 = arith.constant 0 : i32
      %scan3A_1333 = arith.constant 62 : i32
      %scan3A_1334 = arith.addi %scan3A_1332, %scan3A_1333 : i32
      %scan3A_1335 = arith.constant 1 : i32
      %scan3A_1336 = scf.for %scan3A_1772 = %scan3A_1332 to %scan3A_1334 step %scan3A_1335 iter_args(%scan3A_1773 = %broadcast_in_dim3A_1331) -> (vector<16xf32>)  : i32 {
        %mul3A_1774 = arith.constant 16 : i32
        %mul3A_1775 = arith.muli %scan3A_1772, %mul3A_1774 : i32
        %get3A_1776 = arith.constant 12 : i32
        %get3A_1777 = arith.index_cast %get3A_1776 : i32 to index
        %get3A_1778 = arith.index_cast %mul3A_1775 : i32 to index
        %get3A_1779 = tpu.vector_load %arg7[%get3A_1777, %get3A_1778] {strides = array<i32>} : memref<16x1000xf32, #tpu.memory_space<vmem>>, vector<1x16xf32>,
        %get3A_1780 = vector.shape_cast %get3A_1779 : vector<1x16xf32> to vector<16xf32>
        %max3A_1781 = arith.maximumf %scan3A_1773, %get3A_1780 : vector<16xf32>
        scf.yield %max3A_1781 : vector<16xf32>
      }
      %scan3A_1337 = arith.constant 62 : i32
      %get3A_1338 = arith.constant 12 : i32
      %get3A_1339 = arith.index_cast %get3A_1338 : i32 to index
      %get3A_1340 = arith.constant 984 : index
      %get3A_1341 = tpu.vector_load %arg7[%get3A_1339, %get3A_1340] {strides = array<i32>} : memref<16x1000xf32, #tpu.memory_space<vmem>>, vector<1x16xf32>,
      %get3A_1342 = vector.shape_cast %get3A_1341 : vector<1x16xf32> to vector<16xf32>
      %broadcast_in_dim3A_1343 = vector.broadcast %scan3A : f32 to vector<16xf32>
      %select_n3A_1344 = arith.select %ge3A_4, %get3A_1342, %broadcast_in_dim3A_1343 : vector<16xi1>, vector<16xf32>
      %max3A_1345 = arith.maximumf %scan3A_1336, %select_n3A_1344 : vector<16xf32>
      %broadcast_in_dim3A_1346 = arith.constant 0.000000e+00 : f32
      %broadcast_in_dim3A_1347 = vector.broadcast %broadcast_in_dim3A_1346 : f32 to vector<16xf32>
      %broadcast_in_dim3A_1348 = arith.constant 0.000000e+00 : f32
      %broadcast_in_dim3A_1349 = vector.broadcast %broadcast_in_dim3A_1348 : f32 to vector<16xf32>
      %scan3A_1350 = arith.constant 0 : i32
      %scan3A_1351 = arith.constant 62 : i32
      %scan3A_1352 = arith.addi %scan3A_1350, %scan3A_1351 : i32
      %scan3A_1353 = arith.constant 1 : i32
      %scan3A_1354:2 = scf.for %scan3A_1772 = %scan3A_1350 to %scan3A_1352 step %scan3A_1353 iter_args(%scan3A_1773 = %broadcast_in_dim3A_1347, %scan3A_1774 = %broadcast_in_dim3A_1349) -> (vector<16xf32>, vector<16xf32>)  : i32 {
        %mul3A_1775 = arith.constant 16 : i32
        %mul3A_1776 = arith.muli %scan3A_1772, %mul3A_1775 : i32
        %get3A_1777 = arith.constant 12 : i32
        %get3A_1778 = arith.index_cast %get3A_1777 : i32 to index
        %get3A_1779 = arith.index_cast %mul3A_1776 : i32 to index
        %get3A_1780 = tpu.vector_load %arg7[%get3A_1778, %get3A_1779] {strides = array<i32>} : memref<16x1000xf32, #tpu.memory_space<vmem>>, vector<1x16xf32>,
        %get3A_1781 = vector.shape_cast %get3A_1780 : vector<1x16xf32> to vector<16xf32>
        %sub3A_1782 = arith.subf %get3A_1781, %max3A_1345 : vector<16xf32>
        %exp3A_1783 = math.exp %sub3A_1782 : vector<16xf32>
        %add3A_1784 = arith.addf %scan3A_1773, %exp3A_1783 : vector<16xf32>
        %add3A_1785 = arith.addf %scan3A_1774, %get3A_1781 : vector<16xf32>
        scf.yield %add3A_1784, %add3A_1785 : vector<16xf32>, vector<16xf32>
      }
      %scan3A_1355 = arith.constant 62 : i32
      %sub3A_1356 = arith.subf %get3A_1342, %max3A_1345 : vector<16xf32>
      %exp3A_1357 = math.exp %sub3A_1356 : vector<16xf32>
      %jit3A_1358 = arith.constant 0.000000e+00 : f32
      %broadcast_in_dim3A_1359 = vector.broadcast %jit3A_1358 : f32 to vector<16xf32>
      %select_n3A_1360 = arith.select %ge3A_4, %exp3A_1357, %broadcast_in_dim3A_1359 : vector<16xi1>, vector<16xf32>
      %add3A_1361 = arith.addf %scan3A_1354#0, %select_n3A_1360 : vector<16xf32>
      %jit3A_1362 = arith.constant 0.000000e+00 : f32
      %broadcast_in_dim3A_1363 = vector.broadcast %jit3A_1362 : f32 to vector<16xf32>
      %select_n3A_1364 = arith.select %ge3A_4, %get3A_1342, %broadcast_in_dim3A_1363 : vector<16xi1>, vector<16xf32>
      %add3A_1365 = arith.addf %scan3A_1354#1, %select_n3A_1364 : vector<16xf32>
      %slice3A_1366 = vector.extract_strided_slice %get3A_26 {offsets = [12], sizes = [1], strides = [1]} : vector<16xi32> to vector<1xi32>
      %squeeze3A_1367 = vector.extract %slice3A_1366[0] : i32 from vector<1xi32>
      %jit3A_1368 = arith.constant 16 : i32
      %div3A_1369 = arith.divsi %squeeze3A_1367, %jit3A_1368 : i32
      %sign3A_1370 = arith.constant 0 : i32
      %sign3A_1371 = arith.cmpi sgt, %squeeze3A_1367, %sign3A_1370 : i32
      %sign3A_1372 = arith.extui %sign3A_1371 : i1 to i32
      %sign3A_1373 = arith.constant 0 : i32
      %sign3A_1374 = arith.cmpi slt, %squeeze3A_1367, %sign3A_1373 : i32
      %sign3A_1375 = arith.extui %sign3A_1374 : i1 to i32
      %sign3A_1376 = arith.subi %sign3A_1372, %sign3A_1375 : i32
      %sign3A_1377 = arith.constant 0 : i32
      %sign3A_1378 = arith.cmpi sgt, %jit3A_1368, %sign3A_1377 : i32
      %sign3A_1379 = arith.extui %sign3A_1378 : i1 to i32
      %sign3A_1380 = arith.constant 0 : i32
      %sign3A_1381 = arith.cmpi slt, %jit3A_1368, %sign3A_1380 : i32
      %sign3A_1382 = arith.extui %sign3A_1381 : i1 to i32
      %sign3A_1383 = arith.subi %sign3A_1379, %sign3A_1382 : i32
      %ne3A_1384 = arith.cmpi ne, %sign3A_1376, %sign3A_1383 : i32
      %rem3A_1385 = arith.remsi %squeeze3A_1367, %jit3A_1368 : i32
      %ne3A_1386 = arith.constant 0 : i32
      %ne3A_1387 = arith.cmpi ne, %rem3A_1385, %ne3A_1386 : i32
      %and3A_1388 = arith.andi %ne3A_1384, %ne3A_1387 : i1
      %sub3A_1389 = arith.constant 1 : i32
      %sub3A_1390 = arith.subi %div3A_1369, %sub3A_1389 : i32
      %select_n3A_1391 = arith.select %and3A_1388, %sub3A_1390, %div3A_1369 : i32
      %mul3A_1392 = arith.constant 16 : i32
      %mul3A_1393 = arith.muli %select_n3A_1391, %mul3A_1392 : i32
      %min3A_1394 = arith.constant 976 : i32
      %min3A_1395 = arith.minsi %mul3A_1393, %min3A_1394 : i32
      %get3A_1396 = arith.constant 12 : i32
      %get3A_1397 = arith.index_cast %get3A_1396 : i32 to index
      %get3A_1398 = arith.index_cast %min3A_1395 : i32 to index
      %get3A_1399 = tpu.vector_load %arg7[%get3A_1397, %get3A_1398] {strides = array<i32>} : memref<16x1000xf32, #tpu.memory_space<vmem>>, vector<1x16xf32>,
      %get3A_1400 = vector.shape_cast %get3A_1399 : vector<1x16xf32> to vector<16xf32>
      %ge3A_1401 = arith.constant 992 : i32
      %ge3A_1402 = arith.cmpi sge, %squeeze3A_1367, %ge3A_1401 : i32
      %select_n3A_1403 = arith.select %ge3A_1402, %get3A_1342, %get3A_1400 : vector<16xf32>
      %jit3A_1404 = arith.constant 984 : i32
      %select_n3A_1405 = arith.select %ge3A_1402, %jit3A_1404, %min3A_1395 : i32
      %sub3A_1406 = arith.subi %squeeze3A_1367, %select_n3A_1405 : i32
      %eq3A_1407 = vector.broadcast %sub3A_1406 : i32 to vector<16xi32>
      %eq3A_1408 = arith.cmpi eq, %iota3A, %eq3A_1407 : vector<16xi32>
      %jit3A_1409 = arith.constant 0.000000e+00 : f32
      %broadcast_in_dim3A_1410 = vector.broadcast %jit3A_1409 : f32 to vector<16xf32>
      %select_n3A_1411 = arith.select %eq3A_1408, %select_n3A_1403, %broadcast_in_dim3A_1410 : vector<16xi1>, vector<16xf32>
      %mul3A_1412 = arith.constant 16 : i32
      %mul3A_1413 = arith.muli %scan3A_18, %mul3A_1412 : i32
      %add3A_1414 = arith.constant 12 : i32
      %add3A_1415 = arith.addi %mul3A_1413, %add3A_1414 : i32
      %mul3A_1416 = arith.constant 16 : i32
      %mul3A_1417 = arith.muli %add3A_1415, %mul3A_1416 : i32
      %swap3A_1418 = arith.index_cast %mul3A_1417 : i32 to index
      %swap3A_1419 = tpu.vector_load %arg9[%swap3A_1418] {strides = array<i32>} : memref<2048xf32, #tpu.memory_space<vmem>>, vector<16xf32>,
      %swap3A_1420 = vector.shape_cast %swap3A_1419 : vector<16xf32> to vector<16xf32>
      %swap3A_1421 = vector.shape_cast %max3A_1345 : vector<16xf32> to vector<16xf32>
      tpu.vector_store %arg9[%swap3A_1418], %swap3A_1421 {strides = array<i32>} : memref<2048xf32, #tpu.memory_space<vmem>>, vector<16xf32>,
      %mul3A_1422 = arith.constant 16 : i32
      %mul3A_1423 = arith.muli %add3A_1415, %mul3A_1422 : i32
      %swap3A_1424 = arith.index_cast %mul3A_1423 : i32 to index
      %swap3A_1425 = tpu.vector_load %arg10[%swap3A_1424] {strides = array<i32>} : memref<2048xf32, #tpu.memory_space<vmem>>, vector<16xf32>,
      %swap3A_1426 = vector.shape_cast %swap3A_1425 : vector<16xf32> to vector<16xf32>
      %swap3A_1427 = vector.shape_cast %add3A_1361 : vector<16xf32> to vector<16xf32>
      tpu.vector_store %arg10[%swap3A_1424], %swap3A_1427 {strides = array<i32>} : memref<2048xf32, #tpu.memory_space<vmem>>, vector<16xf32>,
      %mul3A_1428 = arith.constant -0.899899899 : f32
      %mul3A_1429 = vector.broadcast %mul3A_1428 : f32 to vector<16xf32>
      %mul3A_1430 = arith.mulf %mul3A_1429, %select_n3A_1411 : vector<16xf32>
      %mul3A_1431 = arith.constant 1.001001E-4 : f32
      %mul3A_1432 = vector.broadcast %mul3A_1431 : f32 to vector<16xf32>
      %mul3A_1433 = arith.mulf %mul3A_1432, %add3A_1365 : vector<16xf32>
      %sub3A_1434 = arith.subf %mul3A_1430, %mul3A_1433 : vector<16xf32>
      %mul3A_1435 = arith.constant 16 : i32
      %mul3A_1436 = arith.muli %add3A_1415, %mul3A_1435 : i32
      %swap3A_1437 = arith.index_cast %mul3A_1436 : i32 to index
      %swap3A_1438 = tpu.vector_load %arg11[%swap3A_1437] {strides = array<i32>} : memref<2048xf32, #tpu.memory_space<vmem>>, vector<16xf32>,
      %swap3A_1439 = vector.shape_cast %swap3A_1438 : vector<16xf32> to vector<16xf32>
      %swap3A_1440 = vector.shape_cast %sub3A_1434 : vector<16xf32> to vector<16xf32>
      tpu.vector_store %arg11[%swap3A_1437], %swap3A_1440 {strides = array<i32>} : memref<2048xf32, #tpu.memory_space<vmem>>, vector<16xf32>,
      %broadcast_in_dim3A_1441 = vector.broadcast %scan3A : f32 to vector<16xf32>
      %scan3A_1442 = arith.constant 0 : i32
      %scan3A_1443 = arith.constant 62 : i32
      %scan3A_1444 = arith.addi %scan3A_1442, %scan3A_1443 : i32
      %scan3A_1445 = arith.constant 1 : i32
      %scan3A_1446 = scf.for %scan3A_1772 = %scan3A_1442 to %scan3A_1444 step %scan3A_1445 iter_args(%scan3A_1773 = %broadcast_in_dim3A_1441) -> (vector<16xf32>)  : i32 {
        %mul3A_1774 = arith.constant 16 : i32
        %mul3A_1775 = arith.muli %scan3A_1772, %mul3A_1774 : i32
        %get3A_1776 = arith.constant 13 : i32
        %get3A_1777 = arith.index_cast %get3A_1776 : i32 to index
        %get3A_1778 = arith.index_cast %mul3A_1775 : i32 to index
        %get3A_1779 = tpu.vector_load %arg7[%get3A_1777, %get3A_1778] {strides = array<i32>} : memref<16x1000xf32, #tpu.memory_space<vmem>>, vector<1x16xf32>,
        %get3A_1780 = vector.shape_cast %get3A_1779 : vector<1x16xf32> to vector<16xf32>
        %max3A_1781 = arith.maximumf %scan3A_1773, %get3A_1780 : vector<16xf32>
        scf.yield %max3A_1781 : vector<16xf32>
      }
      %scan3A_1447 = arith.constant 62 : i32
      %get3A_1448 = arith.constant 13 : i32
      %get3A_1449 = arith.index_cast %get3A_1448 : i32 to index
      %get3A_1450 = arith.constant 984 : index
      %get3A_1451 = tpu.vector_load %arg7[%get3A_1449, %get3A_1450] {strides = array<i32>} : memref<16x1000xf32, #tpu.memory_space<vmem>>, vector<1x16xf32>,
      %get3A_1452 = vector.shape_cast %get3A_1451 : vector<1x16xf32> to vector<16xf32>
      %broadcast_in_dim3A_1453 = vector.broadcast %scan3A : f32 to vector<16xf32>
      %select_n3A_1454 = arith.select %ge3A_4, %get3A_1452, %broadcast_in_dim3A_1453 : vector<16xi1>, vector<16xf32>
      %max3A_1455 = arith.maximumf %scan3A_1446, %select_n3A_1454 : vector<16xf32>
      %broadcast_in_dim3A_1456 = arith.constant 0.000000e+00 : f32
      %broadcast_in_dim3A_1457 = vector.broadcast %broadcast_in_dim3A_1456 : f32 to vector<16xf32>
      %broadcast_in_dim3A_1458 = arith.constant 0.000000e+00 : f32
      %broadcast_in_dim3A_1459 = vector.broadcast %broadcast_in_dim3A_1458 : f32 to vector<16xf32>
      %scan3A_1460 = arith.constant 0 : i32
      %scan3A_1461 = arith.constant 62 : i32
      %scan3A_1462 = arith.addi %scan3A_1460, %scan3A_1461 : i32
      %scan3A_1463 = arith.constant 1 : i32
      %scan3A_1464:2 = scf.for %scan3A_1772 = %scan3A_1460 to %scan3A_1462 step %scan3A_1463 iter_args(%scan3A_1773 = %broadcast_in_dim3A_1457, %scan3A_1774 = %broadcast_in_dim3A_1459) -> (vector<16xf32>, vector<16xf32>)  : i32 {
        %mul3A_1775 = arith.constant 16 : i32
        %mul3A_1776 = arith.muli %scan3A_1772, %mul3A_1775 : i32
        %get3A_1777 = arith.constant 13 : i32
        %get3A_1778 = arith.index_cast %get3A_1777 : i32 to index
        %get3A_1779 = arith.index_cast %mul3A_1776 : i32 to index
        %get3A_1780 = tpu.vector_load %arg7[%get3A_1778, %get3A_1779] {strides = array<i32>} : memref<16x1000xf32, #tpu.memory_space<vmem>>, vector<1x16xf32>,
        %get3A_1781 = vector.shape_cast %get3A_1780 : vector<1x16xf32> to vector<16xf32>
        %sub3A_1782 = arith.subf %get3A_1781, %max3A_1455 : vector<16xf32>
        %exp3A_1783 = math.exp %sub3A_1782 : vector<16xf32>
        %add3A_1784 = arith.addf %scan3A_1773, %exp3A_1783 : vector<16xf32>
        %add3A_1785 = arith.addf %scan3A_1774, %get3A_1781 : vector<16xf32>
        scf.yield %add3A_1784, %add3A_1785 : vector<16xf32>, vector<16xf32>
      }
      %scan3A_1465 = arith.constant 62 : i32
      %sub3A_1466 = arith.subf %get3A_1452, %max3A_1455 : vector<16xf32>
      %exp3A_1467 = math.exp %sub3A_1466 : vector<16xf32>
      %jit3A_1468 = arith.constant 0.000000e+00 : f32
      %broadcast_in_dim3A_1469 = vector.broadcast %jit3A_1468 : f32 to vector<16xf32>
      %select_n3A_1470 = arith.select %ge3A_4, %exp3A_1467, %broadcast_in_dim3A_1469 : vector<16xi1>, vector<16xf32>
      %add3A_1471 = arith.addf %scan3A_1464#0, %select_n3A_1470 : vector<16xf32>
      %jit3A_1472 = arith.constant 0.000000e+00 : f32
      %broadcast_in_dim3A_1473 = vector.broadcast %jit3A_1472 : f32 to vector<16xf32>
      %select_n3A_1474 = arith.select %ge3A_4, %get3A_1452, %broadcast_in_dim3A_1473 : vector<16xi1>, vector<16xf32>
      %add3A_1475 = arith.addf %scan3A_1464#1, %select_n3A_1474 : vector<16xf32>
      %slice3A_1476 = vector.extract_strided_slice %get3A_26 {offsets = [13], sizes = [1], strides = [1]} : vector<16xi32> to vector<1xi32>
      %squeeze3A_1477 = vector.extract %slice3A_1476[0] : i32 from vector<1xi32>
      %jit3A_1478 = arith.constant 16 : i32
      %div3A_1479 = arith.divsi %squeeze3A_1477, %jit3A_1478 : i32
      %sign3A_1480 = arith.constant 0 : i32
      %sign3A_1481 = arith.cmpi sgt, %squeeze3A_1477, %sign3A_1480 : i32
      %sign3A_1482 = arith.extui %sign3A_1481 : i1 to i32
      %sign3A_1483 = arith.constant 0 : i32
      %sign3A_1484 = arith.cmpi slt, %squeeze3A_1477, %sign3A_1483 : i32
      %sign3A_1485 = arith.extui %sign3A_1484 : i1 to i32
      %sign3A_1486 = arith.subi %sign3A_1482, %sign3A_1485 : i32
      %sign3A_1487 = arith.constant 0 : i32
      %sign3A_1488 = arith.cmpi sgt, %jit3A_1478, %sign3A_1487 : i32
      %sign3A_1489 = arith.extui %sign3A_1488 : i1 to i32
      %sign3A_1490 = arith.constant 0 : i32
      %sign3A_1491 = arith.cmpi slt, %jit3A_1478, %sign3A_1490 : i32
      %sign3A_1492 = arith.extui %sign3A_1491 : i1 to i32
      %sign3A_1493 = arith.subi %sign3A_1489, %sign3A_1492 : i32
      %ne3A_1494 = arith.cmpi ne, %sign3A_1486, %sign3A_1493 : i32
      %rem3A_1495 = arith.remsi %squeeze3A_1477, %jit3A_1478 : i32
      %ne3A_1496 = arith.constant 0 : i32
      %ne3A_1497 = arith.cmpi ne, %rem3A_1495, %ne3A_1496 : i32
      %and3A_1498 = arith.andi %ne3A_1494, %ne3A_1497 : i1
      %sub3A_1499 = arith.constant 1 : i32
      %sub3A_1500 = arith.subi %div3A_1479, %sub3A_1499 : i32
      %select_n3A_1501 = arith.select %and3A_1498, %sub3A_1500, %div3A_1479 : i32
      %mul3A_1502 = arith.constant 16 : i32
      %mul3A_1503 = arith.muli %select_n3A_1501, %mul3A_1502 : i32
      %min3A_1504 = arith.constant 976 : i32
      %min3A_1505 = arith.minsi %mul3A_1503, %min3A_1504 : i32
      %get3A_1506 = arith.constant 13 : i32
      %get3A_1507 = arith.index_cast %get3A_1506 : i32 to index
      %get3A_1508 = arith.index_cast %min3A_1505 : i32 to index
      %get3A_1509 = tpu.vector_load %arg7[%get3A_1507, %get3A_1508] {strides = array<i32>} : memref<16x1000xf32, #tpu.memory_space<vmem>>, vector<1x16xf32>,
      %get3A_1510 = vector.shape_cast %get3A_1509 : vector<1x16xf32> to vector<16xf32>
      %ge3A_1511 = arith.constant 992 : i32
      %ge3A_1512 = arith.cmpi sge, %squeeze3A_1477, %ge3A_1511 : i32
      %select_n3A_1513 = arith.select %ge3A_1512, %get3A_1452, %get3A_1510 : vector<16xf32>
      %jit3A_1514 = arith.constant 984 : i32
      %select_n3A_1515 = arith.select %ge3A_1512, %jit3A_1514, %min3A_1505 : i32
      %sub3A_1516 = arith.subi %squeeze3A_1477, %select_n3A_1515 : i32
      %eq3A_1517 = vector.broadcast %sub3A_1516 : i32 to vector<16xi32>
      %eq3A_1518 = arith.cmpi eq, %iota3A, %eq3A_1517 : vector<16xi32>
      %jit3A_1519 = arith.constant 0.000000e+00 : f32
      %broadcast_in_dim3A_1520 = vector.broadcast %jit3A_1519 : f32 to vector<16xf32>
      %select_n3A_1521 = arith.select %eq3A_1518, %select_n3A_1513, %broadcast_in_dim3A_1520 : vector<16xi1>, vector<16xf32>
      %mul3A_1522 = arith.constant 16 : i32
      %mul3A_1523 = arith.muli %scan3A_18, %mul3A_1522 : i32
      %add3A_1524 = arith.constant 13 : i32
      %add3A_1525 = arith.addi %mul3A_1523, %add3A_1524 : i32
      %mul3A_1526 = arith.constant 16 : i32
      %mul3A_1527 = arith.muli %add3A_1525, %mul3A_1526 : i32
      %swap3A_1528 = arith.index_cast %mul3A_1527 : i32 to index
      %swap3A_1529 = tpu.vector_load %arg9[%swap3A_1528] {strides = array<i32>} : memref<2048xf32, #tpu.memory_space<vmem>>, vector<16xf32>,
      %swap3A_1530 = vector.shape_cast %swap3A_1529 : vector<16xf32> to vector<16xf32>
      %swap3A_1531 = vector.shape_cast %max3A_1455 : vector<16xf32> to vector<16xf32>
      tpu.vector_store %arg9[%swap3A_1528], %swap3A_1531 {strides = array<i32>} : memref<2048xf32, #tpu.memory_space<vmem>>, vector<16xf32>,
      %mul3A_1532 = arith.constant 16 : i32
      %mul3A_1533 = arith.muli %add3A_1525, %mul3A_1532 : i32
      %swap3A_1534 = arith.index_cast %mul3A_1533 : i32 to index
      %swap3A_1535 = tpu.vector_load %arg10[%swap3A_1534] {strides = array<i32>} : memref<2048xf32, #tpu.memory_space<vmem>>, vector<16xf32>,
      %swap3A_1536 = vector.shape_cast %swap3A_1535 : vector<16xf32> to vector<16xf32>
      %swap3A_1537 = vector.shape_cast %add3A_1471 : vector<16xf32> to vector<16xf32>
      tpu.vector_store %arg10[%swap3A_1534], %swap3A_1537 {strides = array<i32>} : memref<2048xf32, #tpu.memory_space<vmem>>, vector<16xf32>,
      %mul3A_1538 = arith.constant -0.899899899 : f32
      %mul3A_1539 = vector.broadcast %mul3A_1538 : f32 to vector<16xf32>
      %mul3A_1540 = arith.mulf %mul3A_1539, %select_n3A_1521 : vector<16xf32>
      %mul3A_1541 = arith.constant 1.001001E-4 : f32
      %mul3A_1542 = vector.broadcast %mul3A_1541 : f32 to vector<16xf32>
      %mul3A_1543 = arith.mulf %mul3A_1542, %add3A_1475 : vector<16xf32>
      %sub3A_1544 = arith.subf %mul3A_1540, %mul3A_1543 : vector<16xf32>
      %mul3A_1545 = arith.constant 16 : i32
      %mul3A_1546 = arith.muli %add3A_1525, %mul3A_1545 : i32
      %swap3A_1547 = arith.index_cast %mul3A_1546 : i32 to index
      %swap3A_1548 = tpu.vector_load %arg11[%swap3A_1547] {strides = array<i32>} : memref<2048xf32, #tpu.memory_space<vmem>>, vector<16xf32>,
      %swap3A_1549 = vector.shape_cast %swap3A_1548 : vector<16xf32> to vector<16xf32>
      %swap3A_1550 = vector.shape_cast %sub3A_1544 : vector<16xf32> to vector<16xf32>
      tpu.vector_store %arg11[%swap3A_1547], %swap3A_1550 {strides = array<i32>} : memref<2048xf32, #tpu.memory_space<vmem>>, vector<16xf32>,
      %broadcast_in_dim3A_1551 = vector.broadcast %scan3A : f32 to vector<16xf32>
      %scan3A_1552 = arith.constant 0 : i32
      %scan3A_1553 = arith.constant 62 : i32
      %scan3A_1554 = arith.addi %scan3A_1552, %scan3A_1553 : i32
      %scan3A_1555 = arith.constant 1 : i32
      %scan3A_1556 = scf.for %scan3A_1772 = %scan3A_1552 to %scan3A_1554 step %scan3A_1555 iter_args(%scan3A_1773 = %broadcast_in_dim3A_1551) -> (vector<16xf32>)  : i32 {
        %mul3A_1774 = arith.constant 16 : i32
        %mul3A_1775 = arith.muli %scan3A_1772, %mul3A_1774 : i32
        %get3A_1776 = arith.constant 14 : i32
        %get3A_1777 = arith.index_cast %get3A_1776 : i32 to index
        %get3A_1778 = arith.index_cast %mul3A_1775 : i32 to index
        %get3A_1779 = tpu.vector_load %arg7[%get3A_1777, %get3A_1778] {strides = array<i32>} : memref<16x1000xf32, #tpu.memory_space<vmem>>, vector<1x16xf32>,
        %get3A_1780 = vector.shape_cast %get3A_1779 : vector<1x16xf32> to vector<16xf32>
        %max3A_1781 = arith.maximumf %scan3A_1773, %get3A_1780 : vector<16xf32>
        scf.yield %max3A_1781 : vector<16xf32>
      }
      %scan3A_1557 = arith.constant 62 : i32
      %get3A_1558 = arith.constant 14 : i32
      %get3A_1559 = arith.index_cast %get3A_1558 : i32 to index
      %get3A_1560 = arith.constant 984 : index
      %get3A_1561 = tpu.vector_load %arg7[%get3A_1559, %get3A_1560] {strides = array<i32>} : memref<16x1000xf32, #tpu.memory_space<vmem>>, vector<1x16xf32>,
      %get3A_1562 = vector.shape_cast %get3A_1561 : vector<1x16xf32> to vector<16xf32>
      %broadcast_in_dim3A_1563 = vector.broadcast %scan3A : f32 to vector<16xf32>
      %select_n3A_1564 = arith.select %ge3A_4, %get3A_1562, %broadcast_in_dim3A_1563 : vector<16xi1>, vector<16xf32>
      %max3A_1565 = arith.maximumf %scan3A_1556, %select_n3A_1564 : vector<16xf32>
      %broadcast_in_dim3A_1566 = arith.constant 0.000000e+00 : f32
      %broadcast_in_dim3A_1567 = vector.broadcast %broadcast_in_dim3A_1566 : f32 to vector<16xf32>
      %broadcast_in_dim3A_1568 = arith.constant 0.000000e+00 : f32
      %broadcast_in_dim3A_1569 = vector.broadcast %broadcast_in_dim3A_1568 : f32 to vector<16xf32>
      %scan3A_1570 = arith.constant 0 : i32
      %scan3A_1571 = arith.constant 62 : i32
      %scan3A_1572 = arith.addi %scan3A_1570, %scan3A_1571 : i32
      %scan3A_1573 = arith.constant 1 : i32
      %scan3A_1574:2 = scf.for %scan3A_1772 = %scan3A_1570 to %scan3A_1572 step %scan3A_1573 iter_args(%scan3A_1773 = %broadcast_in_dim3A_1567, %scan3A_1774 = %broadcast_in_dim3A_1569) -> (vector<16xf32>, vector<16xf32>)  : i32 {
        %mul3A_1775 = arith.constant 16 : i32
        %mul3A_1776 = arith.muli %scan3A_1772, %mul3A_1775 : i32
        %get3A_1777 = arith.constant 14 : i32
        %get3A_1778 = arith.index_cast %get3A_1777 : i32 to index
        %get3A_1779 = arith.index_cast %mul3A_1776 : i32 to index
        %get3A_1780 = tpu.vector_load %arg7[%get3A_1778, %get3A_1779] {strides = array<i32>} : memref<16x1000xf32, #tpu.memory_space<vmem>>, vector<1x16xf32>,
        %get3A_1781 = vector.shape_cast %get3A_1780 : vector<1x16xf32> to vector<16xf32>
        %sub3A_1782 = arith.subf %get3A_1781, %max3A_1565 : vector<16xf32>
        %exp3A_1783 = math.exp %sub3A_1782 : vector<16xf32>
        %add3A_1784 = arith.addf %scan3A_1773, %exp3A_1783 : vector<16xf32>
        %add3A_1785 = arith.addf %scan3A_1774, %get3A_1781 : vector<16xf32>
        scf.yield %add3A_1784, %add3A_1785 : vector<16xf32>, vector<16xf32>
      }
      %scan3A_1575 = arith.constant 62 : i32
      %sub3A_1576 = arith.subf %get3A_1562, %max3A_1565 : vector<16xf32>
      %exp3A_1577 = math.exp %sub3A_1576 : vector<16xf32>
      %jit3A_1578 = arith.constant 0.000000e+00 : f32
      %broadcast_in_dim3A_1579 = vector.broadcast %jit3A_1578 : f32 to vector<16xf32>
      %select_n3A_1580 = arith.select %ge3A_4, %exp3A_1577, %broadcast_in_dim3A_1579 : vector<16xi1>, vector<16xf32>
      %add3A_1581 = arith.addf %scan3A_1574#0, %select_n3A_1580 : vector<16xf32>
      %jit3A_1582 = arith.constant 0.000000e+00 : f32
      %broadcast_in_dim3A_1583 = vector.broadcast %jit3A_1582 : f32 to vector<16xf32>
      %select_n3A_1584 = arith.select %ge3A_4, %get3A_1562, %broadcast_in_dim3A_1583 : vector<16xi1>, vector<16xf32>
      %add3A_1585 = arith.addf %scan3A_1574#1, %select_n3A_1584 : vector<16xf32>
      %slice3A_1586 = vector.extract_strided_slice %get3A_26 {offsets = [14], sizes = [1], strides = [1]} : vector<16xi32> to vector<1xi32>
      %squeeze3A_1587 = vector.extract %slice3A_1586[0] : i32 from vector<1xi32>
      %jit3A_1588 = arith.constant 16 : i32
      %div3A_1589 = arith.divsi %squeeze3A_1587, %jit3A_1588 : i32
      %sign3A_1590 = arith.constant 0 : i32
      %sign3A_1591 = arith.cmpi sgt, %squeeze3A_1587, %sign3A_1590 : i32
      %sign3A_1592 = arith.extui %sign3A_1591 : i1 to i32
      %sign3A_1593 = arith.constant 0 : i32
      %sign3A_1594 = arith.cmpi slt, %squeeze3A_1587, %sign3A_1593 : i32
      %sign3A_1595 = arith.extui %sign3A_1594 : i1 to i32
      %sign3A_1596 = arith.subi %sign3A_1592, %sign3A_1595 : i32
      %sign3A_1597 = arith.constant 0 : i32
      %sign3A_1598 = arith.cmpi sgt, %jit3A_1588, %sign3A_1597 : i32
      %sign3A_1599 = arith.extui %sign3A_1598 : i1 to i32
      %sign3A_1600 = arith.constant 0 : i32
      %sign3A_1601 = arith.cmpi slt, %jit3A_1588, %sign3A_1600 : i32
      %sign3A_1602 = arith.extui %sign3A_1601 : i1 to i32
      %sign3A_1603 = arith.subi %sign3A_1599, %sign3A_1602 : i32
      %ne3A_1604 = arith.cmpi ne, %sign3A_1596, %sign3A_1603 : i32
      %rem3A_1605 = arith.remsi %squeeze3A_1587, %jit3A_1588 : i32
      %ne3A_1606 = arith.constant 0 : i32
      %ne3A_1607 = arith.cmpi ne, %rem3A_1605, %ne3A_1606 : i32
      %and3A_1608 = arith.andi %ne3A_1604, %ne3A_1607 : i1
      %sub3A_1609 = arith.constant 1 : i32
      %sub3A_1610 = arith.subi %div3A_1589, %sub3A_1609 : i32
      %select_n3A_1611 = arith.select %and3A_1608, %sub3A_1610, %div3A_1589 : i32
      %mul3A_1612 = arith.constant 16 : i32
      %mul3A_1613 = arith.muli %select_n3A_1611, %mul3A_1612 : i32
      %min3A_1614 = arith.constant 976 : i32
      %min3A_1615 = arith.minsi %mul3A_1613, %min3A_1614 : i32
      %get3A_1616 = arith.constant 14 : i32
      %get3A_1617 = arith.index_cast %get3A_1616 : i32 to index
      %get3A_1618 = arith.index_cast %min3A_1615 : i32 to index
      %get3A_1619 = tpu.vector_load %arg7[%get3A_1617, %get3A_1618] {strides = array<i32>} : memref<16x1000xf32, #tpu.memory_space<vmem>>, vector<1x16xf32>,
      %get3A_1620 = vector.shape_cast %get3A_1619 : vector<1x16xf32> to vector<16xf32>
      %ge3A_1621 = arith.constant 992 : i32
      %ge3A_1622 = arith.cmpi sge, %squeeze3A_1587, %ge3A_1621 : i32
      %select_n3A_1623 = arith.select %ge3A_1622, %get3A_1562, %get3A_1620 : vector<16xf32>
      %jit3A_1624 = arith.constant 984 : i32
      %select_n3A_1625 = arith.select %ge3A_1622, %jit3A_1624, %min3A_1615 : i32
      %sub3A_1626 = arith.subi %squeeze3A_1587, %select_n3A_1625 : i32
      %eq3A_1627 = vector.broadcast %sub3A_1626 : i32 to vector<16xi32>
      %eq3A_1628 = arith.cmpi eq, %iota3A, %eq3A_1627 : vector<16xi32>
      %jit3A_1629 = arith.constant 0.000000e+00 : f32
      %broadcast_in_dim3A_1630 = vector.broadcast %jit3A_1629 : f32 to vector<16xf32>
      %select_n3A_1631 = arith.select %eq3A_1628, %select_n3A_1623, %broadcast_in_dim3A_1630 : vector<16xi1>, vector<16xf32>
      %mul3A_1632 = arith.constant 16 : i32
      %mul3A_1633 = arith.muli %scan3A_18, %mul3A_1632 : i32
      %add3A_1634 = arith.constant 14 : i32
      %add3A_1635 = arith.addi %mul3A_1633, %add3A_1634 : i32
      %mul3A_1636 = arith.constant 16 : i32
      %mul3A_1637 = arith.muli %add3A_1635, %mul3A_1636 : i32
      %swap3A_1638 = arith.index_cast %mul3A_1637 : i32 to index
      %swap3A_1639 = tpu.vector_load %arg9[%swap3A_1638] {strides = array<i32>} : memref<2048xf32, #tpu.memory_space<vmem>>, vector<16xf32>,
      %swap3A_1640 = vector.shape_cast %swap3A_1639 : vector<16xf32> to vector<16xf32>
      %swap3A_1641 = vector.shape_cast %max3A_1565 : vector<16xf32> to vector<16xf32>
      tpu.vector_store %arg9[%swap3A_1638], %swap3A_1641 {strides = array<i32>} : memref<2048xf32, #tpu.memory_space<vmem>>, vector<16xf32>,
      %mul3A_1642 = arith.constant 16 : i32
      %mul3A_1643 = arith.muli %add3A_1635, %mul3A_1642 : i32
      %swap3A_1644 = arith.index_cast %mul3A_1643 : i32 to index
      %swap3A_1645 = tpu.vector_load %arg10[%swap3A_1644] {strides = array<i32>} : memref<2048xf32, #tpu.memory_space<vmem>>, vector<16xf32>,
      %swap3A_1646 = vector.shape_cast %swap3A_1645 : vector<16xf32> to vector<16xf32>
      %swap3A_1647 = vector.shape_cast %add3A_1581 : vector<16xf32> to vector<16xf32>
      tpu.vector_store %arg10[%swap3A_1644], %swap3A_1647 {strides = array<i32>} : memref<2048xf32, #tpu.memory_space<vmem>>, vector<16xf32>,
      %mul3A_1648 = arith.constant -0.899899899 : f32
      %mul3A_1649 = vector.broadcast %mul3A_1648 : f32 to vector<16xf32>
      %mul3A_1650 = arith.mulf %mul3A_1649, %select_n3A_1631 : vector<16xf32>
      %mul3A_1651 = arith.constant 1.001001E-4 : f32
      %mul3A_1652 = vector.broadcast %mul3A_1651 : f32 to vector<16xf32>
      %mul3A_1653 = arith.mulf %mul3A_1652, %add3A_1585 : vector<16xf32>
      %sub3A_1654 = arith.subf %mul3A_1650, %mul3A_1653 : vector<16xf32>
      %mul3A_1655 = arith.constant 16 : i32
      %mul3A_1656 = arith.muli %add3A_1635, %mul3A_1655 : i32
      %swap3A_1657 = arith.index_cast %mul3A_1656 : i32 to index
      %swap3A_1658 = tpu.vector_load %arg11[%swap3A_1657] {strides = array<i32>} : memref<2048xf32, #tpu.memory_space<vmem>>, vector<16xf32>,
      %swap3A_1659 = vector.shape_cast %swap3A_1658 : vector<16xf32> to vector<16xf32>
      %swap3A_1660 = vector.shape_cast %sub3A_1654 : vector<16xf32> to vector<16xf32>
      tpu.vector_store %arg11[%swap3A_1657], %swap3A_1660 {strides = array<i32>} : memref<2048xf32, #tpu.memory_space<vmem>>, vector<16xf32>,
      %broadcast_in_dim3A_1661 = vector.broadcast %scan3A : f32 to vector<16xf32>
      %scan3A_1662 = arith.constant 0 : i32
      %scan3A_1663 = arith.constant 62 : i32
      %scan3A_1664 = arith.addi %scan3A_1662, %scan3A_1663 : i32
      %scan3A_1665 = arith.constant 1 : i32
      %scan3A_1666 = scf.for %scan3A_1772 = %scan3A_1662 to %scan3A_1664 step %scan3A_1665 iter_args(%scan3A_1773 = %broadcast_in_dim3A_1661) -> (vector<16xf32>)  : i32 {
        %mul3A_1774 = arith.constant 16 : i32
        %mul3A_1775 = arith.muli %scan3A_1772, %mul3A_1774 : i32
        %get3A_1776 = arith.constant 15 : i32
        %get3A_1777 = arith.index_cast %get3A_1776 : i32 to index
        %get3A_1778 = arith.index_cast %mul3A_1775 : i32 to index
        %get3A_1779 = tpu.vector_load %arg7[%get3A_1777, %get3A_1778] {strides = array<i32>} : memref<16x1000xf32, #tpu.memory_space<vmem>>, vector<1x16xf32>,
        %get3A_1780 = vector.shape_cast %get3A_1779 : vector<1x16xf32> to vector<16xf32>
        %max3A_1781 = arith.maximumf %scan3A_1773, %get3A_1780 : vector<16xf32>
        scf.yield %max3A_1781 : vector<16xf32>
      }
      %scan3A_1667 = arith.constant 62 : i32
      %get3A_1668 = arith.constant 15 : i32
      %get3A_1669 = arith.index_cast %get3A_1668 : i32 to index
      %get3A_1670 = arith.constant 984 : index
      %get3A_1671 = tpu.vector_load %arg7[%get3A_1669, %get3A_1670] {strides = array<i32>} : memref<16x1000xf32, #tpu.memory_space<vmem>>, vector<1x16xf32>,
      %get3A_1672 = vector.shape_cast %get3A_1671 : vector<1x16xf32> to vector<16xf32>
      %broadcast_in_dim3A_1673 = vector.broadcast %scan3A : f32 to vector<16xf32>
      %select_n3A_1674 = arith.select %ge3A_4, %get3A_1672, %broadcast_in_dim3A_1673 : vector<16xi1>, vector<16xf32>
      %max3A_1675 = arith.maximumf %scan3A_1666, %select_n3A_1674 : vector<16xf32>
      %broadcast_in_dim3A_1676 = arith.constant 0.000000e+00 : f32
      %broadcast_in_dim3A_1677 = vector.broadcast %broadcast_in_dim3A_1676 : f32 to vector<16xf32>
      %broadcast_in_dim3A_1678 = arith.constant 0.000000e+00 : f32
      %broadcast_in_dim3A_1679 = vector.broadcast %broadcast_in_dim3A_1678 : f32 to vector<16xf32>
      %scan3A_1680 = arith.constant 0 : i32
      %scan3A_1681 = arith.constant 62 : i32
      %scan3A_1682 = arith.addi %scan3A_1680, %scan3A_1681 : i32
      %scan3A_1683 = arith.constant 1 : i32
      %scan3A_1684:2 = scf.for %scan3A_1772 = %scan3A_1680 to %scan3A_1682 step %scan3A_1683 iter_args(%scan3A_1773 = %broadcast_in_dim3A_1677, %scan3A_1774 = %broadcast_in_dim3A_1679) -> (vector<16xf32>, vector<16xf32>)  : i32 {
        %mul3A_1775 = arith.constant 16 : i32
        %mul3A_1776 = arith.muli %scan3A_1772, %mul3A_1775 : i32
        %get3A_1777 = arith.constant 15 : i32
        %get3A_1778 = arith.index_cast %get3A_1777 : i32 to index
        %get3A_1779 = arith.index_cast %mul3A_1776 : i32 to index
        %get3A_1780 = tpu.vector_load %arg7[%get3A_1778, %get3A_1779] {strides = array<i32>} : memref<16x1000xf32, #tpu.memory_space<vmem>>, vector<1x16xf32>,
        %get3A_1781 = vector.shape_cast %get3A_1780 : vector<1x16xf32> to vector<16xf32>
        %sub3A_1782 = arith.subf %get3A_1781, %max3A_1675 : vector<16xf32>
        %exp3A_1783 = math.exp %sub3A_1782 : vector<16xf32>
        %add3A_1784 = arith.addf %scan3A_1773, %exp3A_1783 : vector<16xf32>
        %add3A_1785 = arith.addf %scan3A_1774, %get3A_1781 : vector<16xf32>
        scf.yield %add3A_1784, %add3A_1785 : vector<16xf32>, vector<16xf32>
      }
      %scan3A_1685 = arith.constant 62 : i32
      %sub3A_1686 = arith.subf %get3A_1672, %max3A_1675 : vector<16xf32>
      %exp3A_1687 = math.exp %sub3A_1686 : vector<16xf32>
      %jit3A_1688 = arith.constant 0.000000e+00 : f32
      %broadcast_in_dim3A_1689 = vector.broadcast %jit3A_1688 : f32 to vector<16xf32>
      %select_n3A_1690 = arith.select %ge3A_4, %exp3A_1687, %broadcast_in_dim3A_1689 : vector<16xi1>, vector<16xf32>
      %add3A_1691 = arith.addf %scan3A_1684#0, %select_n3A_1690 : vector<16xf32>
      %jit3A_1692 = arith.constant 0.000000e+00 : f32
      %broadcast_in_dim3A_1693 = vector.broadcast %jit3A_1692 : f32 to vector<16xf32>
      %select_n3A_1694 = arith.select %ge3A_4, %get3A_1672, %broadcast_in_dim3A_1693 : vector<16xi1>, vector<16xf32>
      %add3A_1695 = arith.addf %scan3A_1684#1, %select_n3A_1694 : vector<16xf32>
      %slice3A_1696 = vector.extract_strided_slice %get3A_26 {offsets = [15], sizes = [1], strides = [1]} : vector<16xi32> to vector<1xi32>
      %squeeze3A_1697 = vector.extract %slice3A_1696[0] : i32 from vector<1xi32>
      %jit3A_1698 = arith.constant 16 : i32
      %div3A_1699 = arith.divsi %squeeze3A_1697, %jit3A_1698 : i32
      %sign3A_1700 = arith.constant 0 : i32
      %sign3A_1701 = arith.cmpi sgt, %squeeze3A_1697, %sign3A_1700 : i32
      %sign3A_1702 = arith.extui %sign3A_1701 : i1 to i32
      %sign3A_1703 = arith.constant 0 : i32
      %sign3A_1704 = arith.cmpi slt, %squeeze3A_1697, %sign3A_1703 : i32
      %sign3A_1705 = arith.extui %sign3A_1704 : i1 to i32
      %sign3A_1706 = arith.subi %sign3A_1702, %sign3A_1705 : i32
      %sign3A_1707 = arith.constant 0 : i32
      %sign3A_1708 = arith.cmpi sgt, %jit3A_1698, %sign3A_1707 : i32
      %sign3A_1709 = arith.extui %sign3A_1708 : i1 to i32
      %sign3A_1710 = arith.constant 0 : i32
      %sign3A_1711 = arith.cmpi slt, %jit3A_1698, %sign3A_1710 : i32
      %sign3A_1712 = arith.extui %sign3A_1711 : i1 to i32
      %sign3A_1713 = arith.subi %sign3A_1709, %sign3A_1712 : i32
      %ne3A_1714 = arith.cmpi ne, %sign3A_1706, %sign3A_1713 : i32
      %rem3A_1715 = arith.remsi %squeeze3A_1697, %jit3A_1698 : i32
      %ne3A_1716 = arith.constant 0 : i32
      %ne3A_1717 = arith.cmpi ne, %rem3A_1715, %ne3A_1716 : i32
      %and3A_1718 = arith.andi %ne3A_1714, %ne3A_1717 : i1
      %sub3A_1719 = arith.constant 1 : i32
      %sub3A_1720 = arith.subi %div3A_1699, %sub3A_1719 : i32
      %select_n3A_1721 = arith.select %and3A_1718, %sub3A_1720, %div3A_1699 : i32
      %mul3A_1722 = arith.constant 16 : i32
      %mul3A_1723 = arith.muli %select_n3A_1721, %mul3A_1722 : i32
      %min3A_1724 = arith.constant 976 : i32
      %min3A_1725 = arith.minsi %mul3A_1723, %min3A_1724 : i32
      %get3A_1726 = arith.constant 15 : i32
      %get3A_1727 = arith.index_cast %get3A_1726 : i32 to index
      %get3A_1728 = arith.index_cast %min3A_1725 : i32 to index
      %get3A_1729 = tpu.vector_load %arg7[%get3A_1727, %get3A_1728] {strides = array<i32>} : memref<16x1000xf32, #tpu.memory_space<vmem>>, vector<1x16xf32>,
      %get3A_1730 = vector.shape_cast %get3A_1729 : vector<1x16xf32> to vector<16xf32>
      %ge3A_1731 = arith.constant 992 : i32
      %ge3A_1732 = arith.cmpi sge, %squeeze3A_1697, %ge3A_1731 : i32
      %select_n3A_1733 = arith.select %ge3A_1732, %get3A_1672, %get3A_1730 : vector<16xf32>
      %jit3A_1734 = arith.constant 984 : i32
      %select_n3A_1735 = arith.select %ge3A_1732, %jit3A_1734, %min3A_1725 : i32
      %sub3A_1736 = arith.subi %squeeze3A_1697, %select_n3A_1735 : i32
      %eq3A_1737 = vector.broadcast %sub3A_1736 : i32 to vector<16xi32>
      %eq3A_1738 = arith.cmpi eq, %iota3A, %eq3A_1737 : vector<16xi32>
      %jit3A_1739 = arith.constant 0.000000e+00 : f32
      %broadcast_in_dim3A_1740 = vector.broadcast %jit3A_1739 : f32 to vector<16xf32>
      %select_n3A_1741 = arith.select %eq3A_1738, %select_n3A_1733, %broadcast_in_dim3A_1740 : vector<16xi1>, vector<16xf32>
      %mul3A_1742 = arith.constant 16 : i32
      %mul3A_1743 = arith.muli %scan3A_18, %mul3A_1742 : i32
      %add3A_1744 = arith.constant 15 : i32
      %add3A_1745 = arith.addi %mul3A_1743, %add3A_1744 : i32
      %mul3A_1746 = arith.constant 16 : i32
      %mul3A_1747 = arith.muli %add3A_1745, %mul3A_1746 : i32
      %swap3A_1748 = arith.index_cast %mul3A_1747 : i32 to index
      %swap3A_1749 = tpu.vector_load %arg9[%swap3A_1748] {strides = array<i32>} : memref<2048xf32, #tpu.memory_space<vmem>>, vector<16xf32>,
      %swap3A_1750 = vector.shape_cast %swap3A_1749 : vector<16xf32> to vector<16xf32>
      %swap3A_1751 = vector.shape_cast %max3A_1675 : vector<16xf32> to vector<16xf32>
      tpu.vector_store %arg9[%swap3A_1748], %swap3A_1751 {strides = array<i32>} : memref<2048xf32, #tpu.memory_space<vmem>>, vector<16xf32>,
      %mul3A_1752 = arith.constant 16 : i32
      %mul3A_1753 = arith.muli %add3A_1745, %mul3A_1752 : i32
      %swap3A_1754 = arith.index_cast %mul3A_1753 : i32 to index
      %swap3A_1755 = tpu.vector_load %arg10[%swap3A_1754] {strides = array<i32>} : memref<2048xf32, #tpu.memory_space<vmem>>, vector<16xf32>,
      %swap3A_1756 = vector.shape_cast %swap3A_1755 : vector<16xf32> to vector<16xf32>
      %swap3A_1757 = vector.shape_cast %add3A_1691 : vector<16xf32> to vector<16xf32>
      tpu.vector_store %arg10[%swap3A_1754], %swap3A_1757 {strides = array<i32>} : memref<2048xf32, #tpu.memory_space<vmem>>, vector<16xf32>,
      %mul3A_1758 = arith.constant -0.899899899 : f32
      %mul3A_1759 = vector.broadcast %mul3A_1758 : f32 to vector<16xf32>
      %mul3A_1760 = arith.mulf %mul3A_1759, %select_n3A_1741 : vector<16xf32>
      %mul3A_1761 = arith.constant 1.001001E-4 : f32
      %mul3A_1762 = vector.broadcast %mul3A_1761 : f32 to vector<16xf32>
      %mul3A_1763 = arith.mulf %mul3A_1762, %add3A_1695 : vector<16xf32>
      %sub3A_1764 = arith.subf %mul3A_1760, %mul3A_1763 : vector<16xf32>
      %mul3A_1765 = arith.constant 16 : i32
      %mul3A_1766 = arith.muli %add3A_1745, %mul3A_1765 : i32
      %swap3A_1767 = arith.index_cast %mul3A_1766 : i32 to index
      %swap3A_1768 = tpu.vector_load %arg11[%swap3A_1767] {strides = array<i32>} : memref<2048xf32, #tpu.memory_space<vmem>>, vector<16xf32>,
      %swap3A_1769 = vector.shape_cast %swap3A_1768 : vector<16xf32> to vector<16xf32>
      %swap3A_1770 = vector.shape_cast %sub3A_1764 : vector<16xf32> to vector<16xf32>
      tpu.vector_store %arg11[%swap3A_1767], %swap3A_1770 {strides = array<i32>} : memref<2048xf32, #tpu.memory_space<vmem>>, vector<16xf32>,
      %scan3A_1771 = arith.constant 0 : i32
      scf.yield %scan3A_1771 : i32
    }
    %scan3A_11 = arith.constant 8 : i32
    %mul3A_12 = arith.constant 16 : i32
    %mul3A_13 = arith.muli %mul3A_2, %mul3A_12 : i32
    "tpu.region"() ({
      %run_scoped3A = tpu.sem_alloc : memref<!tpu.dma_semaphore, #tpu.memory_space<semaphore_mem>>
      %dma_start3A = tpu.memref_slice %arg4[%mul3A_13] : memref<65536xf32, #tpu.memory_space<hbm>> -> memref<2048xf32, #tpu.memory_space<hbm>>
      %dma_start3A_18 = tpu.memref_slice %arg4[%mul3A_13] : memref<65536xf32, #tpu.memory_space<hbm>> -> memref<2048xf32, #tpu.memory_space<hbm>>
      tpu.enqueue_dma source(%arg9 : memref<2048xf32, #tpu.memory_space<vmem>>) target(%dma_start3A_18 : memref<2048xf32, #tpu.memory_space<hbm>>) target_semaphore(%run_scoped3A : memref<!tpu.dma_semaphore, #tpu.memory_space<semaphore_mem>>)
      %dma_wait3A = tpu.memref_slice %arg4[%mul3A_13] : memref<65536xf32, #tpu.memory_space<hbm>> -> memref<2048xf32, #tpu.memory_space<hbm>>
      %dma_wait3A_19 = tpu.memref_slice %arg4[%mul3A_13] : memref<65536xf32, #tpu.memory_space<hbm>> -> memref<2048xf32, #tpu.memory_space<hbm>>
      tpu.wait_dma2 semaphore(%run_scoped3A : memref<!tpu.dma_semaphore, #tpu.memory_space<semaphore_mem>>) src(%arg9 : memref<2048xf32, #tpu.memory_space<vmem>>) dst(%dma_wait3A_19 : memref<2048xf32, #tpu.memory_space<hbm>>)
      tpu.yield
    }) : () -> ()
    %mul3A_14 = arith.constant 16 : i32
    %mul3A_15 = arith.muli %mul3A_2, %mul3A_14 : i32
    "tpu.region"() ({
      %run_scoped3A = tpu.sem_alloc : memref<!tpu.dma_semaphore, #tpu.memory_space<semaphore_mem>>
      %dma_start3A = tpu.memref_slice %arg5[%mul3A_15] : memref<65536xf32, #tpu.memory_space<hbm>> -> memref<2048xf32, #tpu.memory_space<hbm>>
      %dma_start3A_18 = tpu.memref_slice %arg5[%mul3A_15] : memref<65536xf32, #tpu.memory_space<hbm>> -> memref<2048xf32, #tpu.memory_space<hbm>>
      tpu.enqueue_dma source(%arg10 : memref<2048xf32, #tpu.memory_space<vmem>>) target(%dma_start3A_18 : memref<2048xf32, #tpu.memory_space<hbm>>) target_semaphore(%run_scoped3A : memref<!tpu.dma_semaphore, #tpu.memory_space<semaphore_mem>>)
      %dma_wait3A = tpu.memref_slice %arg5[%mul3A_15] : memref<65536xf32, #tpu.memory_space<hbm>> -> memref<2048xf32, #tpu.memory_space<hbm>>
      %dma_wait3A_19 = tpu.memref_slice %arg5[%mul3A_15] : memref<65536xf32, #tpu.memory_space<hbm>> -> memref<2048xf32, #tpu.memory_space<hbm>>
      tpu.wait_dma2 semaphore(%run_scoped3A : memref<!tpu.dma_semaphore, #tpu.memory_space<semaphore_mem>>) src(%arg10 : memref<2048xf32, #tpu.memory_space<vmem>>) dst(%dma_wait3A_19 : memref<2048xf32, #tpu.memory_space<hbm>>)
      tpu.yield
    }) : () -> ()
    %mul3A_16 = arith.constant 16 : i32
    %mul3A_17 = arith.muli %mul3A_2, %mul3A_16 : i32
    "tpu.region"() ({
      %run_scoped3A = tpu.sem_alloc : memref<!tpu.dma_semaphore, #tpu.memory_space<semaphore_mem>>
      %dma_start3A = tpu.memref_slice %arg6[%mul3A_17] : memref<65536xf32, #tpu.memory_space<hbm>> -> memref<2048xf32, #tpu.memory_space<hbm>>
      %dma_start3A_18 = tpu.memref_slice %arg6[%mul3A_17] : memref<65536xf32, #tpu.memory_space<hbm>> -> memref<2048xf32, #tpu.memory_space<hbm>>
      tpu.enqueue_dma source(%arg11 : memref<2048xf32, #tpu.memory_space<vmem>>) target(%dma_start3A_18 : memref<2048xf32, #tpu.memory_space<hbm>>) target_semaphore(%run_scoped3A : memref<!tpu.dma_semaphore, #tpu.memory_space<semaphore_mem>>)
      %dma_wait3A = tpu.memref_slice %arg6[%mul3A_17] : memref<65536xf32, #tpu.memory_space<hbm>> -> memref<2048xf32, #tpu.memory_space<hbm>>
      %dma_wait3A_19 = tpu.memref_slice %arg6[%mul3A_17] : memref<65536xf32, #tpu.memory_space<hbm>> -> memref<2048xf32, #tpu.memory_space<hbm>>
      tpu.wait_dma2 semaphore(%run_scoped3A : memref<!tpu.dma_semaphore, #tpu.memory_space<semaphore_mem>>) src(%arg11 : memref<2048xf32, #tpu.memory_space<vmem>>) dst(%dma_wait3A_19 : memref<2048xf32, #tpu.memory_space<hbm>>)
      tpu.yield
    }) : () -> ()
    return
  }
}

module attributes {stable_mosaic.version = 14 : i64} {
  func.func @_loss_kernel(%arg0: i32, %arg1: memref<1024x1000xf32, #tpu.memory_space<vmem>>, %arg2: memref<1x1x1024xi32, #tpu.memory_space<vmem>>, %arg3: memref<1x1x1024xf32, #tpu.memory_space<vmem>>) attributes {dimension_semantics = [#tpu.dimension_semantics<parallel>], iteration_bounds = array<i64: 12>, scalar_prefetch = 0 : i64, scratch_operands = 0 : i64, tpu.core_type = #tpu.core_type<tc>, window_params = [{transform_indices = @transform_0, window_bounds = array<i64: 1024, 1000>}, {transform_indices = @transform_1, window_bounds = array<i64: 1, 1, 1024>}, {transform_indices = @transform_2, window_bounds = array<i64: 1, 1, 1024>}]} {
    %get3A = arith.constant 0 : index
    %get3A_0 = arith.constant 0 : index
    %get3A_1 = arith.constant 0 : index
    %get3A_2 = vector.load %arg2[%get3A, %get3A_0, %get3A_1] : memref<1x1x1024xi32, #tpu.memory_space<vmem>>, vector<1x1x1024xi32>
    %get3A_3 = vector.shape_cast %get3A_2 : vector<1x1x1024xi32> to vector<1024xi32>
    %broadcast_in_dim3A = vector.shape_cast %get3A_3 : vector<1024xi32> to vector<1024x1xi32>
    %broadcast_in_dim3A_4 = arith.constant -3.000000e+38 : f32
    %broadcast_in_dim3A_5 = vector.broadcast %broadcast_in_dim3A_4 : f32 to vector<1024x128xf32>
    %broadcast_in_dim3A_6 = arith.constant 0.000000e+00 : f32
    %broadcast_in_dim3A_7 = vector.broadcast %broadcast_in_dim3A_6 : f32 to vector<1024x128xf32>
    %broadcast_in_dim3A_8 = arith.constant 0.000000e+00 : f32
    %broadcast_in_dim3A_9 = vector.broadcast %broadcast_in_dim3A_8 : f32 to vector<1024x128xf32>
    %get3A_10 = arith.constant 0 : index
    %get3A_11 = arith.constant 0 : index
    %get3A_12 = vector.load %arg1[%get3A_10, %get3A_11] : memref<1024x1000xf32, #tpu.memory_space<vmem>>, vector<1024x128xf32>
    %iota3A = tpu.iota {dimensions = array<i32: 1>} : vector<1024x128xi32>
    %add3A = arith.constant 0 : i32
    %add3A_13 = vector.broadcast %add3A : i32 to vector<1024x128xi32>
    %add3A_14 = arith.addi %iota3A, %add3A_13 : vector<1024x128xi32>
    %eq3A = vector.broadcast %broadcast_in_dim3A : vector<1024x1xi32> to vector<1024x128xi32>
    %eq3A_15 = arith.cmpi eq, %add3A_14, %eq3A : vector<1024x128xi32>
    %max3A = arith.maximumf %broadcast_in_dim3A_5, %get3A_12 : vector<1024x128xf32>
    %add3A_16 = arith.addf %broadcast_in_dim3A_7, %get3A_12 : vector<1024x128xf32>
    %jit3A = arith.constant 0.000000e+00 : f32
    %broadcast_in_dim3A_17 = vector.broadcast %jit3A : f32 to vector<1024x128xf32>
    %select_n3A = arith.select %eq3A_15, %get3A_12, %broadcast_in_dim3A_17 : vector<1024x128xi1>, vector<1024x128xf32>
    %add3A_18 = arith.addf %broadcast_in_dim3A_9, %select_n3A : vector<1024x128xf32>
    %get3A_19 = arith.constant 0 : index
    %get3A_20 = arith.constant 128 : index
    %get3A_21 = vector.load %arg1[%get3A_19, %get3A_20] : memref<1024x1000xf32, #tpu.memory_space<vmem>>, vector<1024x128xf32>
    %iota3A_22 = tpu.iota {dimensions = array<i32: 1>} : vector<1024x128xi32>
    %add3A_23 = arith.constant 128 : i32
    %add3A_24 = vector.broadcast %add3A_23 : i32 to vector<1024x128xi32>
    %add3A_25 = arith.addi %iota3A_22, %add3A_24 : vector<1024x128xi32>
    %eq3A_26 = vector.broadcast %broadcast_in_dim3A : vector<1024x1xi32> to vector<1024x128xi32>
    %eq3A_27 = arith.cmpi eq, %add3A_25, %eq3A_26 : vector<1024x128xi32>
    %max3A_28 = arith.maximumf %max3A, %get3A_21 : vector<1024x128xf32>
    %add3A_29 = arith.addf %add3A_16, %get3A_21 : vector<1024x128xf32>
    %jit3A_30 = arith.constant 0.000000e+00 : f32
    %broadcast_in_dim3A_31 = vector.broadcast %jit3A_30 : f32 to vector<1024x128xf32>
    %select_n3A_32 = arith.select %eq3A_27, %get3A_21, %broadcast_in_dim3A_31 : vector<1024x128xi1>, vector<1024x128xf32>
    %add3A_33 = arith.addf %add3A_18, %select_n3A_32 : vector<1024x128xf32>
    %get3A_34 = arith.constant 0 : index
    %get3A_35 = arith.constant 256 : index
    %get3A_36 = vector.load %arg1[%get3A_34, %get3A_35] : memref<1024x1000xf32, #tpu.memory_space<vmem>>, vector<1024x128xf32>
    %iota3A_37 = tpu.iota {dimensions = array<i32: 1>} : vector<1024x128xi32>
    %add3A_38 = arith.constant 256 : i32
    %add3A_39 = vector.broadcast %add3A_38 : i32 to vector<1024x128xi32>
    %add3A_40 = arith.addi %iota3A_37, %add3A_39 : vector<1024x128xi32>
    %eq3A_41 = vector.broadcast %broadcast_in_dim3A : vector<1024x1xi32> to vector<1024x128xi32>
    %eq3A_42 = arith.cmpi eq, %add3A_40, %eq3A_41 : vector<1024x128xi32>
    %max3A_43 = arith.maximumf %max3A_28, %get3A_36 : vector<1024x128xf32>
    %add3A_44 = arith.addf %add3A_29, %get3A_36 : vector<1024x128xf32>
    %jit3A_45 = arith.constant 0.000000e+00 : f32
    %broadcast_in_dim3A_46 = vector.broadcast %jit3A_45 : f32 to vector<1024x128xf32>
    %select_n3A_47 = arith.select %eq3A_42, %get3A_36, %broadcast_in_dim3A_46 : vector<1024x128xi1>, vector<1024x128xf32>
    %add3A_48 = arith.addf %add3A_33, %select_n3A_47 : vector<1024x128xf32>
    %get3A_49 = arith.constant 0 : index
    %get3A_50 = arith.constant 384 : index
    %get3A_51 = vector.load %arg1[%get3A_49, %get3A_50] : memref<1024x1000xf32, #tpu.memory_space<vmem>>, vector<1024x128xf32>
    %iota3A_52 = tpu.iota {dimensions = array<i32: 1>} : vector<1024x128xi32>
    %add3A_53 = arith.constant 384 : i32
    %add3A_54 = vector.broadcast %add3A_53 : i32 to vector<1024x128xi32>
    %add3A_55 = arith.addi %iota3A_52, %add3A_54 : vector<1024x128xi32>
    %eq3A_56 = vector.broadcast %broadcast_in_dim3A : vector<1024x1xi32> to vector<1024x128xi32>
    %eq3A_57 = arith.cmpi eq, %add3A_55, %eq3A_56 : vector<1024x128xi32>
    %max3A_58 = arith.maximumf %max3A_43, %get3A_51 : vector<1024x128xf32>
    %add3A_59 = arith.addf %add3A_44, %get3A_51 : vector<1024x128xf32>
    %jit3A_60 = arith.constant 0.000000e+00 : f32
    %broadcast_in_dim3A_61 = vector.broadcast %jit3A_60 : f32 to vector<1024x128xf32>
    %select_n3A_62 = arith.select %eq3A_57, %get3A_51, %broadcast_in_dim3A_61 : vector<1024x128xi1>, vector<1024x128xf32>
    %add3A_63 = arith.addf %add3A_48, %select_n3A_62 : vector<1024x128xf32>
    %get3A_64 = arith.constant 0 : index
    %get3A_65 = arith.constant 512 : index
    %get3A_66 = vector.load %arg1[%get3A_64, %get3A_65] : memref<1024x1000xf32, #tpu.memory_space<vmem>>, vector<1024x128xf32>
    %iota3A_67 = tpu.iota {dimensions = array<i32: 1>} : vector<1024x128xi32>
    %add3A_68 = arith.constant 512 : i32
    %add3A_69 = vector.broadcast %add3A_68 : i32 to vector<1024x128xi32>
    %add3A_70 = arith.addi %iota3A_67, %add3A_69 : vector<1024x128xi32>
    %eq3A_71 = vector.broadcast %broadcast_in_dim3A : vector<1024x1xi32> to vector<1024x128xi32>
    %eq3A_72 = arith.cmpi eq, %add3A_70, %eq3A_71 : vector<1024x128xi32>
    %max3A_73 = arith.maximumf %max3A_58, %get3A_66 : vector<1024x128xf32>
    %add3A_74 = arith.addf %add3A_59, %get3A_66 : vector<1024x128xf32>
    %jit3A_75 = arith.constant 0.000000e+00 : f32
    %broadcast_in_dim3A_76 = vector.broadcast %jit3A_75 : f32 to vector<1024x128xf32>
    %select_n3A_77 = arith.select %eq3A_72, %get3A_66, %broadcast_in_dim3A_76 : vector<1024x128xi1>, vector<1024x128xf32>
    %add3A_78 = arith.addf %add3A_63, %select_n3A_77 : vector<1024x128xf32>
    %get3A_79 = arith.constant 0 : index
    %get3A_80 = arith.constant 640 : index
    %get3A_81 = vector.load %arg1[%get3A_79, %get3A_80] : memref<1024x1000xf32, #tpu.memory_space<vmem>>, vector<1024x128xf32>
    %iota3A_82 = tpu.iota {dimensions = array<i32: 1>} : vector<1024x128xi32>
    %add3A_83 = arith.constant 640 : i32
    %add3A_84 = vector.broadcast %add3A_83 : i32 to vector<1024x128xi32>
    %add3A_85 = arith.addi %iota3A_82, %add3A_84 : vector<1024x128xi32>
    %eq3A_86 = vector.broadcast %broadcast_in_dim3A : vector<1024x1xi32> to vector<1024x128xi32>
    %eq3A_87 = arith.cmpi eq, %add3A_85, %eq3A_86 : vector<1024x128xi32>
    %max3A_88 = arith.maximumf %max3A_73, %get3A_81 : vector<1024x128xf32>
    %add3A_89 = arith.addf %add3A_74, %get3A_81 : vector<1024x128xf32>
    %jit3A_90 = arith.constant 0.000000e+00 : f32
    %broadcast_in_dim3A_91 = vector.broadcast %jit3A_90 : f32 to vector<1024x128xf32>
    %select_n3A_92 = arith.select %eq3A_87, %get3A_81, %broadcast_in_dim3A_91 : vector<1024x128xi1>, vector<1024x128xf32>
    %add3A_93 = arith.addf %add3A_78, %select_n3A_92 : vector<1024x128xf32>
    %get3A_94 = arith.constant 0 : index
    %get3A_95 = arith.constant 768 : index
    %get3A_96 = vector.load %arg1[%get3A_94, %get3A_95] : memref<1024x1000xf32, #tpu.memory_space<vmem>>, vector<1024x128xf32>
    %iota3A_97 = tpu.iota {dimensions = array<i32: 1>} : vector<1024x128xi32>
    %add3A_98 = arith.constant 768 : i32
    %add3A_99 = vector.broadcast %add3A_98 : i32 to vector<1024x128xi32>
    %add3A_100 = arith.addi %iota3A_97, %add3A_99 : vector<1024x128xi32>
    %eq3A_101 = vector.broadcast %broadcast_in_dim3A : vector<1024x1xi32> to vector<1024x128xi32>
    %eq3A_102 = arith.cmpi eq, %add3A_100, %eq3A_101 : vector<1024x128xi32>
    %max3A_103 = arith.maximumf %max3A_88, %get3A_96 : vector<1024x128xf32>
    %add3A_104 = arith.addf %add3A_89, %get3A_96 : vector<1024x128xf32>
    %jit3A_105 = arith.constant 0.000000e+00 : f32
    %broadcast_in_dim3A_106 = vector.broadcast %jit3A_105 : f32 to vector<1024x128xf32>
    %select_n3A_107 = arith.select %eq3A_102, %get3A_96, %broadcast_in_dim3A_106 : vector<1024x128xi1>, vector<1024x128xf32>
    %add3A_108 = arith.addf %add3A_93, %select_n3A_107 : vector<1024x128xf32>
    %get3A_109 = arith.constant 0 : index
    %get3A_110 = arith.constant 872 : index
    %get3A_111 = vector.load %arg1[%get3A_109, %get3A_110] : memref<1024x1000xf32, #tpu.memory_space<vmem>>, vector<1024x128xf32>
    %iota3A_112 = tpu.iota {dimensions = array<i32: 1>} : vector<1024x128xi32>
    %add3A_113 = arith.constant 872 : i32
    %add3A_114 = vector.broadcast %add3A_113 : i32 to vector<1024x128xi32>
    %add3A_115 = arith.addi %iota3A_112, %add3A_114 : vector<1024x128xi32>
    %eq3A_116 = vector.broadcast %broadcast_in_dim3A : vector<1024x1xi32> to vector<1024x128xi32>
    %eq3A_117 = arith.cmpi eq, %add3A_115, %eq3A_116 : vector<1024x128xi32>
    %ge3A = arith.constant 896 : i32
    %ge3A_118 = vector.broadcast %ge3A : i32 to vector<1024x128xi32>
    %ge3A_119 = arith.cmpi sge, %add3A_115, %ge3A_118 : vector<1024x128xi32>
    %jit3A_120 = arith.constant 0.000000e+00 : f32
    %broadcast_in_dim3A_121 = vector.broadcast %jit3A_120 : f32 to vector<1024x128xf32>
    %select_n3A_122 = arith.select %ge3A_119, %get3A_111, %broadcast_in_dim3A_121 : vector<1024x128xi1>, vector<1024x128xf32>
    %jit3A_123 = arith.constant -3.000000e+38 : f32
    %broadcast_in_dim3A_124 = vector.broadcast %jit3A_123 : f32 to vector<1024x128xf32>
    %select_n3A_125 = arith.select %ge3A_119, %select_n3A_122, %broadcast_in_dim3A_124 : vector<1024x128xi1>, vector<1024x128xf32>
    %max3A_126 = arith.maximumf %max3A_103, %select_n3A_125 : vector<1024x128xf32>
    %and3A = arith.andi %eq3A_117, %ge3A_119 : vector<1024x128xi1>
    %add3A_127 = arith.addf %add3A_104, %select_n3A_122 : vector<1024x128xf32>
    %jit3A_128 = arith.constant 0.000000e+00 : f32
    %broadcast_in_dim3A_129 = vector.broadcast %jit3A_128 : f32 to vector<1024x128xf32>
    %select_n3A_130 = arith.select %and3A, %select_n3A_122, %broadcast_in_dim3A_129 : vector<1024x128xi1>, vector<1024x128xf32>
    %add3A_131 = arith.addf %add3A_108, %select_n3A_130 : vector<1024x128xf32>
    %reduce_max3A = arith.constant dense<0xFF800000> : vector<1024xf32>
    %reduce_max3A_132 = vector.multi_reduction <maximumf>, %max3A_126, %reduce_max3A [1] : vector<1024x128xf32> to vector<1024xf32>
    %broadcast_in_dim3A_133 = vector.shape_cast %reduce_max3A_132 : vector<1024xf32> to vector<1024x1xf32>
    %reduce_sum3A = arith.constant dense<0.000000e+00> : vector<1024xf32>
    %reduce_sum3A_134 = vector.multi_reduction <add>, %add3A_127, %reduce_sum3A [1] : vector<1024x128xf32> to vector<1024xf32>
    %reduce_sum3A_135 = arith.constant dense<0.000000e+00> : vector<1024xf32>
    %reduce_sum3A_136 = vector.multi_reduction <add>, %add3A_131, %reduce_sum3A_135 [1] : vector<1024x128xf32> to vector<1024xf32>
    %broadcast_in_dim3A_137 = arith.constant 0.000000e+00 : f32
    %broadcast_in_dim3A_138 = vector.broadcast %broadcast_in_dim3A_137 : f32 to vector<1024x128xf32>
    %get3A_139 = arith.constant 0 : index
    %get3A_140 = arith.constant 0 : index
    %get3A_141 = vector.load %arg1[%get3A_139, %get3A_140] : memref<1024x1000xf32, #tpu.memory_space<vmem>>, vector<1024x128xf32>
    %sub3A = vector.broadcast %broadcast_in_dim3A_133 : vector<1024x1xf32> to vector<1024x128xf32>
    %sub3A_142 = arith.subf %get3A_141, %sub3A : vector<1024x128xf32>
    %exp3A = math.exp %sub3A_142 : vector<1024x128xf32>
    %add3A_143 = arith.addf %broadcast_in_dim3A_138, %exp3A : vector<1024x128xf32>
    %get3A_144 = arith.constant 0 : index
    %get3A_145 = arith.constant 128 : index
    %get3A_146 = vector.load %arg1[%get3A_144, %get3A_145] : memref<1024x1000xf32, #tpu.memory_space<vmem>>, vector<1024x128xf32>
    %sub3A_147 = vector.broadcast %broadcast_in_dim3A_133 : vector<1024x1xf32> to vector<1024x128xf32>
    %sub3A_148 = arith.subf %get3A_146, %sub3A_147 : vector<1024x128xf32>
    %exp3A_149 = math.exp %sub3A_148 : vector<1024x128xf32>
    %add3A_150 = arith.addf %add3A_143, %exp3A_149 : vector<1024x128xf32>
    %get3A_151 = arith.constant 0 : index
    %get3A_152 = arith.constant 256 : index
    %get3A_153 = vector.load %arg1[%get3A_151, %get3A_152] : memref<1024x1000xf32, #tpu.memory_space<vmem>>, vector<1024x128xf32>
    %sub3A_154 = vector.broadcast %broadcast_in_dim3A_133 : vector<1024x1xf32> to vector<1024x128xf32>
    %sub3A_155 = arith.subf %get3A_153, %sub3A_154 : vector<1024x128xf32>
    %exp3A_156 = math.exp %sub3A_155 : vector<1024x128xf32>
    %add3A_157 = arith.addf %add3A_150, %exp3A_156 : vector<1024x128xf32>
    %get3A_158 = arith.constant 0 : index
    %get3A_159 = arith.constant 384 : index
    %get3A_160 = vector.load %arg1[%get3A_158, %get3A_159] : memref<1024x1000xf32, #tpu.memory_space<vmem>>, vector<1024x128xf32>
    %sub3A_161 = vector.broadcast %broadcast_in_dim3A_133 : vector<1024x1xf32> to vector<1024x128xf32>
    %sub3A_162 = arith.subf %get3A_160, %sub3A_161 : vector<1024x128xf32>
    %exp3A_163 = math.exp %sub3A_162 : vector<1024x128xf32>
    %add3A_164 = arith.addf %add3A_157, %exp3A_163 : vector<1024x128xf32>
    %get3A_165 = arith.constant 0 : index
    %get3A_166 = arith.constant 512 : index
    %get3A_167 = vector.load %arg1[%get3A_165, %get3A_166] : memref<1024x1000xf32, #tpu.memory_space<vmem>>, vector<1024x128xf32>
    %sub3A_168 = vector.broadcast %broadcast_in_dim3A_133 : vector<1024x1xf32> to vector<1024x128xf32>
    %sub3A_169 = arith.subf %get3A_167, %sub3A_168 : vector<1024x128xf32>
    %exp3A_170 = math.exp %sub3A_169 : vector<1024x128xf32>
    %add3A_171 = arith.addf %add3A_164, %exp3A_170 : vector<1024x128xf32>
    %get3A_172 = arith.constant 0 : index
    %get3A_173 = arith.constant 640 : index
    %get3A_174 = vector.load %arg1[%get3A_172, %get3A_173] : memref<1024x1000xf32, #tpu.memory_space<vmem>>, vector<1024x128xf32>
    %sub3A_175 = vector.broadcast %broadcast_in_dim3A_133 : vector<1024x1xf32> to vector<1024x128xf32>
    %sub3A_176 = arith.subf %get3A_174, %sub3A_175 : vector<1024x128xf32>
    %exp3A_177 = math.exp %sub3A_176 : vector<1024x128xf32>
    %add3A_178 = arith.addf %add3A_171, %exp3A_177 : vector<1024x128xf32>
    %get3A_179 = arith.constant 0 : index
    %get3A_180 = arith.constant 768 : index
    %get3A_181 = vector.load %arg1[%get3A_179, %get3A_180] : memref<1024x1000xf32, #tpu.memory_space<vmem>>, vector<1024x128xf32>
    %sub3A_182 = vector.broadcast %broadcast_in_dim3A_133 : vector<1024x1xf32> to vector<1024x128xf32>
    %sub3A_183 = arith.subf %get3A_181, %sub3A_182 : vector<1024x128xf32>
    %exp3A_184 = math.exp %sub3A_183 : vector<1024x128xf32>
    %add3A_185 = arith.addf %add3A_178, %exp3A_184 : vector<1024x128xf32>
    %get3A_186 = arith.constant 0 : index
    %get3A_187 = arith.constant 872 : index
    %get3A_188 = vector.load %arg1[%get3A_186, %get3A_187] : memref<1024x1000xf32, #tpu.memory_space<vmem>>, vector<1024x128xf32>
    %iota3A_189 = tpu.iota {dimensions = array<i32: 1>} : vector<1024x128xi32>
    %add3A_190 = arith.constant 872 : i32
    %add3A_191 = vector.broadcast %add3A_190 : i32 to vector<1024x128xi32>
    %add3A_192 = arith.addi %iota3A_189, %add3A_191 : vector<1024x128xi32>
    %ge3A_193 = arith.constant 896 : i32
    %ge3A_194 = vector.broadcast %ge3A_193 : i32 to vector<1024x128xi32>
    %ge3A_195 = arith.cmpi sge, %add3A_192, %ge3A_194 : vector<1024x128xi32>
    %jit3A_196 = arith.constant -3.000000e+38 : f32
    %broadcast_in_dim3A_197 = vector.broadcast %jit3A_196 : f32 to vector<1024x128xf32>
    %select_n3A_198 = arith.select %ge3A_195, %get3A_188, %broadcast_in_dim3A_197 : vector<1024x128xi1>, vector<1024x128xf32>
    %sub3A_199 = vector.broadcast %broadcast_in_dim3A_133 : vector<1024x1xf32> to vector<1024x128xf32>
    %sub3A_200 = arith.subf %select_n3A_198, %sub3A_199 : vector<1024x128xf32>
    %exp3A_201 = math.exp %sub3A_200 : vector<1024x128xf32>
    %add3A_202 = arith.addf %add3A_185, %exp3A_201 : vector<1024x128xf32>
    %reduce_sum3A_203 = arith.constant dense<0.000000e+00> : vector<1024xf32>
    %reduce_sum3A_204 = vector.multi_reduction <add>, %add3A_202, %reduce_sum3A_203 [1] : vector<1024x128xf32> to vector<1024xf32>
    %log3A = math.log %reduce_sum3A_204 : vector<1024xf32>
    %squeeze3A = vector.shape_cast %broadcast_in_dim3A_133 : vector<1024x1xf32> to vector<1024xf32>
    %add3A_205 = arith.addf %log3A, %squeeze3A : vector<1024xf32>
    %mul3A = arith.constant 0.899899899 : f32
    %mul3A_206 = vector.broadcast %mul3A : f32 to vector<1024xf32>
    %mul3A_207 = arith.mulf %mul3A_206, %reduce_sum3A_136 : vector<1024xf32>
    %sub3A_208 = arith.subf %add3A_205, %mul3A_207 : vector<1024xf32>
    %mul3A_209 = arith.constant 1.001001E-4 : f32
    %mul3A_210 = vector.broadcast %mul3A_209 : f32 to vector<1024xf32>
    %mul3A_211 = arith.mulf %mul3A_210, %reduce_sum3A_134 : vector<1024xf32>
    %sub3A_212 = arith.subf %sub3A_208, %mul3A_211 : vector<1024xf32>
    %swap3A = arith.constant 0 : index
    %swap3A_213 = arith.constant 0 : index
    %swap3A_214 = arith.constant 0 : index
    %swap3A_215 = vector.load %arg3[%swap3A, %swap3A_213, %swap3A_214] : memref<1x1x1024xf32, #tpu.memory_space<vmem>>, vector<1x1x1024xf32>
    %swap3A_216 = vector.shape_cast %swap3A_215 : vector<1x1x1024xf32> to vector<1024xf32>
    %swap3A_217 = vector.shape_cast %sub3A_212 : vector<1024xf32> to vector<1x1x1024xf32>
    tpu.vector_store %arg3[%swap3A, %swap3A_213, %swap3A_214], %swap3A_217 {strides = array<i32>} : memref<1x1x1024xf32, #tpu.memory_space<vmem>>, vector<1x1x1024xf32>,
    return
  }
  func.func @transform_0(%arg0: i32) -> (i32, i32) {
    %c0_i32 = arith.constant 0 : i32
    %c0_i32_0 = arith.constant 0 : i32
    return %arg0, %c0_i32 : i32, i32
  }
  func.func @transform_1(%arg0: i32) -> (i32, i32, i32) {
    %c0_i32 = arith.constant 0 : i32
    %c0_i32_0 = arith.constant 0 : i32
    %c0_i32_1 = arith.constant 0 : i32
    return %arg0, %c0_i32, %c0_i32_0 : i32, i32, i32
  }
  func.func @transform_2(%arg0: i32) -> (i32, i32, i32) {
    %c0_i32 = arith.constant 0 : i32
    %c0_i32_0 = arith.constant 0 : i32
    %c0_i32_1 = arith.constant 0 : i32
    return %arg0, %c0_i32, %c0_i32_0 : i32, i32, i32
  }
}

module attributes {stable_mosaic.version = 14 : i64} {
  func.func @_select_kernel(%arg0: memref<12x1x1024xf32, #tpu.memory_space<vmem>>, %arg1: memref<4096x16xf32, #tpu.memory_space<vmem>>, %arg2: memref<4096x16xf32, #tpu.memory_space<vmem>>, %arg3: memref<4096x16xf32, #tpu.memory_space<vmem>>, %arg4: memref<1x1xf32, #tpu.memory_space<vmem>>) attributes {dimension_semantics = [], scalar_prefetch = 0 : i64, scratch_operands = 0 : i64, tpu.core_type = #tpu.core_type<tc>} {
    %get3A = arith.constant 0 : index
    %get3A_0 = arith.constant 0 : index
    %get3A_1 = arith.constant 0 : index
    %get3A_2 = vector.load %arg0[%get3A, %get3A_0, %get3A_1] : memref<12x1x1024xf32, #tpu.memory_space<vmem>>, vector<12x1x1024xf32>
    %get3A_3 = vector.shape_cast %get3A_2 : vector<12x1x1024xf32> to vector<12x1024xf32>
    %get3A_4 = arith.constant 0 : index
    %get3A_5 = arith.constant 0 : index
    %get3A_6 = vector.load %arg1[%get3A_4, %get3A_5] : memref<4096x16xf32, #tpu.memory_space<vmem>>, vector<4096x16xf32>
    %reduce_max3A = arith.constant dense<0xFF800000> : vector<4096xf32>
    %reduce_max3A_7 = vector.multi_reduction <maximumf>, %get3A_6, %reduce_max3A [1] : vector<4096x16xf32> to vector<4096xf32>
    %get3A_8 = arith.constant 0 : index
    %get3A_9 = arith.constant 0 : index
    %get3A_10 = vector.load %arg2[%get3A_8, %get3A_9] : memref<4096x16xf32, #tpu.memory_space<vmem>>, vector<4096x16xf32>
    %broadcast_in_dim3A = vector.shape_cast %reduce_max3A_7 : vector<4096xf32> to vector<4096x1xf32>
    %sub3A = vector.broadcast %broadcast_in_dim3A : vector<4096x1xf32> to vector<4096x16xf32>
    %sub3A_11 = arith.subf %get3A_6, %sub3A : vector<4096x16xf32>
    %exp3A = math.exp %sub3A_11 : vector<4096x16xf32>
    %mul3A = arith.mulf %get3A_10, %exp3A : vector<4096x16xf32>
    %reduce_sum3A = arith.constant dense<0.000000e+00> : vector<4096xf32>
    %reduce_sum3A_12 = vector.multi_reduction <add>, %mul3A, %reduce_sum3A [1] : vector<4096x16xf32> to vector<4096xf32>
    %log3A = math.log %reduce_sum3A_12 : vector<4096xf32>
    %add3A = arith.addf %log3A, %reduce_max3A_7 : vector<4096xf32>
    %get3A_13 = arith.constant 0 : index
    %get3A_14 = arith.constant 0 : index
    %get3A_15 = vector.load %arg3[%get3A_13, %get3A_14] : memref<4096x16xf32, #tpu.memory_space<vmem>>, vector<4096x16xf32>
    %reduce_sum3A_16 = arith.constant dense<0.000000e+00> : vector<4096xf32>
    %reduce_sum3A_17 = vector.multi_reduction <add>, %get3A_15, %reduce_sum3A_16 [1] : vector<4096x16xf32> to vector<4096xf32>
    %add3A_18 = arith.addf %add3A, %reduce_sum3A_17 : vector<4096xf32>
    %bitcast_convert_type3A = tpu.bitcast %get3A_3 : vector<12x1024xf32> -> vector<12x1024xi32>
    %lt3A = arith.constant 0 : i32
    %lt3A_19 = vector.broadcast %lt3A : i32 to vector<12x1024xi32>
    %lt3A_20 = arith.cmpi slt, %bitcast_convert_type3A, %lt3A_19 : vector<12x1024xi32>
    %xor3A = arith.constant 2147483647 : i32
    %xor3A_21 = vector.broadcast %xor3A : i32 to vector<12x1024xi32>
    %xor3A_22 = arith.xori %bitcast_convert_type3A, %xor3A_21 : vector<12x1024xi32>
    %select_n3A = arith.select %lt3A_20, %xor3A_22, %bitcast_convert_type3A : vector<12x1024xi1>, vector<12x1024xi32>
    %bitcast_convert_type3A_23 = tpu.bitcast %add3A_18 : vector<4096xf32> -> vector<4096xi32>
    %lt3A_24 = arith.constant 0 : i32
    %lt3A_25 = vector.broadcast %lt3A_24 : i32 to vector<4096xi32>
    %lt3A_26 = arith.cmpi slt, %bitcast_convert_type3A_23, %lt3A_25 : vector<4096xi32>
    %xor3A_27 = arith.constant 2147483647 : i32
    %xor3A_28 = vector.broadcast %xor3A_27 : i32 to vector<4096xi32>
    %xor3A_29 = arith.xori %bitcast_convert_type3A_23, %xor3A_28 : vector<4096xi32>
    %select_n3A_30 = arith.select %lt3A_26, %xor3A_29, %bitcast_convert_type3A_23 : vector<4096xi1>, vector<4096xi32>
    %scan3A = arith.constant -2147483648 : i32
    %scan3A_31 = arith.constant 0 : i32
    %scan3A_32 = arith.constant 32 : i32
    %scan3A_33 = arith.addi %scan3A_31, %scan3A_32 : i32
    %scan3A_34 = arith.constant 1 : i32
    %scan3A_35 = scf.for %scan3A_86 = %scan3A_31 to %scan3A_33 step %scan3A_34 iter_args(%scan3A_87 = %scan3A) -> (i32)  : i32 {
      %sub3A_88 = arith.constant 31 : i32
      %sub3A_89 = arith.subi %sub3A_88, %scan3A_86 : i32
      %shift_left3A = arith.constant 1 : i32
      %shift_left3A_90 = arith.shli %shift_left3A, %sub3A_89 : i32
      %add3A_91 = arith.addi %scan3A_87, %shift_left3A_90 : i32
      %ge3A = vector.broadcast %add3A_91 : i32 to vector<12x1024xi32>
      %ge3A_92 = arith.cmpi sge, %select_n3A, %ge3A : vector<12x1024xi32>
      %convert_element_type3A_93 = arith.extui %ge3A_92 : vector<12x1024xi1> to vector<12x1024xi32>
      %reduce_sum3A_94 = vector.shape_cast %convert_element_type3A_93 : vector<12x1024xi32> to vector<1x12x1024xi32>
      %reduce_sum3A_95 = arith.constant dense<0> : vector<1xi32>
      %reduce_sum3A_96 = vector.multi_reduction <add>, %reduce_sum3A_94, %reduce_sum3A_95 [1, 2] : vector<1x12x1024xi32> to vector<1xi32>
      %reduce_sum3A_97 = vector.shape_cast %reduce_sum3A_96 : vector<1xi32> to vector<1x1x1xi32>
      %reduce_sum3A_98 = vector.extract %reduce_sum3A_97[0, 0, 0] : i32 from vector<1x1x1xi32>
      %ge3A_99 = vector.broadcast %add3A_91 : i32 to vector<4096xi32>
      %ge3A_100 = arith.cmpi sge, %select_n3A_30, %ge3A_99 : vector<4096xi32>
      %convert_element_type3A_101 = arith.extui %ge3A_100 : vector<4096xi1> to vector<4096xi32>
      %reduce_sum3A_102 = vector.shape_cast %convert_element_type3A_101 : vector<4096xi32> to vector<1x4096xi32>
      %reduce_sum3A_103 = arith.constant dense<0> : vector<1xi32>
      %reduce_sum3A_104 = vector.multi_reduction <add>, %reduce_sum3A_102, %reduce_sum3A_103 [1] : vector<1x4096xi32> to vector<1xi32>
      %reduce_sum3A_105 = vector.shape_cast %reduce_sum3A_104 : vector<1xi32> to vector<1x1xi32>
      %reduce_sum3A_106 = vector.extract %reduce_sum3A_105[0, 0] : i32 from vector<1x1xi32>
      %add3A_107 = arith.addi %reduce_sum3A_98, %reduce_sum3A_106 : i32
      %ge3A_108 = arith.constant 11468 : i32
      %ge3A_109 = arith.cmpi sge, %add3A_107, %ge3A_108 : i32
      %select_n3A_110 = arith.select %ge3A_109, %add3A_91, %scan3A_87 : i32
      scf.yield %select_n3A_110 : i32
    }
    %scan3A_36 = arith.constant 32 : i32
    %lt3A_37 = arith.constant 0 : i32
    %lt3A_38 = arith.cmpi slt, %scan3A_35, %lt3A_37 : i32
    %xor3A_39 = arith.constant 2147483647 : i32
    %xor3A_40 = arith.xori %scan3A_35, %xor3A_39 : i32
    %select_n3A_41 = arith.select %lt3A_38, %xor3A_40, %scan3A_35 : i32
    %bitcast_convert_type3A_42 = arith.bitcast %select_n3A_41 : i32 to f32
    %gt3A = vector.broadcast %scan3A_35 : i32 to vector<12x1024xi32>
    %gt3A_43 = arith.cmpi sgt, %select_n3A, %gt3A : vector<12x1024xi32>
    %convert_element_type3A = arith.extui %gt3A_43 : vector<12x1024xi1> to vector<12x1024xi32>
    %reduce_sum3A_44 = vector.shape_cast %convert_element_type3A : vector<12x1024xi32> to vector<1x12x1024xi32>
    %reduce_sum3A_45 = arith.constant dense<0> : vector<1xi32>
    %reduce_sum3A_46 = vector.multi_reduction <add>, %reduce_sum3A_44, %reduce_sum3A_45 [1, 2] : vector<1x12x1024xi32> to vector<1xi32>
    %reduce_sum3A_47 = vector.shape_cast %reduce_sum3A_46 : vector<1xi32> to vector<1x1x1xi32>
    %reduce_sum3A_48 = vector.extract %reduce_sum3A_47[0, 0, 0] : i32 from vector<1x1x1xi32>
    %gt3A_49 = vector.broadcast %scan3A_35 : i32 to vector<4096xi32>
    %gt3A_50 = arith.cmpi sgt, %select_n3A_30, %gt3A_49 : vector<4096xi32>
    %convert_element_type3A_51 = arith.extui %gt3A_50 : vector<4096xi1> to vector<4096xi32>
    %reduce_sum3A_52 = vector.shape_cast %convert_element_type3A_51 : vector<4096xi32> to vector<1x4096xi32>
    %reduce_sum3A_53 = arith.constant dense<0> : vector<1xi32>
    %reduce_sum3A_54 = vector.multi_reduction <add>, %reduce_sum3A_52, %reduce_sum3A_53 [1] : vector<1x4096xi32> to vector<1xi32>
    %reduce_sum3A_55 = vector.shape_cast %reduce_sum3A_54 : vector<1xi32> to vector<1x1xi32>
    %reduce_sum3A_56 = vector.extract %reduce_sum3A_55[0, 0] : i32 from vector<1x1xi32>
    %add3A_57 = arith.addi %reduce_sum3A_48, %reduce_sum3A_56 : i32
    %gt3A_58 = vector.broadcast %scan3A_35 : i32 to vector<12x1024xi32>
    %gt3A_59 = arith.cmpi sgt, %select_n3A, %gt3A_58 : vector<12x1024xi32>
    %jit3A = arith.constant 0.000000e+00 : f32
    %broadcast_in_dim3A_60 = vector.broadcast %jit3A : f32 to vector<12x1024xf32>
    %select_n3A_61 = arith.select %gt3A_59, %get3A_3, %broadcast_in_dim3A_60 : vector<12x1024xi1>, vector<12x1024xf32>
    %reduce_sum3A_62 = vector.shape_cast %select_n3A_61 : vector<12x1024xf32> to vector<1x12x1024xf32>
    %reduce_sum3A_63 = arith.constant dense<0.000000e+00> : vector<1xf32>
    %reduce_sum3A_64 = vector.multi_reduction <add>, %reduce_sum3A_62, %reduce_sum3A_63 [1, 2] : vector<1x12x1024xf32> to vector<1xf32>
    %reduce_sum3A_65 = vector.shape_cast %reduce_sum3A_64 : vector<1xf32> to vector<1x1x1xf32>
    %reduce_sum3A_66 = vector.extract %reduce_sum3A_65[0, 0, 0] : f32 from vector<1x1x1xf32>
    %gt3A_67 = vector.broadcast %scan3A_35 : i32 to vector<4096xi32>
    %gt3A_68 = arith.cmpi sgt, %select_n3A_30, %gt3A_67 : vector<4096xi32>
    %jit3A_69 = arith.constant 0.000000e+00 : f32
    %broadcast_in_dim3A_70 = vector.broadcast %jit3A_69 : f32 to vector<4096xf32>
    %select_n3A_71 = arith.select %gt3A_68, %add3A_18, %broadcast_in_dim3A_70 : vector<4096xi1>, vector<4096xf32>
    %reduce_sum3A_72 = vector.shape_cast %select_n3A_71 : vector<4096xf32> to vector<1x4096xf32>
    %reduce_sum3A_73 = arith.constant dense<0.000000e+00> : vector<1xf32>
    %reduce_sum3A_74 = vector.multi_reduction <add>, %reduce_sum3A_72, %reduce_sum3A_73 [1] : vector<1x4096xf32> to vector<1xf32>
    %reduce_sum3A_75 = vector.shape_cast %reduce_sum3A_74 : vector<1xf32> to vector<1x1xf32>
    %reduce_sum3A_76 = vector.extract %reduce_sum3A_75[0, 0] : f32 from vector<1x1xf32>
    %add3A_77 = arith.addf %reduce_sum3A_66, %reduce_sum3A_76 : f32
    %sub3A_78 = arith.constant 11468 : i32
    %sub3A_79 = arith.subi %sub3A_78, %add3A_57 : i32
    %convert_element_type3A_80 = arith.sitofp %sub3A_79 : i32 to f32
    %mul3A_81 = arith.mulf %convert_element_type3A_80, %bitcast_convert_type3A_42 : f32
    %add3A_82 = arith.addf %add3A_77, %mul3A_81 : f32
    %div3A = arith.constant 1.146800e+04 : f32
    %div3A_83 = arith.divf %add3A_82, %div3A : f32
    %reshape3A = vector.broadcast %div3A_83 : f32 to vector<1x1xf32>
    %swap3A = arith.constant 0 : index
    %swap3A_84 = arith.constant 0 : index
    %swap3A_85 = vector.load %arg4[%swap3A, %swap3A_84] : memref<1x1xf32, #tpu.memory_space<vmem>>, vector<1x1xf32>
    tpu.vector_store %arg4[%swap3A, %swap3A_84], %reshape3A {strides = array<i32>} : memref<1x1xf32, #tpu.memory_space<vmem>>, vector<1x1xf32>,
    return
  }
}

</mosaic_0001>

<sc_bundles>
// kernel: kernel.5.cloned.1.call-start
scs
__scs_entry_jumppad:
0x0: {  	(pc) =	sbr.rel $0x88, $3  }
0x1: {  	(tag) =	ssettag $0x0;
	lr =	simm.s32 $0x1  }
0x2: {  	[smem:$0x3F9F] =	sst lr;
	_ =	strace $0xD0000000  }
0x3: {  	_ = 	snop  }
0x4: {  	_ = 	snop  }
0x5: {  	_ = 	snop  }
0x6: {  	_ = 	snop  }
0x7: {  	_ = 	snop  }
__scs_overlays_trampoline_lowered:
0x8: {  	[smem:$0x3FAE] =	sst s0  }
0x9: {  	[smem:$0x3FAF] =	sst s1  }
0xa: {  	[smem:$0x3FB0] =	sst s2  }
0xb: {  	[smem:$0x3FB1] =	sst s3  }
0xc: {  	[smem:$0x3FB2] =	sst s4  }
0xd: {  	[smem:$0x3FB3] =	sst s5  }
0xe: {  	[smem:$0x3FB4] =	sst s6  }
0xf: {  	[smem:$0x3FB5] =	sst s7  }
0x10: {  	[smem:$0x3FB6] =	sst s8  }
0x11: {  	[smem:$0x3FB7] =	sst s9;
	s0 =	simm.s32 @!p0 $0x0  }
0x12: {  	s1 =	sld [smem:$0x3F9D];
	s0 =	simm.s32 @p0 $0x1  }
0x13: {  	[smem:$0x3FB8] =	sst s0;
	s0 =	simm.s32 @!p1 $0x0  }
0x14: {  	s2 =	sld [smem:$0x3F9C];
	s0 =	simm.s32 @p1 $0x1  }
0x15: {  	[smem:$0x3FB9] =	sst s0;
	s0 =	simm.s32 @!p2 $0x0  }
0x16: {  	s3 =	sld [smem:$0x3FDB];
	s0 =	simm.s32 @p2 $0x1  }
0x17: {  	s4 =	simm.s32 $0x1BF5;
	[smem:$0x3FBB] =	sst s0  }
0x18: {  	s0 =	sld [smem:$0x3F9E];
	_ =	swait.ge [sflag:s4], $0x0  }
0x19: {  	s7 =	sld [smem:$0x3F9F]  }
0x1a: {  	s8 =	sadd.s32 $0xFFFFE003, lr  }
0x1b: {  	s9 =	sadd.s32 $0xFFFFFEF7, lr;
	s5 =	simm.s32 $0xFFFFFFFF;
	p2 =	slt.u32 s8, $0xFFFFF086  }
0x1c: {  	p1 =	slt.u32 s9, $0xF7A;
	s5 =	simm.s32 @!p2 $0x0  }
0x1d: {  	s5 =	simm.s32 @p1 $0x1;
	p0 =	seq.s32 s7, s2  }
0x1e: {  	s7 =	smul.u32 @!p0 $0xF7A, s2;
	p2 =	seq.s32 @!p0 s5, $0x0  }
0x1f: {  	s9 =	smul.u32 $0xF7A, s1;
	s8 =	simm.s32 @!p0 $0x1BF5;
	p2 =	por !p2, p0  }
0x20: {  	[sflag:s8] =	ssyncset.s32 @!p0 $0xFFFFF086;
	s6 =	sadd.s32 @!p0 s3, s7;
	s7 =	simm.s32 @!p0 $0x108  }
0x21: {  	s3 =	sadd.s32 s3, s9;
	s6 =	sadd.s32 @!p0 $0x88, s6;
	s7 =	simm.s32 @p2 $0x1082  }
0x22: {  	[simem:s7], [sflag:s8] =	dma.local @!p0 [hbm:s6], $0xF7A  }
0x23: {  	s9 =	sor.u32 $0xD0000000, s2;
	s6 =	simm.s32 $0x108;
	_ =	swait.ge @!p0 [sflag:s8], $0x0  }
0x24: {  	s3 =	sadd.s32 $0x88, s3;
	s6 =	simm.s32 @!p1 $0x1082;
	[sflag:s4] =	ssyncset.s32 $0xFFFFF086  }
0x25: {  	[simem:s6], [sflag:s4] =	dma.local [hbm:s3], $0xF7A  }
0x26: {  	[smem:$0x3F9F] =	sst s1;
	(tag) =	ssettag s2;
	_ =	strace s9  }
0x27: {  	s1 =	sld [smem:$0x3FAF]  }
0x28: {  	s2 =	sld [smem:$0x3FB0]  }
0x29: {  	s4 =	sld [smem:$0x3FB2]  }
0x2a: {  	p0 =	seq.s32 s5, $0x0;
	s5 =	sld [smem:$0x3FB3]  }
0x2b: {  	s6 =	sld [smem:$0x3FB4]  }
0x2c: {  	s7 =	sld [smem:$0x3FB5]  }
0x2d: {  	s3 =	simm.s32 $0x108;
	s8 =	sld [smem:$0x3FB6]  }
0x2e: {  	s3 =	simm.s32 @!p0 $0x1082;
	s9 =	sld [smem:$0x3FB7]  }
0x2f: {  	lr =	sadd.s32 s0, s3;
	s0 =	sld [smem:$0x3FAE]  }
0x30: {  	s3 =	sld [smem:$0x3FB1]  }
0x31: {  	[smem:$0x3FBA] =	sst s10  }
0x32: {  	s10 =	sld [smem:$0x3FB8];
	_ =	sdelay $0x3  }
0x33: {  	p0 =	seq.s32 s10, $0x1;
	s10 =	sld [smem:$0x3FBA];
	_ =	sdelay $0x3  }
0x34: {  	[smem:$0x3FBA] =	sst s10  }
0x35: {  	s10 =	sld [smem:$0x3FB9];
	_ =	sdelay $0x3  }
0x36: {  	p1 =	seq.s32 s10, $0x1;
	s10 =	sld [smem:$0x3FBA];
	_ =	sdelay $0x3  }
0x37: {  	[smem:$0x3FBA] =	sst s10  }
0x38: {  	s10 =	sld [smem:$0x3FBB]  }
0x39: {  	_ = 	snop;
	(pc) =	sbr.ind lr, $3  }
0x3a: {  	_ = 	snop  }
0x3b: {  	_ = 	snop  }
0x3c: {  	p2 =	seq.s32 s10, $0x1;
	s10 =	sld [smem:$0x3FBA]  }
0x3d: {  	_ =	shalt  }
0x3e: {  	_ =	shalt  }
0x3f: {  	_ =	shalt  }
0x40: {  	_ =	shalt  }
0x41: {  	_ =	shalt  }
0x42: {  	_ =	shalt  }
0x43: {  	_ =	shalt  }
0x44: {  	_ =	shalt  }
0x45: {  	_ =	shalt  }
0x46: {  	_ =	shalt  }
0x47: {  	_ =	shalt  }
0x48: {  	_ =	shalt  }
0x49: {  	_ =	shalt  }
0x4a: {  	_ =	shalt  }
0x4b: {  	_ =	shalt  }
0x4c: {  	_ =	shalt  }
0x4d: {  	_ =	shalt  }
0x4e: {  	_ =	shalt  }
0x4f: {  	_ =	shalt  }
0x50: {  	_ =	shalt  }
0x51: {  	_ =	shalt  }
0x52: {  	_ =	shalt  }
0x53: {  	_ =	shalt  }
0x54: {  	_ =	shalt  }
0x55: {  	_ =	shalt  }
0x56: {  	_ =	shalt  }
0x57: {  	_ =	shalt  }
0x58: {  	_ =	shalt  }
0x59: {  	_ =	shalt  }
0x5a: {  	_ =	shalt  }
0x5b: {  	_ =	shalt  }
0x5c: {  	_ =	shalt  }
0x5d: {  	_ =	shalt  }
0x5e: {  	_ =	shalt  }
0x5f: {  	_ =	shalt  }
0x60: {  	_ =	shalt  }
0x61: {  	_ =	shalt  }
0x62: {  	_ =	shalt  }
0x63: {  	_ =	shalt  }
0x64: {  	_ =	shalt  }
0x65: {  	_ =	shalt  }
0x66: {  	_ =	shalt  }
0x67: {  	_ =	shalt  }
0x68: {  	_ =	shalt  }
0x69: {  	_ =	shalt  }
0x6a: {  	_ =	shalt  }
0x6b: {  	_ =	shalt  }
0x6c: {  	_ =	shalt  }
0x6d: {  	_ =	shalt  }
0x6e: {  	_ =	shalt  }
0x6f: {  	_ =	shalt  }
0x70: {  	_ =	shalt  }
0x71: {  	_ =	shalt  }
0x72: {  	_ =	shalt  }
0x73: {  	_ =	shalt  }
0x74: {  	_ =	shalt  }
0x75: {  	_ =	shalt  }
0x76: {  	_ =	shalt  }
0x77: {  	_ =	shalt  }
0x78: {  	_ =	shalt  }
0x79: {  	_ =	shalt  }
0x7a: {  	_ =	shalt  }
0x7b: {  	_ =	shalt  }
0x7c: {  	_ =	shalt  }
0x7d: {  	_ =	shalt  }
0x7e: {  	_ =	shalt  }
0x7f: {  	_ =	shalt  }
0x80: {  	_ =	shalt  }
0x81: {  	_ =	shalt  }
0x82: {  	_ =	shalt  }
0x83: {  	_ =	shalt  }
0x84: {  	_ =	shalt  }
0x85: {  	_ =	shalt  }
0x86: {  	_ =	shalt  }
0x87: {  	_ =	shalt  }
.Lfunc_end0:
.L_simem_size_0:
called_computation_lowered:
.L_overlay_start_0:
0x88: {  	s2 =	sld [smem:$0x3FD9]  }
0x89: {  	s3 =	sld [smem:$0x3FFE];
	_ =	sdelay $0x1  }
0x8a: {  	s1 =	srdreg.scid  }
0x8b: {  	s0 =	sand.u32 $0x1, s1  }
0x8c: {  	s17 =	sshll.u32 s0, $0xA;
	s2 =	sadd.s32 s3, s2  }
0x8d: {  	s2 =	sadd.s32 s2, s17  }
0x8e: {  	[smem:$0x3FC6] =	sst s2  }
0x8f: {  	_ = 	snop  }
0x90: {  	s2 =	sld [smem:$0x3FC8];
	(tm) =	ssettm $0x1  }
0x91: {  	s18 =	sld [smem:$0x3FFB];
	_ =	sdelay $0x3  }
0x92: {  	_ =	strace s18  }
0x93: {  	s3 =	sld [smem:$0x3FFC];
	_ =	sdelay $0x3  }
0x94: {  	_ =	strace s3  }
0x95: {  	s3 =	sld [smem:$0x3FFD];
	_ =	sdelay $0x3  }
0x96: {  	_ =	strace s3  }
0x97: {  	_ =	strace $0x8FFFFFFF  }
0x98: {  	s19 =	sld [smem:$0x3FDB];
	_ =	sdelay $0x1  }
0x99: {  	s4 =	simm.s32 $_scs_section_size  }
0x9a: {  	s5 =	simm.s32 $_size__tile_overlayer_lowered;
	s6 =	simm.s32 $_tile_overlayer_lowered  }
0x9b: {  	s22 =	simm.s32 $0x1BFF;
	s21 =	sshll.u32 s6, $0x1;
	s3 =	sadd.s32 s4, s19  }
0x9c: {  	s7 =	simm.s32 $0x0;
	s20 =	sshll.u32 s5, $0x1;
	s5 =	sadd.s32 s21, s3  }
0x9d: {  	[timem:s7], [sflag:s22] =	dma.local [hbm:s5], s20  }
0x9e: {  	_ =	swait.ge [sflag:s22], s20  }
0x9f: {  	s4 =	ssub.s32 $0x0, s20;
	[sflag:s22] =	ssyncset.done $0x0  }
0xa0: {  	[sflag:s22] =	ssyncadd.s32 s4;
	_ =	sdelay $0x1  }
0xa1: {  	s23 =	simm.s32 $0x1B8B  }
0xa2: {  	_ =	swait.ge [sflag:s23], $0x1  }
0xa3: {  	[sflag:s23] =	ssyncset.done $0x0  }
0xa4: {  	s25 =	simm.s32 $0x1B8E;
	s24 =	sld [smem:$0x3FFE];
	[sflag:s23] =	ssyncadd.s32 $0xFFFFFFFF  }
0xa5: {  	s26 =	simm.s32 $execute0_lowered;
	[smem:$0x3FD2] =	sst s25  }
0xa6: {  	s5 =	sshll.u32 s26, $0x1;
	_ =	strace $0x80000046;
	[dreg:$0x1] =	wrdreg $0xFFFFFFFF  }
0xa7: {  	s28 =	simm.s32 $_size_execute0_lowered;
	s3 =	sadd.s32 s3, s5;
	[dreg:$0x0] =	wrdreg $0x0  }
0xa8: {  	s5 =	sshll.u32 s28, $0x1;
	[dreg:$0x2] =	wrdreg s3  }
0xa9: {  	[dreg:$0x3] =	wrdreg s5  }
0xaa: {  	[dreg:$0x4] =	wrdreg $0xC0  }
0xab: {  	_ =	task [dreg:s7], $0x5FFFF  }
0xac: {  	[dreg:$0x1] =	wrdreg $0xFFFFFFFF  }
0xad: {  	[dreg:$0x0] =	wrdreg $0x60  }
0xae: {  	[dreg:$0x2] =	wrdreg s24  }
0xaf: {  	[dreg:$0x3] =	wrdreg s2  }
0xb0: {  	[dreg:$0x4] =	wrdreg $0x9  }
0xb1: {  	_ =	task.clear_ibuf [dreg:s7], $0x5FFFF;
	_ =	strace $0x90000046  }
0xb2: {  	s29 =	simm.s32 $0x9;
	_ =	strace $0x80000048  }
0xb3: {  	_ =	swait.ge [sflag:s29], $0x1  }
0xb4: {  	[sflag:s29] =	ssyncadd.s32 $0xFFFFFFFF  }
0xb5: {  	_ =	strace $0x90000048  }
0xb6: {  	_ =	sfence  }
0xb7: {  	s30 =	sld [smem:$0x0];
	_ =	sdelay $0x2  }
0xb8: {  	s31 =	sshll.u32 s1, $0xD;
	s1 =	sshrl.u32 s1, $0x2  }
0xb9: {  	s3 =	sand.u32 $0x4000, s31;
	s1 =	sadd.s32 s1, s30  }
0xba: {  	s0 =	sor.u32 s3, s0;
	s1 =	sshll.u32 s1, $0x11  }
0xbb: {  	s0 =	sor.u32 s1, s0  }
0xbc: {  	s0 =	sadd.s32 $0x8F2B, s0  }
0xbd: {  	[sflag:s0] =	ssyncadd.remote.s32 $0x1  }
0xbe: {  	_ =	sfence.sel $0xFFFF  }
0xbf: {  	[dreg:$0x0] =	wrdreg $0xFFFFFFFF;
	(pc) =	sbr.abs _section_cstart, $3  }
0xc0: {  	[dreg:$0x1] =	wrdreg $0xFFFFFFFF  }
0xc1: {  	_ =	task.clear_ibuf [dreg:s7], $0x2FFFF;
	_ =	strace $0x9FFFFFFF  }
0xc2: {  	(tm) =	ssettm $0x7FFFFFFF  }
0xc3: {  	_ =	shalt  }
tec
execute0_lowered:
.L_overlay_start_1:
0x0: {  	(tag) =	ssettag $0x1  }
0x1: {  	s5 =	rddreg [dreg:$0x0]  }
0x2: {  	s2 =	rddreg [dreg:$0x1]  }
0x3: {  	s0 =	rddreg [dreg:$0x2];
	s3 =	simm.s32 $0x0;
	s4 =	srdreg.scid  }
0x4: {  	s1 =	stileid.u32;
	s10 =	simm.s32 $0x1;
	s11 =	simm.s32 $0x4000  }
0x5: {  	v0 =	vimm.s32 $0xFEDCBA98;
	s12 =	simm.s32 $0x4080;
	s13 =	simm.s32 $0x4880;
	s14 =	simm.s32 $0x5080  }
0x6: {  	v1 =	vimm.s32 $0x76543210;
	s15 =	simm.s32 $0x0;
	s6 =	sand.u32 $0x1, s4;
	s30 =	sshll.u32 s1, $0x1;
	v0 =	vunpack.c.l.s4.s8 v0  }
0x7: {  	[smem:$0x7FF] =	sst s3;
	s4 =	sadd.s32 $0xE00, s5;
	v1 =	vunpack.c.l.s4.s8 v1;
	s7 =	sor.u32 s6, s30  }
0x8: {  	_ =	strace $0x80000047;
	s6 =	ssub.s32 $0x2, s6;
	s8 =	sshll.u32 s7, $0x8;
	v0 =	vunpack.c.0.s8.s32 v0  }
0x9: {  	s31 =	sshrl.u32 s6, $0x1;
	s7 =	sshll.u32 s7, $0x7;
	v1 =	vunpack.c.0.s8.s32 v1;
	s8 =	sadd.s32 s8, s5  }
0xa: {  	s9 =	ssub.s32 s6, s31;
	s5 =	sor.u32 $0x3000, s7;
	s6 =	sadd.s32 $0x200E00, s8;
	v0 =	vand.u32 $0xF, v0  }
0xb: {  	vm0 =	vmmov $0xff;
	s7 =	sadd.s32 $0x202E00, s8;
	s8 =	sadd.s32 $0x204E00, s8;
	s9 =	smax.u32 s9, $0x1;
	v0 =	vcombine.low v0, v1;
	v1 =	vlaneseq.u32  }
.LBB2_1:
0xc: {  	s16 =	simm.s32 $0x0  }
.LBB2_2:
0xd: {  	s17 =	sshll.u32 s16, $0x4  }
0xe: {  	s18 =	sadd.s32 s5, s17  }
0xf: {  	s17 =	sshll.u32 s18, $0x7  }
0x10: {  	s19 =	sadd.s32 s4, s17;
	s17 =	simm.s32 $0x0  }
0x11: {  	[tilespmem:s17], [sflag:$0x1] =	stream.linear.gather [hbm4b:s19+s17], $0x4000, $0x38;
	[tilespmem:$0x5880] =	vst v63  }
0x12: {  	_ =	swait.ge [sflag:s10], $0x4000  }
0x13: {  	s18 =	sshrl.u32 s18, $0x3;
	[sflag:s10] =	ssyncset.done $0x0  }
0x14: {  	s18 =	sadd.s32 s2, s18;
	[sflag:s10] =	ssyncadd.s32 $0xFFFFC000  }
0x15: {  	[tilespmem:s11], [sflag:$0x1] =	stream.linear.gather [hbm4b:s18+s17], $0x10, $0x38;
	[tilespmem:$0x5880] =	vst v63  }
0x16: {  	_ =	swait.ge [sflag:s10], $0x10  }
0x17: {  	[sflag:s10] =	ssyncset.done $0x0  }
0x18: {  	s30 =	sand.u32 $0x70, s17;
	s31 =	sand.u32 $0x1C00, s17;
	[sflag:s10] =	ssyncadd.s32 $0xFFFFFFF0  }
0x19: {  	s19 =	sor.u32 s30, s31;
	v2 =	vld [tilespmem:$0x4000]  }
0x1a: {  	v3 =	vimm.f32 $-3.000000010e+38;
	s18 =	simm.s32 $0x10;
	v7 =	vld [tilespmem:s19+$0x0]  }
.LBB2_3:
0x1b: {  	p0 =	sne.s32 s18, $0x3D0  }
.Ltmp0:
0x1c: {  	_ = 	snop;
	(pc) =	sbr.rel @p0 .LBB2_3-.Ltmp0, $4  }
0x1d: {  	s17 =	sadd.s32 $0x80, s17  }
0x1e: {  	s19 =	sand.u32 $0x70, s18;
	s20 =	sand.u32 $0x1C00, s17  }
0x1f: {  	s19 =	sor.u32 s19, s20  }
0x20: {  	s18 =	sadd.s32 $0x10, s18;
	v3 =	vmax.f32 v3, v7;
	v7 =	vld [tilespmem:s19+$0x0]  }
0x21: {  	v4 =	vld [tilespmem:$0x1C50]  }
0x22: {  	v5 =	vld.msk [tilespmem:$0x1C60], $0xff;
	_ =	sdelay $0x1  }
0x23: {  	s17 =	simm.s32 $0x0  }
0x24: {  	s18 =	sand.u32 $0x70, s17;
	s17 =	sand.u32 $0x1C00, s17  }
0x25: {  	s17 =	sor.u32 s18, s17  }
0x26: {  	v9 =	vld [tilespmem:s17+$0x0];
	v6 =	vperm.xlane v4, v0;
	v8 =	vperm.xlane v5, v0;
	_ =	sdelay $0x1  }
0x27: {  	v6 =	vsel vm0, v6, v8  }
0x28: {  	s29 =	simm.s32 $0x10;
	s30 =	simm.s32 $0x80;
	v3 =	vmax.f32 v3, v7;
	v7 =	vsel vm0, $0xFF61B1E6, v6  }
0x29: {  	s18 =	sand.u32 $0x70, s29;
	s17 =	sand.u32 $0x1C00, s30;
	v3 =	vmax.f32 v3, v7  }
0x2a: {  	s17 =	sor.u32 s18, s17;
	v10 =	vsub.f32 v9, v3  }
0x2b: {  	v8 =	vld [tilespmem:s17+$0x0]  }
0x2c: {  	v10 =	vmul.f32 $1.442695020e+00, v10;
	_ =	sdelay $0x1  }
0x2d: {  	s31 =	simm.s32 $0x20;
	s17 =	simm.s32 $0x100;
	v7 =	vimm.f32 $0.0e+00;
	(erf) = vpow2.f32 v10  }
0x2e: {  	s18 =	sand.u32 $0x70, s31;
	s19 =	sand.u32 $0x1C00, s17;
	v9 =	vadd.f32 v9, v7  }
0x2f: {  	s19 =	sor.u32 s18, s19;
	v11 =	vsub.f32 v8, v3  }
0x30: {  	v8 =	vadd.f32 v8, v9;
	v9 =	vld [tilespmem:s19+$0x0]  }
0x31: {  	s18 =	simm.s32 $0x30;
	v10 =	vperm.xlane v3, v0;
	v11 =	vmul.f32 $1.442695020e+00, v11  }
.LBB2_5:
0x32: {  	p0 =	sne.s32 s18, $0x3D0  }
.Ltmp1:
0x33: {  	s19 =	sand.u32 $0x70, s18;
	s17 =	sadd.s32 $0x80, s17;
	(erf) = vpow2.f32 v11;
	(pc) =	sbr.rel @p0 .LBB2_5-.Ltmp1, $4  }
0x34: {  	s18 =	sadd.s32 $0x10, s18;
	s20 =	sand.u32 $0x1C00, s17  }
0x35: {  	s19 =	sor.u32 s19, s20;
	v11 =	vsub.f32 v9, v3;
	v8 =	vadd.f32 v9, v8  }
0x36: {  	v9 =	vld [tilespmem:s19+$0x0];
	v12 =	vpop (erf)  }
0x37: {  	v11 =	vmul.f32 $1.442695020e+00, v11;
	v7 =	vadd.f32 v12, v7  }
0x38: {  	(v2sf) =	vpush v2, $0x0;
	_ =	sdelay $0xe  }
0x39: {  	s17 =	spop (v2sf)  }
0x3a: {  	s18 =	sand.u32 $0xF, s17  }
0x3b: {  	s19 =	sshra.s32 s17, $0x1F;
	p0 =	slt.s32 s17, $0x1;
	p1 =	sne.s32 s18, $0x0  }
0x3c: {  	s28 =	sshrl.u32 s19, $0x1C;
	p0 =	por !p0, !p1  }
0x3d: {  	s19 =	simm.s32 $0x1;
	s18 =	sadd.s32 s28, s17;
	p0 =	por !p0, !p0  }
0x3e: {  	s18 =	sshrl.u32 s18, $0x4;
	s19 =	simm.s32 @!p0 $0x0  }
0x3f: {  	s18 =	ssub.s32 s18, s19  }
0x40: {  	s18 =	sshll.u32 s18, $0x4  }
0x41: {  	v12 =	vsub.f32 v9, v3;
	p0 =	slt.s32 s18, $0x3D0  }
0x42: {  	v10 =	vsub.f32 v5, v10;
	s18 =	simm.s32 @!p0 $0x3D0  }
0x43: {  	v12 =	vmul.f32 $1.442695020e+00, v12;
	s29 =	sshll.u32 s18, $0x3  }
0x44: {  	(erf) = vpow2.f32 v11;
	v10 =	vmul.f32 $1.442695020e+00, v10;
	s20 =	sand.u32 $0x70, s18;
	s19 =	sand.u32 $0xFFFFFC00, s29  }
0x45: {  	(erf) = vpow2.f32 v12;
	s19 =	sor.u32 s20, s19  }
0x46: {  	(erf) = vpow2.f32 v10;
	v59 =	vld [tilespmem:s19+$0x0];
	_ =	sdelay $0x4  }
0x47: {  	v10 =	vperm.xlane v59, v0  }
0x48: {  	v60 =	vpop (erf);
	p0 =	sgt.s32 s17, $0x3DF  }
0x49: {  	v7 =	vadd.f32 v60, v7;
	v61 =	vpop (erf);
	v4 =	vpsel p0, v4, v10;
	v5 =	vpsel p0, v5, v10  }
0x4a: {  	v8 =	vadd.f32 v9, v8;
	v62 =	vpop (erf);
	v4 =	vperm.xlane v4, v0;
	v5 =	vperm.xlane v5, v0  }
0x4b: {  	v6 =	vsel vm0, $0x0, v6;
	v7 =	vadd.f32 v61, v7;
	v63 =	vpop (erf);
	s18 =	simm.s32 @p0 $0x3D8  }
0x4c: {  	v6 =	vadd.f32 v8, v6;
	s17 =	ssub.s32 s17, s18;
	v10 =	vperm.xlane v63, v0;
	v4 =	vsel vm0, v4, v5  }
0x4d: {  	v5 =	vadd.f32 v62, v7;
	v7 =	vmov s17;
	v4 =	vmul.f32 $-8.998998990e-01, v4  }
0x4e: {  	v6 =	vmul.f32 $-1.001001000e-04, v6;
	v8 =	vsel vm0, $0x0, v10;
	vm1 =	veq.s32 v7, v1  }
0x4f: {  	s17 =	sshll.u32 s16, $0x8;
	v5 =	vadd.f32 v8, v5;
	v4 =	vnsel vm1, $0x80000000, v4  }
0x50: {  	s18 =	simm.s32 $0x0;
	[tilespmem:s17+$0x4080] =	vst v3;
	v3 =	vadd.f32 v6, v4  }
0x51: {  	s30 =	sand.u32 $0x70, s18;
	s31 =	sand.u32 $0x1C00, s18;
	[tilespmem:s17+$0x4880] =	vst v5  }
0x52: {  	s20 =	sor.u32 s30, s31;
	[tilespmem:s17+$0x5080] =	vst v3  }
0x53: {  	s19 =	simm.s32 $0x10;
	v3 =	vimm.f32 $-3.000000010e+38;
	v7 =	vld [tilespmem:s20+$0x80]  }
.LBB2_7:
0x54: {  	p0 =	sne.s32 s19, $0x3D0  }
.Ltmp2:
0x55: {  	_ = 	snop;
	(pc) =	sbr.rel @p0 .LBB2_7-.Ltmp2, $4  }
0x56: {  	s18 =	sadd.s32 $0x80, s18  }
0x57: {  	s20 =	sand.u32 $0x70, s19;
	s21 =	sand.u32 $0x1C00, s18  }
0x58: {  	s20 =	sor.u32 s20, s21  }
0x59: {  	s19 =	sadd.s32 $0x10, s19;
	v3 =	vmax.f32 v3, v7;
	v7 =	vld [tilespmem:s20+$0x80]  }
0x5a: {  	v4 =	vld [tilespmem:$0x1CD0]  }
0x5b: {  	v5 =	vld.msk [tilespmem:$0x1CE0], $0xff;
	_ =	sdelay $0x1  }
0x5c: {  	s18 =	simm.s32 $0x0  }
0x5d: {  	s19 =	sand.u32 $0x70, s18;
	s18 =	sand.u32 $0x1C00, s18  }
0x5e: {  	s18 =	sor.u32 s19, s18  }
0x5f: {  	v9 =	vld [tilespmem:s18+$0x80];
	v6 =	vperm.xlane v4, v0;
	v8 =	vperm.xlane v5, v0;
	_ =	sdelay $0x1  }
0x60: {  	v6 =	vsel vm0, v6, v8  }
0x61: {  	s29 =	simm.s32 $0x10;
	s30 =	simm.s32 $0x80;
	v3 =	vmax.f32 v3, v7;
	v7 =	vsel vm0, $0xFF61B1E6, v6  }
0x62: {  	s19 =	sand.u32 $0x70, s29;
	s18 =	sand.u32 $0x1C00, s30;
	v3 =	vmax.f32 v3, v7  }
0x63: {  	s18 =	sor.u32 s19, s18;
	v10 =	vsub.f32 v9, v3  }
0x64: {  	v8 =	vld [tilespmem:s18+$0x80]  }
0x65: {  	v10 =	vmul.f32 $1.442695020e+00, v10;
	_ =	sdelay $0x1  }
0x66: {  	s31 =	simm.s32 $0x20;
	s18 =	simm.s32 $0x100;
	v7 =	vimm.f32 $0.0e+00;
	(erf) = vpow2.f32 v10  }
0x67: {  	s19 =	sand.u32 $0x70, s31;
	s20 =	sand.u32 $0x1C00, s18;
	v9 =	vadd.f32 v9, v7  }
0x68: {  	s20 =	sor.u32 s19, s20;
	v11 =	vsub.f32 v8, v3  }
0x69: {  	v8 =	vadd.f32 v8, v9;
	v9 =	vld [tilespmem:s20+$0x80]  }
0x6a: {  	s19 =	simm.s32 $0x30;
	v10 =	vperm.xlane v3, v0;
	v11 =	vmul.f32 $1.442695020e+00, v11  }
.LBB2_9:
0x6b: {  	p0 =	sne.s32 s19, $0x3D0  }
.Ltmp3:
0x6c: {  	s20 =	sand.u32 $0x70, s19;
	s18 =	sadd.s32 $0x80, s18;
	(erf) = vpow2.f32 v11;
	(pc) =	sbr.rel @p0 .LBB2_9-.Ltmp3, $4  }
0x6d: {  	s19 =	sadd.s32 $0x10, s19;
	s21 =	sand.u32 $0x1C00, s18  }
0x6e: {  	s20 =	sor.u32 s20, s21;
	v11 =	vsub.f32 v9, v3;
	v8 =	vadd.f32 v9, v8  }
0x6f: {  	v9 =	vld [tilespmem:s20+$0x80];
	v12 =	vpop (erf)  }
0x70: {  	v11 =	vmul.f32 $1.442695020e+00, v11;
	v7 =	vadd.f32 v12, v7  }
0x71: {  	(v2sf) =	vpush v2, $0x1;
	_ =	sdelay $0xe  }
0x72: {  	s18 =	spop (v2sf)  }
0x73: {  	s19 =	sand.u32 $0xF, s18  }
0x74: {  	s20 =	sshra.s32 s18, $0x1F;
	p0 =	slt.s32 s18, $0x1;
	p1 =	sne.s32 s19, $0x0  }
0x75: {  	s28 =	sshrl.u32 s20, $0x1C;
	p0 =	por !p0, !p1  }
0x76: {  	s20 =	simm.s32 $0x1;
	s19 =	sadd.s32 s28, s18;
	p0 =	por !p0, !p0  }
0x77: {  	s19 =	sshrl.u32 s19, $0x4;
	s20 =	simm.s32 @!p0 $0x0  }
0x78: {  	s19 =	ssub.s32 s19, s20  }
0x79: {  	s19 =	sshll.u32 s19, $0x4  }
0x7a: {  	v12 =	vsub.f32 v9, v3;
	p0 =	slt.s32 s19, $0x3D0  }
0x7b: {  	v10 =	vsub.f32 v5, v10;
	s19 =	simm.s32 @!p0 $0x3D0  }
0x7c: {  	v12 =	vmul.f32 $1.442695020e+00, v12;
	s29 =	sshll.u32 s19, $0x3  }
0x7d: {  	(erf) = vpow2.f32 v11;
	v10 =	vmul.f32 $1.442695020e+00, v10;
	s21 =	sand.u32 $0x70, s19;
	s20 =	sand.u32 $0xFFFFFC00, s29  }
0x7e: {  	(erf) = vpow2.f32 v12;
	s20 =	sor.u32 s21, s20  }
0x7f: {  	(erf) = vpow2.f32 v10;
	v59 =	vld [tilespmem:s20+$0x80];
	_ =	sdelay $0x4  }
0x80: {  	v10 =	vperm.xlane v59, v0  }
0x81: {  	v60 =	vpop (erf);
	p0 =	sgt.s32 s18, $0x3DF  }
0x82: {  	v7 =	vadd.f32 v60, v7;
	v61 =	vpop (erf);
	v4 =	vpsel p0, v4, v10;
	v5 =	vpsel p0, v5, v10  }
0x83: {  	v8 =	vadd.f32 v9, v8;
	v62 =	vpop (erf);
	v4 =	vperm.xlane v4, v0;
	v5 =	vperm.xlane v5, v0  }
0x84: {  	v6 =	vsel vm0, $0x0, v6;
	v7 =	vadd.f32 v61, v7;
	v63 =	vpop (erf);
	s19 =	simm.s32 @p0 $0x3D8  }
0x85: {  	v6 =	vadd.f32 v8, v6;
	s18 =	ssub.s32 s18, s19;
	v10 =	vperm.xlane v63, v0;
	v4 =	vsel vm0, v4, v5  }
0x86: {  	v5 =	vadd.f32 v62, v7;
	v7 =	vmov s18;
	v4 =	vmul.f32 $-8.998998990e-01, v4  }
0x87: {  	v6 =	vmul.f32 $-1.001001000e-04, v6;
	v8 =	vsel vm0, $0x0, v10;
	vm1 =	veq.s32 v7, v1  }
0x88: {  	v5 =	vadd.f32 v8, v5;
	v4 =	vnsel vm1, $0x80000000, v4  }
0x89: {  	[tilespmem:s17+$0x4090] =	vst v3;
	s18 =	simm.s32 $0x0;
	v3 =	vadd.f32 v6, v4  }
0x8a: {  	s30 =	sand.u32 $0x70, s18;
	s31 =	sand.u32 $0x1C00, s18;
	[tilespmem:s17+$0x4890] =	vst v5  }
0x8b: {  	s20 =	sor.u32 s30, s31;
	[tilespmem:s17+$0x5090] =	vst v3  }
0x8c: {  	s19 =	simm.s32 $0x10;
	v3 =	vimm.f32 $-3.000000010e+38;
	v7 =	vld [tilespmem:s20+$0x100]  }
.LBB2_11:
0x8d: {  	p0 =	sne.s32 s19, $0x3D0  }
.Ltmp4:
0x8e: {  	_ = 	snop;
	(pc) =	sbr.rel @p0 .LBB2_11-.Ltmp4, $4  }
0x8f: {  	s18 =	sadd.s32 $0x80, s18  }
0x90: {  	s20 =	sand.u32 $0x70, s19;
	s21 =	sand.u32 $0x1C00, s18  }
0x91: {  	s20 =	sor.u32 s20, s21  }
0x92: {  	s19 =	sadd.s32 $0x10, s19;
	v3 =	vmax.f32 v3, v7;
	v7 =	vld [tilespmem:s20+$0x100]  }
0x93: {  	v4 =	vld [tilespmem:$0x1D50]  }
0x94: {  	v5 =	vld.msk [tilespmem:$0x1D60], $0xff;
	_ =	sdelay $0x1  }
0x95: {  	s18 =	simm.s32 $0x0  }
0x96: {  	s19 =	sand.u32 $0x70, s18;
	s18 =	sand.u32 $0x1C00, s18  }
0x97: {  	s18 =	sor.u32 s19, s18  }
0x98: {  	v9 =	vld [tilespmem:s18+$0x100];
	v6 =	vperm.xlane v4, v0;
	v8 =	vperm.xlane v5, v0;
	_ =	sdelay $0x1  }
0x99: {  	v6 =	vsel vm0, v6, v8  }
0x9a: {  	s29 =	simm.s32 $0x10;
	s30 =	simm.s32 $0x80;
	v3 =	vmax.f32 v3, v7;
	v7 =	vsel vm0, $0xFF61B1E6, v6  }
0x9b: {  	s19 =	sand.u32 $0x70, s29;
	s18 =	sand.u32 $0x1C00, s30;
	v3 =	vmax.f32 v3, v7  }
0x9c: {  	s18 =	sor.u32 s19, s18;
	v10 =	vsub.f32 v9, v3  }
0x9d: {  	v8 =	vld [tilespmem:s18+$0x100]  }
0x9e: {  	v10 =	vmul.f32 $1.442695020e+00, v10;
	_ =	sdelay $0x1  }
0x9f: {  	s31 =	simm.s32 $0x20;
	s18 =	simm.s32 $0x100;
	v7 =	vimm.f32 $0.0e+00;
	(erf) = vpow2.f32 v10  }
0xa0: {  	s19 =	sand.u32 $0x70, s31;
	s20 =	sand.u32 $0x1C00, s18;
	v9 =	vadd.f32 v9, v7  }
0xa1: {  	s20 =	sor.u32 s19, s20;
	v11 =	vsub.f32 v8, v3  }
0xa2: {  	v8 =	vadd.f32 v8, v9;
	v9 =	vld [tilespmem:s20+$0x100]  }
0xa3: {  	s19 =	simm.s32 $0x30;
	v10 =	vperm.xlane v3, v0;
	v11 =	vmul.f32 $1.442695020e+00, v11  }
.LBB2_13:
0xa4: {  	p0 =	sne.s32 s19, $0x3D0  }
.Ltmp5:
0xa5: {  	s20 =	sand.u32 $0x70, s19;
	s18 =	sadd.s32 $0x80, s18;
	(erf) = vpow2.f32 v11;
	(pc) =	sbr.rel @p0 .LBB2_13-.Ltmp5, $4  }
0xa6: {  	s19 =	sadd.s32 $0x10, s19;
	s21 =	sand.u32 $0x1C00, s18  }
0xa7: {  	s20 =	sor.u32 s20, s21;
	v11 =	vsub.f32 v9, v3;
	v8 =	vadd.f32 v9, v8  }
0xa8: {  	v9 =	vld [tilespmem:s20+$0x100];
	v12 =	vpop (erf)  }
0xa9: {  	v11 =	vmul.f32 $1.442695020e+00, v11;
	v7 =	vadd.f32 v12, v7  }
0xaa: {  	(v2sf) =	vpush v2, $0x2;
	_ =	sdelay $0xe  }
0xab: {  	s18 =	spop (v2sf)  }
0xac: {  	s19 =	sand.u32 $0xF, s18  }
0xad: {  	s20 =	sshra.s32 s18, $0x1F;
	p0 =	slt.s32 s18, $0x1;
	p1 =	sne.s32 s19, $0x0  }
0xae: {  	s28 =	sshrl.u32 s20, $0x1C;
	p0 =	por !p0, !p1  }
0xaf: {  	s20 =	simm.s32 $0x1;
	s19 =	sadd.s32 s28, s18;
	p0 =	por !p0, !p0  }
0xb0: {  	s19 =	sshrl.u32 s19, $0x4;
	s20 =	simm.s32 @!p0 $0x0  }
0xb1: {  	s19 =	ssub.s32 s19, s20  }
0xb2: {  	s19 =	sshll.u32 s19, $0x4  }
0xb3: {  	v12 =	vsub.f32 v9, v3;
	p0 =	slt.s32 s19, $0x3D0  }
0xb4: {  	v10 =	vsub.f32 v5, v10;
	s19 =	simm.s32 @!p0 $0x3D0  }
0xb5: {  	v12 =	vmul.f32 $1.442695020e+00, v12;
	s29 =	sshll.u32 s19, $0x3  }
0xb6: {  	(erf) = vpow2.f32 v11;
	v10 =	vmul.f32 $1.442695020e+00, v10;
	s21 =	sand.u32 $0x70, s19;
	s20 =	sand.u32 $0xFFFFFC00, s29  }
0xb7: {  	(erf) = vpow2.f32 v12;
	s20 =	sor.u32 s21, s20  }
0xb8: {  	(erf) = vpow2.f32 v10;
	v59 =	vld [tilespmem:s20+$0x100];
	_ =	sdelay $0x4  }
0xb9: {  	v10 =	vperm.xlane v59, v0  }
0xba: {  	v60 =	vpop (erf);
	p0 =	sgt.s32 s18, $0x3DF  }
0xbb: {  	v7 =	vadd.f32 v60, v7;
	v61 =	vpop (erf);
	v4 =	vpsel p0, v4, v10;
	v5 =	vpsel p0, v5, v10  }
0xbc: {  	v8 =	vadd.f32 v9, v8;
	v62 =	vpop (erf);
	v4 =	vperm.xlane v4, v0;
	v5 =	vperm.xlane v5, v0  }
0xbd: {  	v6 =	vsel vm0, $0x0, v6;
	v7 =	vadd.f32 v61, v7;
	v63 =	vpop (erf);
	s19 =	simm.s32 @p0 $0x3D8  }
0xbe: {  	v6 =	vadd.f32 v8, v6;
	s18 =	ssub.s32 s18, s19;
	v10 =	vperm.xlane v63, v0;
	v4 =	vsel vm0, v4, v5  }
0xbf: {  	v5 =	vadd.f32 v62, v7;
	v7 =	vmov s18;
	v4 =	vmul.f32 $-8.998998990e-01, v4  }
0xc0: {  	v6 =	vmul.f32 $-1.001001000e-04, v6;
	v8 =	vsel vm0, $0x0, v10;
	vm1 =	veq.s32 v7, v1  }
0xc1: {  	v5 =	vadd.f32 v8, v5;
	v4 =	vnsel vm1, $0x80000000, v4  }
0xc2: {  	[tilespmem:s17+$0x40A0] =	vst v3;
	s18 =	simm.s32 $0x0;
	v3 =	vadd.f32 v6, v4  }
0xc3: {  	s30 =	sand.u32 $0x70, s18;
	s31 =	sand.u32 $0x1C00, s18;
	[tilespmem:s17+$0x48A0] =	vst v5  }
0xc4: {  	s20 =	sor.u32 s30, s31;
	[tilespmem:s17+$0x50A0] =	vst v3  }
0xc5: {  	s19 =	simm.s32 $0x10;
	v3 =	vimm.f32 $-3.000000010e+38;
	v7 =	vld [tilespmem:s20+$0x180]  }
.LBB2_15:
0xc6: {  	p0 =	sne.s32 s19, $0x3D0  }
.Ltmp6:
0xc7: {  	_ = 	snop;
	(pc) =	sbr.rel @p0 .LBB2_15-.Ltmp6, $4  }
0xc8: {  	s18 =	sadd.s32 $0x80, s18  }
0xc9: {  	s20 =	sand.u32 $0x70, s19;
	s21 =	sand.u32 $0x1C00, s18  }
0xca: {  	s20 =	sor.u32 s20, s21  }
0xcb: {  	s19 =	sadd.s32 $0x10, s19;
	v3 =	vmax.f32 v3, v7;
	v7 =	vld [tilespmem:s20+$0x180]  }
0xcc: {  	v4 =	vld [tilespmem:$0x1DD0]  }
0xcd: {  	v5 =	vld.msk [tilespmem:$0x1DE0], $0xff;
	_ =	sdelay $0x1  }
0xce: {  	s18 =	simm.s32 $0x0  }
0xcf: {  	s19 =	sand.u32 $0x70, s18;
	s18 =	sand.u32 $0x1C00, s18  }
0xd0: {  	s18 =	sor.u32 s19, s18  }
0xd1: {  	v9 =	vld [tilespmem:s18+$0x180];
	v6 =	vperm.xlane v4, v0;
	v8 =	vperm.xlane v5, v0;
	_ =	sdelay $0x1  }
0xd2: {  	v6 =	vsel vm0, v6, v8  }
0xd3: {  	s29 =	simm.s32 $0x10;
	s30 =	simm.s32 $0x80;
	v3 =	vmax.f32 v3, v7;
	v7 =	vsel vm0, $0xFF61B1E6, v6  }
0xd4: {  	s19 =	sand.u32 $0x70, s29;
	s18 =	sand.u32 $0x1C00, s30;
	v3 =	vmax.f32 v3, v7  }
0xd5: {  	s18 =	sor.u32 s19, s18;
	v10 =	vsub.f32 v9, v3  }
0xd6: {  	v8 =	vld [tilespmem:s18+$0x180]  }
0xd7: {  	v10 =	vmul.f32 $1.442695020e+00, v10;
	_ =	sdelay $0x1  }
0xd8: {  	s31 =	simm.s32 $0x20;
	s18 =	simm.s32 $0x100;
	v7 =	vimm.f32 $0.0e+00;
	(erf) = vpow2.f32 v10  }
0xd9: {  	s19 =	sand.u32 $0x70, s31;
	s20 =	sand.u32 $0x1C00, s18;
	v9 =	vadd.f32 v9, v7  }
0xda: {  	s20 =	sor.u32 s19, s20;
	v11 =	vsub.f32 v8, v3  }
0xdb: {  	v8 =	vadd.f32 v8, v9;
	v9 =	vld [tilespmem:s20+$0x180]  }
0xdc: {  	s19 =	simm.s32 $0x30;
	v10 =	vperm.xlane v3, v0;
	v11 =	vmul.f32 $1.442695020e+00, v11  }
.LBB2_17:
0xdd: {  	p0 =	sne.s32 s19, $0x3D0  }
.Ltmp7:
0xde: {  	s20 =	sand.u32 $0x70, s19;
	s18 =	sadd.s32 $0x80, s18;
	(erf) = vpow2.f32 v11;
	(pc) =	sbr.rel @p0 .LBB2_17-.Ltmp7, $4  }
0xdf: {  	s19 =	sadd.s32 $0x10, s19;
	s21 =	sand.u32 $0x1C00, s18  }
0xe0: {  	s20 =	sor.u32 s20, s21;
	v11 =	vsub.f32 v9, v3;
	v8 =	vadd.f32 v9, v8  }
0xe1: {  	v9 =	vld [tilespmem:s20+$0x180];
	v12 =	vpop (erf)  }
0xe2: {  	v11 =	vmul.f32 $1.442695020e+00, v11;
	v7 =	vadd.f32 v12, v7  }
0xe3: {  	(v2sf) =	vpush v2, $0x3;
	_ =	sdelay $0xe  }
0xe4: {  	s18 =	spop (v2sf)  }
0xe5: {  	s19 =	sand.u32 $0xF, s18  }
0xe6: {  	s20 =	sshra.s32 s18, $0x1F;
	p0 =	slt.s32 s18, $0x1;
	p1 =	sne.s32 s19, $0x0  }
0xe7: {  	s28 =	sshrl.u32 s20, $0x1C;
	p0 =	por !p0, !p1  }
0xe8: {  	s20 =	simm.s32 $0x1;
	s19 =	sadd.s32 s28, s18;
	p0 =	por !p0, !p0  }
0xe9: {  	s19 =	sshrl.u32 s19, $0x4;
	s20 =	simm.s32 @!p0 $0x0  }
0xea: {  	s19 =	ssub.s32 s19, s20  }
0xeb: {  	s19 =	sshll.u32 s19, $0x4  }
0xec: {  	v12 =	vsub.f32 v9, v3;
	p0 =	slt.s32 s19, $0x3D0  }
0xed: {  	v10 =	vsub.f32 v5, v10;
	s19 =	simm.s32 @!p0 $0x3D0  }
0xee: {  	v12 =	vmul.f32 $1.442695020e+00, v12;
	s29 =	sshll.u32 s19, $0x3  }
0xef: {  	(erf) = vpow2.f32 v11;
	v10 =	vmul.f32 $1.442695020e+00, v10;
	s21 =	sand.u32 $0x70, s19;
	s20 =	sand.u32 $0xFFFFFC00, s29  }
0xf0: {  	(erf) = vpow2.f32 v12;
	s20 =	sor.u32 s21, s20  }
0xf1: {  	(erf) = vpow2.f32 v10;
	v59 =	vld [tilespmem:s20+$0x180];
	_ =	sdelay $0x4  }
0xf2: {  	v10 =	vperm.xlane v59, v0  }
0xf3: {  	v60 =	vpop (erf);
	p0 =	sgt.s32 s18, $0x3DF  }
0xf4: {  	v7 =	vadd.f32 v60, v7;
	v61 =	vpop (erf);
	v4 =	vpsel p0, v4, v10;
	v5 =	vpsel p0, v5, v10  }
0xf5: {  	v8 =	vadd.f32 v9, v8;
	v62 =	vpop (erf);
	v4 =	vperm.xlane v4, v0;
	v5 =	vperm.xlane v5, v0  }
0xf6: {  	v6 =	vsel vm0, $0x0, v6;
	v7 =	vadd.f32 v61, v7;
	v63 =	vpop (erf);
	s19 =	simm.s32 @p0 $0x3D8  }
0xf7: {  	v6 =	vadd.f32 v8, v6;
	s18 =	ssub.s32 s18, s19;
	v10 =	vperm.xlane v63, v0;
	v4 =	vsel vm0, v4, v5  }
0xf8: {  	v5 =	vadd.f32 v62, v7;
	v7 =	vmov s18;
	v4 =	vmul.f32 $-8.998998990e-01, v4  }
0xf9: {  	v6 =	vmul.f32 $-1.001001000e-04, v6;
	v8 =	vsel vm0, $0x0, v10;
	vm1 =	veq.s32 v7, v1  }
0xfa: {  	v5 =	vadd.f32 v8, v5;
	v4 =	vnsel vm1, $0x80000000, v4  }
0xfb: {  	[tilespmem:s17+$0x40B0] =	vst v3;
	s18 =	simm.s32 $0x0;
	v3 =	vadd.f32 v6, v4  }
0xfc: {  	s30 =	sand.u32 $0x70, s18;
	s31 =	sand.u32 $0x1C00, s18;
	[tilespmem:s17+$0x48B0] =	vst v5  }
0xfd: {  	s20 =	sor.u32 s30, s31;
	[tilespmem:s17+$0x50B0] =	vst v3  }
0xfe: {  	s19 =	simm.s32 $0x10;
	v3 =	vimm.f32 $-3.000000010e+38;
	v7 =	vld [tilespmem:s20+$0x200]  }
.LBB2_19:
0xff: {  	p0 =	sne.s32 s19, $0x3D0  }
.Ltmp8:
0x100: {  	_ = 	snop;
	(pc) =	sbr.rel @p0 .LBB2_19-.Ltmp8, $4  }
0x101: {  	s18 =	sadd.s32 $0x80, s18  }
0x102: {  	s20 =	sand.u32 $0x70, s19;
	s21 =	sand.u32 $0x1C00, s18  }
0x103: {  	s20 =	sor.u32 s20, s21  }
0x104: {  	s19 =	sadd.s32 $0x10, s19;
	v3 =	vmax.f32 v3, v7;
	v7 =	vld [tilespmem:s20+$0x200]  }
0x105: {  	v4 =	vld [tilespmem:$0x1E50]  }
0x106: {  	v5 =	vld.msk [tilespmem:$0x1E60], $0xff;
	_ =	sdelay $0x1  }
0x107: {  	s18 =	simm.s32 $0x0  }
0x108: {  	s19 =	sand.u32 $0x70, s18;
	s18 =	sand.u32 $0x1C00, s18  }
0x109: {  	s18 =	sor.u32 s19, s18  }
0x10a: {  	v9 =	vld [tilespmem:s18+$0x200];
	v6 =	vperm.xlane v4, v0;
	v8 =	vperm.xlane v5, v0;
	_ =	sdelay $0x1  }
0x10b: {  	v6 =	vsel vm0, v6, v8  }
0x10c: {  	s29 =	simm.s32 $0x10;
	s30 =	simm.s32 $0x80;
	v3 =	vmax.f32 v3, v7;
	v7 =	vsel vm0, $0xFF61B1E6, v6  }
0x10d: {  	s19 =	sand.u32 $0x70, s29;
	s18 =	sand.u32 $0x1C00, s30;
	v3 =	vmax.f32 v3, v7  }
0x10e: {  	s18 =	sor.u32 s19, s18;
	v10 =	vsub.f32 v9, v3  }
0x10f: {  	v8 =	vld [tilespmem:s18+$0x200]  }
0x110: {  	v10 =	vmul.f32 $1.442695020e+00, v10;
	_ =	sdelay $0x1  }
0x111: {  	s31 =	simm.s32 $0x20;
	s18 =	simm.s32 $0x100;
	v7 =	vimm.f32 $0.0e+00;
	(erf) = vpow2.f32 v10  }
0x112: {  	s19 =	sand.u32 $0x70, s31;
	s20 =	sand.u32 $0x1C00, s18;
	v9 =	vadd.f32 v9, v7  }
0x113: {  	s20 =	sor.u32 s19, s20;
	v11 =	vsub.f32 v8, v3  }
0x114: {  	v8 =	vadd.f32 v8, v9;
	v9 =	vld [tilespmem:s20+$0x200]  }
0x115: {  	s19 =	simm.s32 $0x30;
	v10 =	vperm.xlane v3, v0;
	v11 =	vmul.f32 $1.442695020e+00, v11  }
.LBB2_21:
0x116: {  	p0 =	sne.s32 s19, $0x3D0  }
.Ltmp9:
0x117: {  	s20 =	sand.u32 $0x70, s19;
	s18 =	sadd.s32 $0x80, s18;
	(erf) = vpow2.f32 v11;
	(pc) =	sbr.rel @p0 .LBB2_21-.Ltmp9, $4  }
0x118: {  	s19 =	sadd.s32 $0x10, s19;
	s21 =	sand.u32 $0x1C00, s18  }
0x119: {  	s20 =	sor.u32 s20, s21;
	v11 =	vsub.f32 v9, v3;
	v8 =	vadd.f32 v9, v8  }
0x11a: {  	v9 =	vld [tilespmem:s20+$0x200];
	v12 =	vpop (erf)  }
0x11b: {  	v11 =	vmul.f32 $1.442695020e+00, v11;
	v7 =	vadd.f32 v12, v7  }
0x11c: {  	(v2sf) =	vpush v2, $0x4;
	_ =	sdelay $0xe  }
0x11d: {  	s18 =	spop (v2sf)  }
0x11e: {  	s19 =	sand.u32 $0xF, s18  }
0x11f: {  	s20 =	sshra.s32 s18, $0x1F;
	p0 =	slt.s32 s18, $0x1;
	p1 =	sne.s32 s19, $0x0  }
0x120: {  	s28 =	sshrl.u32 s20, $0x1C;
	p0 =	por !p0, !p1  }
0x121: {  	s20 =	simm.s32 $0x1;
	s19 =	sadd.s32 s28, s18;
	p0 =	por !p0, !p0  }
0x122: {  	s19 =	sshrl.u32 s19, $0x4;
	s20 =	simm.s32 @!p0 $0x0  }
0x123: {  	s19 =	ssub.s32 s19, s20  }
0x124: {  	s19 =	sshll.u32 s19, $0x4  }
0x125: {  	v12 =	vsub.f32 v9, v3;
	p0 =	slt.s32 s19, $0x3D0  }
0x126: {  	v10 =	vsub.f32 v5, v10;
	s19 =	simm.s32 @!p0 $0x3D0  }
0x127: {  	v12 =	vmul.f32 $1.442695020e+00, v12;
	s29 =	sshll.u32 s19, $0x3  }
0x128: {  	(erf) = vpow2.f32 v11;
	v10 =	vmul.f32 $1.442695020e+00, v10;
	s21 =	sand.u32 $0x70, s19;
	s20 =	sand.u32 $0xFFFFFC00, s29  }
0x129: {  	(erf) = vpow2.f32 v12;
	s20 =	sor.u32 s21, s20  }
0x12a: {  	(erf) = vpow2.f32 v10;
	v59 =	vld [tilespmem:s20+$0x200];
	_ =	sdelay $0x4  }
0x12b: {  	v10 =	vperm.xlane v59, v0  }
0x12c: {  	v60 =	vpop (erf);
	p0 =	sgt.s32 s18, $0x3DF  }
0x12d: {  	v7 =	vadd.f32 v60, v7;
	v61 =	vpop (erf);
	v4 =	vpsel p0, v4, v10;
	v5 =	vpsel p0, v5, v10  }
0x12e: {  	v8 =	vadd.f32 v9, v8;
	v62 =	vpop (erf);
	v4 =	vperm.xlane v4, v0;
	v5 =	vperm.xlane v5, v0  }
0x12f: {  	v6 =	vsel vm0, $0x0, v6;
	v7 =	vadd.f32 v61, v7;
	v63 =	vpop (erf);
	s19 =	simm.s32 @p0 $0x3D8  }
0x130: {  	v6 =	vadd.f32 v8, v6;
	s18 =	ssub.s32 s18, s19;
	v10 =	vperm.xlane v63, v0;
	v4 =	vsel vm0, v4, v5  }
0x131: {  	v5 =	vadd.f32 v62, v7;
	v7 =	vmov s18;
	v4 =	vmul.f32 $-8.998998990e-01, v4  }
0x132: {  	v6 =	vmul.f32 $-1.001001000e-04, v6;
	v8 =	vsel vm0, $0x0, v10;
	vm1 =	veq.s32 v7, v1  }
0x133: {  	v5 =	vadd.f32 v8, v5;
	v4 =	vnsel vm1, $0x80000000, v4  }
0x134: {  	[tilespmem:s17+$0x40C0] =	vst v3;
	s18 =	simm.s32 $0x0;
	v3 =	vadd.f32 v6, v4  }
0x135: {  	s30 =	sand.u32 $0x70, s18;
	s31 =	sand.u32 $0x1C00, s18;
	[tilespmem:s17+$0x48C0] =	vst v5  }
0x136: {  	s20 =	sor.u32 s30, s31;
	[tilespmem:s17+$0x50C0] =	vst v3  }
0x137: {  	s19 =	simm.s32 $0x10;
	v3 =	vimm.f32 $-3.000000010e+38;
	v7 =	vld [tilespmem:s20+$0x280]  }
.LBB2_23:
0x138: {  	p0 =	sne.s32 s19, $0x3D0  }
.Ltmp10:
0x139: {  	_ = 	snop;
	(pc) =	sbr.rel @p0 .LBB2_23-.Ltmp10, $4  }
0x13a: {  	s18 =	sadd.s32 $0x80, s18  }
0x13b: {  	s20 =	sand.u32 $0x70, s19;
	s21 =	sand.u32 $0x1C00, s18  }
0x13c: {  	s20 =	sor.u32 s20, s21  }
0x13d: {  	s19 =	sadd.s32 $0x10, s19;
	v3 =	vmax.f32 v3, v7;
	v7 =	vld [tilespmem:s20+$0x280]  }
0x13e: {  	v4 =	vld [tilespmem:$0x1ED0]  }
0x13f: {  	v5 =	vld.msk [tilespmem:$0x1EE0], $0xff;
	_ =	sdelay $0x1  }
0x140: {  	s18 =	simm.s32 $0x0  }
0x141: {  	s19 =	sand.u32 $0x70, s18;
	s18 =	sand.u32 $0x1C00, s18  }
0x142: {  	s18 =	sor.u32 s19, s18  }
0x143: {  	v9 =	vld [tilespmem:s18+$0x280];
	v6 =	vperm.xlane v4, v0;
	v8 =	vperm.xlane v5, v0;
	_ =	sdelay $0x1  }
0x144: {  	v6 =	vsel vm0, v6, v8  }
0x145: {  	s29 =	simm.s32 $0x10;
	s30 =	simm.s32 $0x80;
	v3 =	vmax.f32 v3, v7;
	v7 =	vsel vm0, $0xFF61B1E6, v6  }
0x146: {  	s19 =	sand.u32 $0x70, s29;
	s18 =	sand.u32 $0x1C00, s30;
	v3 =	vmax.f32 v3, v7  }
0x147: {  	s18 =	sor.u32 s19, s18;
	v10 =	vsub.f32 v9, v3  }
0x148: {  	v8 =	vld [tilespmem:s18+$0x280]  }
0x149: {  	v10 =	vmul.f32 $1.442695020e+00, v10;
	_ =	sdelay $0x1  }
0x14a: {  	s31 =	simm.s32 $0x20;
	s18 =	simm.s32 $0x100;
	v7 =	vimm.f32 $0.0e+00;
	(erf) = vpow2.f32 v10  }
0x14b: {  	s19 =	sand.u32 $0x70, s31;
	s20 =	sand.u32 $0x1C00, s18;
	v9 =	vadd.f32 v9, v7  }
0x14c: {  	s20 =	sor.u32 s19, s20;
	v11 =	vsub.f32 v8, v3  }
0x14d: {  	v8 =	vadd.f32 v8, v9;
	v9 =	vld [tilespmem:s20+$0x280]  }
0x14e: {  	s19 =	simm.s32 $0x30;
	v10 =	vperm.xlane v3, v0;
	v11 =	vmul.f32 $1.442695020e+00, v11  }
.LBB2_25:
0x14f: {  	p0 =	sne.s32 s19, $0x3D0  }
.Ltmp11:
0x150: {  	s20 =	sand.u32 $0x70, s19;
	s18 =	sadd.s32 $0x80, s18;
	(erf) = vpow2.f32 v11;
	(pc) =	sbr.rel @p0 .LBB2_25-.Ltmp11, $4  }
0x151: {  	s19 =	sadd.s32 $0x10, s19;
	s21 =	sand.u32 $0x1C00, s18  }
0x152: {  	s20 =	sor.u32 s20, s21;
	v11 =	vsub.f32 v9, v3;
	v8 =	vadd.f32 v9, v8  }
0x153: {  	v9 =	vld [tilespmem:s20+$0x280];
	v12 =	vpop (erf)  }
0x154: {  	v11 =	vmul.f32 $1.442695020e+00, v11;
	v7 =	vadd.f32 v12, v7  }
0x155: {  	(v2sf) =	vpush v2, $0x5;
	_ =	sdelay $0xe  }
0x156: {  	s18 =	spop (v2sf)  }
0x157: {  	s19 =	sand.u32 $0xF, s18  }
0x158: {  	s20 =	sshra.s32 s18, $0x1F;
	p0 =	slt.s32 s18, $0x1;
	p1 =	sne.s32 s19, $0x0  }
0x159: {  	s28 =	sshrl.u32 s20, $0x1C;
	p0 =	por !p0, !p1  }
0x15a: {  	s20 =	simm.s32 $0x1;
	s19 =	sadd.s32 s28, s18;
	p0 =	por !p0, !p0  }
0x15b: {  	s19 =	sshrl.u32 s19, $0x4;
	s20 =	simm.s32 @!p0 $0x0  }
0x15c: {  	s19 =	ssub.s32 s19, s20  }
0x15d: {  	s19 =	sshll.u32 s19, $0x4  }
0x15e: {  	v12 =	vsub.f32 v9, v3;
	p0 =	slt.s32 s19, $0x3D0  }
0x15f: {  	v10 =	vsub.f32 v5, v10;
	s19 =	simm.s32 @!p0 $0x3D0  }
0x160: {  	v12 =	vmul.f32 $1.442695020e+00, v12;
	s29 =	sshll.u32 s19, $0x3  }
0x161: {  	(erf) = vpow2.f32 v11;
	v10 =	vmul.f32 $1.442695020e+00, v10;
	s21 =	sand.u32 $0x70, s19;
	s20 =	sand.u32 $0xFFFFFC00, s29  }
0x162: {  	(erf) = vpow2.f32 v12;
	s20 =	sor.u32 s21, s20  }
0x163: {  	(erf) = vpow2.f32 v10;
	v59 =	vld [tilespmem:s20+$0x280];
	_ =	sdelay $0x4  }
0x164: {  	v10 =	vperm.xlane v59, v0  }
0x165: {  	v60 =	vpop (erf);
	p0 =	sgt.s32 s18, $0x3DF  }
0x166: {  	v7 =	vadd.f32 v60, v7;
	v61 =	vpop (erf);
	v4 =	vpsel p0, v4, v10;
	v5 =	vpsel p0, v5, v10  }
0x167: {  	v8 =	vadd.f32 v9, v8;
	v62 =	vpop (erf);
	v4 =	vperm.xlane v4, v0;
	v5 =	vperm.xlane v5, v0  }
0x168: {  	v6 =	vsel vm0, $0x0, v6;
	v7 =	vadd.f32 v61, v7;
	v63 =	vpop (erf);
	s19 =	simm.s32 @p0 $0x3D8  }
0x169: {  	v6 =	vadd.f32 v8, v6;
	s18 =	ssub.s32 s18, s19;
	v10 =	vperm.xlane v63, v0;
	v4 =	vsel vm0, v4, v5  }
0x16a: {  	v5 =	vadd.f32 v62, v7;
	v7 =	vmov s18;
	v4 =	vmul.f32 $-8.998998990e-01, v4  }
0x16b: {  	v6 =	vmul.f32 $-1.001001000e-04, v6;
	v8 =	vsel vm0, $0x0, v10;
	vm1 =	veq.s32 v7, v1  }
0x16c: {  	v5 =	vadd.f32 v8, v5;
	v4 =	vnsel vm1, $0x80000000, v4  }
0x16d: {  	[tilespmem:s17+$0x40D0] =	vst v3;
	s18 =	simm.s32 $0x0;
	v3 =	vadd.f32 v6, v4  }
0x16e: {  	s30 =	sand.u32 $0x70, s18;
	s31 =	sand.u32 $0x1C00, s18;
	[tilespmem:s17+$0x48D0] =	vst v5  }
0x16f: {  	s20 =	sor.u32 s30, s31;
	[tilespmem:s17+$0x50D0] =	vst v3  }
0x170: {  	s19 =	simm.s32 $0x10;
	v3 =	vimm.f32 $-3.000000010e+38;
	v7 =	vld [tilespmem:s20+$0x300]  }
.LBB2_27:
0x171: {  	p0 =	sne.s32 s19, $0x3D0  }
.Ltmp12:
0x172: {  	_ = 	snop;
	(pc) =	sbr.rel @p0 .LBB2_27-.Ltmp12, $4  }
0x173: {  	s18 =	sadd.s32 $0x80, s18  }
0x174: {  	s20 =	sand.u32 $0x70, s19;
	s21 =	sand.u32 $0x1C00, s18  }
0x175: {  	s20 =	sor.u32 s20, s21  }
0x176: {  	s19 =	sadd.s32 $0x10, s19;
	v3 =	vmax.f32 v3, v7;
	v7 =	vld [tilespmem:s20+$0x300]  }
0x177: {  	v4 =	vld [tilespmem:$0x1F50]  }
0x178: {  	v5 =	vld.msk [tilespmem:$0x1F60], $0xff;
	_ =	sdelay $0x1  }
0x179: {  	s18 =	simm.s32 $0x0  }
0x17a: {  	s19 =	sand.u32 $0x70, s18;
	s18 =	sand.u32 $0x1C00, s18  }
0x17b: {  	s18 =	sor.u32 s19, s18  }
0x17c: {  	v9 =	vld [tilespmem:s18+$0x300];
	v6 =	vperm.xlane v4, v0;
	v8 =	vperm.xlane v5, v0;
	_ =	sdelay $0x1  }
0x17d: {  	v6 =	vsel vm0, v6, v8  }
0x17e: {  	s29 =	simm.s32 $0x10;
	s30 =	simm.s32 $0x80;
	v3 =	vmax.f32 v3, v7;
	v7 =	vsel vm0, $0xFF61B1E6, v6  }
0x17f: {  	s19 =	sand.u32 $0x70, s29;
	s18 =	sand.u32 $0x1C00, s30;
	v3 =	vmax.f32 v3, v7  }
0x180: {  	s18 =	sor.u32 s19, s18;
	v10 =	vsub.f32 v9, v3  }
0x181: {  	v8 =	vld [tilespmem:s18+$0x300]  }
0x182: {  	v10 =	vmul.f32 $1.442695020e+00, v10;
	_ =	sdelay $0x1  }
0x183: {  	s31 =	simm.s32 $0x20;
	s18 =	simm.s32 $0x100;
	v7 =	vimm.f32 $0.0e+00;
	(erf) = vpow2.f32 v10  }
0x184: {  	s19 =	sand.u32 $0x70, s31;
	s20 =	sand.u32 $0x1C00, s18;
	v9 =	vadd.f32 v9, v7  }
0x185: {  	s20 =	sor.u32 s19, s20;
	v11 =	vsub.f32 v8, v3  }
0x186: {  	v8 =	vadd.f32 v8, v9;
	v9 =	vld [tilespmem:s20+$0x300]  }
0x187: {  	s19 =	simm.s32 $0x30;
	v10 =	vperm.xlane v3, v0;
	v11 =	vmul.f32 $1.442695020e+00, v11  }
.LBB2_29:
0x188: {  	p0 =	sne.s32 s19, $0x3D0  }
.Ltmp13:
0x189: {  	s20 =	sand.u32 $0x70, s19;
	s18 =	sadd.s32 $0x80, s18;
	(erf) = vpow2.f32 v11;
	(pc) =	sbr.rel @p0 .LBB2_29-.Ltmp13, $4  }
0x18a: {  	s19 =	sadd.s32 $0x10, s19;
	s21 =	sand.u32 $0x1C00, s18  }
0x18b: {  	s20 =	sor.u32 s20, s21;
	v11 =	vsub.f32 v9, v3;
	v8 =	vadd.f32 v9, v8  }
0x18c: {  	v9 =	vld [tilespmem:s20+$0x300];
	v12 =	vpop (erf)  }
0x18d: {  	v11 =	vmul.f32 $1.442695020e+00, v11;
	v7 =	vadd.f32 v12, v7  }
0x18e: {  	(v2sf) =	vpush v2, $0x6;
	_ =	sdelay $0xe  }
0x18f: {  	s18 =	spop (v2sf)  }
0x190: {  	s19 =	sand.u32 $0xF, s18  }
0x191: {  	s20 =	sshra.s32 s18, $0x1F;
	p0 =	slt.s32 s18, $0x1;
	p1 =	sne.s32 s19, $0x0  }
0x192: {  	s28 =	sshrl.u32 s20, $0x1C;
	p0 =	por !p0, !p1  }
0x193: {  	s20 =	simm.s32 $0x1;
	s19 =	sadd.s32 s28, s18;
	p0 =	por !p0, !p0  }
0x194: {  	s19 =	sshrl.u32 s19, $0x4;
	s20 =	simm.s32 @!p0 $0x0  }
0x195: {  	s19 =	ssub.s32 s19, s20  }
0x196: {  	s19 =	sshll.u32 s19, $0x4  }
0x197: {  	v12 =	vsub.f32 v9, v3;
	p0 =	slt.s32 s19, $0x3D0  }
0x198: {  	v10 =	vsub.f32 v5, v10;
	s19 =	simm.s32 @!p0 $0x3D0  }
0x199: {  	v12 =	vmul.f32 $1.442695020e+00, v12;
	s29 =	sshll.u32 s19, $0x3  }
0x19a: {  	(erf) = vpow2.f32 v11;
	v10 =	vmul.f32 $1.442695020e+00, v10;
	s21 =	sand.u32 $0x70, s19;
	s20 =	sand.u32 $0xFFFFFC00, s29  }
0x19b: {  	(erf) = vpow2.f32 v12;
	s20 =	sor.u32 s21, s20  }
0x19c: {  	(erf) = vpow2.f32 v10;
	v59 =	vld [tilespmem:s20+$0x300];
	_ =	sdelay $0x4  }
0x19d: {  	v10 =	vperm.xlane v59, v0  }
0x19e: {  	v60 =	vpop (erf);
	p0 =	sgt.s32 s18, $0x3DF  }
0x19f: {  	v7 =	vadd.f32 v60, v7;
	v61 =	vpop (erf);
	v4 =	vpsel p0, v4, v10;
	v5 =	vpsel p0, v5, v10  }
0x1a0: {  	v8 =	vadd.f32 v9, v8;
	v62 =	vpop (erf);
	v4 =	vperm.xlane v4, v0;
	v5 =	vperm.xlane v5, v0  }
0x1a1: {  	v6 =	vsel vm0, $0x0, v6;
	v7 =	vadd.f32 v61, v7;
	v63 =	vpop (erf);
	s19 =	simm.s32 @p0 $0x3D8  }
0x1a2: {  	v6 =	vadd.f32 v8, v6;
	s18 =	ssub.s32 s18, s19;
	v10 =	vperm.xlane v63, v0;
	v4 =	vsel vm0, v4, v5  }
0x1a3: {  	v5 =	vadd.f32 v62, v7;
	v7 =	vmov s18;
	v4 =	vmul.f32 $-8.998998990e-01, v4  }
0x1a4: {  	v6 =	vmul.f32 $-1.001001000e-04, v6;
	v8 =	vsel vm0, $0x0, v10;
	vm1 =	veq.s32 v7, v1  }
0x1a5: {  	v5 =	vadd.f32 v8, v5;
	v4 =	vnsel vm1, $0x80000000, v4  }
0x1a6: {  	s30 =	simm.s32 $0x0;
	[tilespmem:s17+$0x40E0] =	vst v3;
	v3 =	vadd.f32 v6, v4  }
0x1a7: {  	s18 =	sor.u32 s30, s30;
	[tilespmem:s17+$0x48E0] =	vst v5  }
0x1a8: {  	s31 =	sor.u32 $0x380, s18;
	[tilespmem:s17+$0x50E0] =	vst v3  }
0x1a9: {  	v7 =	vld [tilespmem:s31+$0x0];
	_ =	sdelay $0x2  }
0x1aa: {  	s19 =	simm.s32 $0x80;
	s18 =	simm.s32 $0x10;
	v3 =	vimm.f32 $-3.000000010e+38  }
.LBB2_31:
0x1ab: {  	s20 =	sor.u32 s19, s18;
	p0 =	sne.s32 s18, $0x3D0;
	s18 =	sadd.s32 $0x10, s18  }
.Ltmp14:
0x1ac: {  	s20 =	sor.u32 $0x380, s20;
	v3 =	vmax.f32 v3, v7;
	(pc) =	sbr.rel @p0 .LBB2_31-.Ltmp14, $2  }
0x1ad: {  	v7 =	vld [tilespmem:s20+$0x0];
	_ =	sdelay $0x2  }
0x1ae: {  	s19 =	sadd.s32 $0x80, s19  }
0x1af: {  	v4 =	vld [tilespmem:$0x1FD0]  }
0x1b0: {  	v5 =	vld.msk [tilespmem:$0x1FE0], $0xff;
	_ =	sdelay $0x1  }
0x1b1: {  	s18 =	simm.s32 $0x0  }
0x1b2: {  	s18 =	sor.u32 s18, s18  }
0x1b3: {  	s18 =	sor.u32 $0x380, s18  }
0x1b4: {  	s19 =	simm.s32 $0x10;
	s20 =	simm.s32 $0x80;
	v9 =	vld [tilespmem:s18+$0x0];
	v6 =	vperm.xlane v4, v0;
	v8 =	vperm.xlane v5, v0  }
0x1b5: {  	s19 =	sor.u32 s20, s19  }
0x1b6: {  	s29 =	sor.u32 $0x380, s19;
	v6 =	vsel vm0, v6, v8  }
0x1b7: {  	v3 =	vmax.f32 v3, v7;
	v11 =	vld [tilespmem:s29+$0x0];
	v7 =	vsel vm0, $0xFF61B1E6, v6  }
0x1b8: {  	v3 =	vmax.f32 v3, v7  }
0x1b9: {  	v8 =	vsub.f32 v9, v3;
	_ =	sdelay $0x1  }
0x1ba: {  	v8 =	vmul.f32 $1.442695020e+00, v8  }
0x1bb: {  	v10 =	vsub.f32 v11, v3  }
0x1bc: {  	s30 =	simm.s32 $0x20;
	s31 =	simm.s32 $0x100;
	v7 =	vimm.f32 $0.0e+00;
	(erf) = vpow2.f32 v8  }
0x1bd: {  	s18 =	sor.u32 s31, s30;
	v9 =	vadd.f32 v9, v7;
	v12 =	vmul.f32 $1.442695020e+00, v10  }
0x1be: {  	s19 =	sor.u32 $0x380, s18  }
0x1bf: {  	v8 =	vadd.f32 v11, v9;
	v9 =	vld [tilespmem:s19+$0x0];
	(erf) = vpow2.f32 v12;
	_ =	sdelay $0x2  }
0x1c0: {  	s18 =	simm.s32 $0x30;
	v10 =	vperm.xlane v3, v0;
	s19 =	simm.s32 $0x180  }
.LBB2_33:
0x1c1: {  	s20 =	sor.u32 s19, s18;
	p0 =	sne.s32 s18, $0x3D0;
	s18 =	sadd.s32 $0x10, s18  }
.Ltmp15:
0x1c2: {  	s20 =	sor.u32 $0x380, s20;
	v11 =	vsub.f32 v9, v3;
	v8 =	vadd.f32 v9, v8;
	(pc) =	sbr.rel @p0 .LBB2_33-.Ltmp15, $3  }
0x1c3: {  	v9 =	vld [tilespmem:s20+$0x0];
	v12 =	vpop (erf)  }
0x1c4: {  	v11 =	vmul.f32 $1.442695020e+00, v11;
	v7 =	vadd.f32 v12, v7;
	_ =	sdelay $0x1  }
0x1c5: {  	s19 =	sadd.s32 $0x80, s19;
	(erf) = vpow2.f32 v11  }
0x1c6: {  	(v2sf) =	vpush v2, $0x7;
	_ =	sdelay $0xe  }
0x1c7: {  	s18 =	spop (v2sf)  }
0x1c8: {  	s19 =	sand.u32 $0xF, s18  }
0x1c9: {  	s20 =	sshra.s32 s18, $0x1F;
	p0 =	slt.s32 s18, $0x1;
	p1 =	sne.s32 s19, $0x0  }
0x1ca: {  	s28 =	sshrl.u32 s20, $0x1C;
	p0 =	por !p0, !p1  }
0x1cb: {  	s20 =	simm.s32 $0x1;
	s19 =	sadd.s32 s28, s18;
	p0 =	por !p0, !p0  }
0x1cc: {  	s19 =	sshrl.u32 s19, $0x4;
	s20 =	simm.s32 @!p0 $0x0  }
0x1cd: {  	s19 =	ssub.s32 s19, s20  }
0x1ce: {  	s19 =	sshll.u32 s19, $0x4  }
0x1cf: {  	v11 =	vsub.f32 v9, v3;
	p0 =	slt.s32 s19, $0x3D0  }
0x1d0: {  	v10 =	vsub.f32 v5, v10;
	s19 =	simm.s32 @!p0 $0x3D0  }
0x1d1: {  	v11 =	vmul.f32 $1.442695020e+00, v11;
	s29 =	sand.u32 $0x70, s19;
	s21 =	sshll.u32 s19, $0x3  }
0x1d2: {  	v10 =	vmul.f32 $1.442695020e+00, v10;
	s20 =	sor.u32 s29, s21  }
0x1d3: {  	(erf) = vpow2.f32 v11;
	s20 =	sor.u32 $0x380, s20  }
0x1d4: {  	(erf) = vpow2.f32 v10;
	v60 =	vld [tilespmem:s20+$0x0];
	_ =	sdelay $0x4  }
0x1d5: {  	v10 =	vperm.xlane v60, v0  }
0x1d6: {  	v61 =	vpop (erf);
	p0 =	sgt.s32 s18, $0x3DF  }
0x1d7: {  	v7 =	vadd.f32 v61, v7;
	v12 =	vpop (erf);
	v4 =	vpsel p0, v4, v10;
	v5 =	vpsel p0, v5, v10  }
0x1d8: {  	v8 =	vadd.f32 v9, v8;
	v62 =	vpop (erf);
	v4 =	vperm.xlane v4, v0;
	v5 =	vperm.xlane v5, v0  }
0x1d9: {  	v6 =	vsel vm0, $0x0, v6;
	v7 =	vadd.f32 v12, v7;
	v63 =	vpop (erf);
	s19 =	simm.s32 @p0 $0x3D8  }
0x1da: {  	v6 =	vadd.f32 v8, v6;
	s18 =	ssub.s32 s18, s19;
	v10 =	vperm.xlane v63, v0;
	v4 =	vsel vm0, v4, v5  }
0x1db: {  	v5 =	vadd.f32 v62, v7;
	v7 =	vmov s18;
	v4 =	vmul.f32 $-8.998998990e-01, v4  }
0x1dc: {  	v6 =	vmul.f32 $-1.001001000e-04, v6;
	v8 =	vsel vm0, $0x0, v10;
	vm1 =	veq.s32 v7, v1  }
0x1dd: {  	v5 =	vadd.f32 v8, v5;
	v4 =	vnsel vm1, $0x80000000, v4  }
0x1de: {  	[tilespmem:s17+$0x40F0] =	vst v3;
	s18 =	simm.s32 $0x0;
	v3 =	vadd.f32 v6, v4  }
0x1df: {  	s30 =	sand.u32 $0x70, s18;
	s31 =	sand.u32 $0x1C00, s18;
	[tilespmem:s17+$0x48F0] =	vst v5  }
0x1e0: {  	s20 =	sor.u32 s30, s31;
	[tilespmem:s17+$0x50F0] =	vst v3  }
0x1e1: {  	s19 =	simm.s32 $0x10;
	v3 =	vimm.f32 $-3.000000010e+38;
	v7 =	vld [tilespmem:s20+$0x2000]  }
.LBB2_35:
0x1e2: {  	p0 =	sne.s32 s19, $0x3D0  }
.Ltmp16:
0x1e3: {  	_ = 	snop;
	(pc) =	sbr.rel @p0 .LBB2_35-.Ltmp16, $4  }
0x1e4: {  	s18 =	sadd.s32 $0x80, s18  }
0x1e5: {  	s20 =	sand.u32 $0x70, s19;
	s21 =	sand.u32 $0x1C00, s18  }
0x1e6: {  	s20 =	sor.u32 s20, s21  }
0x1e7: {  	s19 =	sadd.s32 $0x10, s19;
	v3 =	vmax.f32 v3, v7;
	v7 =	vld [tilespmem:s20+$0x2000]  }
0x1e8: {  	v4 =	vld [tilespmem:$0x3C50]  }
0x1e9: {  	v5 =	vld.msk [tilespmem:$0x3C60], $0xff;
	_ =	sdelay $0x1  }
0x1ea: {  	s18 =	simm.s32 $0x0  }
0x1eb: {  	s19 =	sand.u32 $0x70, s18;
	s18 =	sand.u32 $0x1C00, s18  }
0x1ec: {  	s18 =	sor.u32 s19, s18  }
0x1ed: {  	v9 =	vld [tilespmem:s18+$0x2000];
	v6 =	vperm.xlane v4, v0;
	v8 =	vperm.xlane v5, v0;
	_ =	sdelay $0x1  }
0x1ee: {  	v6 =	vsel vm0, v6, v8  }
0x1ef: {  	s29 =	simm.s32 $0x10;
	s30 =	simm.s32 $0x80;
	v3 =	vmax.f32 v3, v7;
	v7 =	vsel vm0, $0xFF61B1E6, v6  }
0x1f0: {  	s19 =	sand.u32 $0x70, s29;
	s18 =	sand.u32 $0x1C00, s30;
	v3 =	vmax.f32 v3, v7  }
0x1f1: {  	s18 =	sor.u32 s19, s18;
	v10 =	vsub.f32 v9, v3  }
0x1f2: {  	v8 =	vld [tilespmem:s18+$0x2000]  }
0x1f3: {  	v10 =	vmul.f32 $1.442695020e+00, v10;
	_ =	sdelay $0x1  }
0x1f4: {  	s31 =	simm.s32 $0x20;
	s18 =	simm.s32 $0x100;
	v7 =	vimm.f32 $0.0e+00;
	(erf) = vpow2.f32 v10  }
0x1f5: {  	s19 =	sand.u32 $0x70, s31;
	s20 =	sand.u32 $0x1C00, s18;
	v9 =	vadd.f32 v9, v7  }
0x1f6: {  	s20 =	sor.u32 s19, s20;
	v11 =	vsub.f32 v8, v3  }
0x1f7: {  	v8 =	vadd.f32 v8, v9;
	v9 =	vld [tilespmem:s20+$0x2000]  }
0x1f8: {  	s19 =	simm.s32 $0x30;
	v10 =	vperm.xlane v3, v0;
	v11 =	vmul.f32 $1.442695020e+00, v11  }
.LBB2_37:
0x1f9: {  	p0 =	sne.s32 s19, $0x3D0  }
.Ltmp17:
0x1fa: {  	s20 =	sand.u32 $0x70, s19;
	s18 =	sadd.s32 $0x80, s18;
	(erf) = vpow2.f32 v11;
	(pc) =	sbr.rel @p0 .LBB2_37-.Ltmp17, $4  }
0x1fb: {  	s19 =	sadd.s32 $0x10, s19;
	s21 =	sand.u32 $0x1C00, s18  }
0x1fc: {  	s20 =	sor.u32 s20, s21;
	v11 =	vsub.f32 v9, v3;
	v8 =	vadd.f32 v9, v8  }
0x1fd: {  	v9 =	vld [tilespmem:s20+$0x2000];
	v12 =	vpop (erf)  }
0x1fe: {  	v11 =	vmul.f32 $1.442695020e+00, v11;
	v7 =	vadd.f32 v12, v7  }
0x1ff: {  	(v2sf) =	vpush v2, $0x8;
	_ =	sdelay $0xe  }
0x200: {  	s18 =	spop (v2sf)  }
0x201: {  	s19 =	sand.u32 $0xF, s18  }
0x202: {  	s20 =	sshra.s32 s18, $0x1F;
	p0 =	slt.s32 s18, $0x1;
	p1 =	sne.s32 s19, $0x0  }
0x203: {  	s28 =	sshrl.u32 s20, $0x1C;
	p0 =	por !p0, !p1  }
0x204: {  	s20 =	simm.s32 $0x1;
	s19 =	sadd.s32 s28, s18;
	p0 =	por !p0, !p0  }
0x205: {  	s19 =	sshrl.u32 s19, $0x4;
	s20 =	simm.s32 @!p0 $0x0  }
0x206: {  	s19 =	ssub.s32 s19, s20  }
0x207: {  	s19 =	sshll.u32 s19, $0x4  }
0x208: {  	v12 =	vsub.f32 v9, v3;
	p0 =	slt.s32 s19, $0x3D0  }
0x209: {  	v10 =	vsub.f32 v5, v10;
	s19 =	simm.s32 @!p0 $0x3D0  }
0x20a: {  	v12 =	vmul.f32 $1.442695020e+00, v12;
	s29 =	sshll.u32 s19, $0x3  }
0x20b: {  	(erf) = vpow2.f32 v11;
	v10 =	vmul.f32 $1.442695020e+00, v10;
	s21 =	sand.u32 $0x70, s19;
	s20 =	sand.u32 $0xFFFFFC00, s29  }
0x20c: {  	(erf) = vpow2.f32 v12;
	s20 =	sor.u32 s21, s20  }
0x20d: {  	(erf) = vpow2.f32 v10;
	v59 =	vld [tilespmem:s20+$0x2000];
	_ =	sdelay $0x4  }
0x20e: {  	v10 =	vperm.xlane v59, v0  }
0x20f: {  	v60 =	vpop (erf);
	p0 =	sgt.s32 s18, $0x3DF  }
0x210: {  	v7 =	vadd.f32 v60, v7;
	v61 =	vpop (erf);
	v4 =	vpsel p0, v4, v10;
	v5 =	vpsel p0, v5, v10  }
0x211: {  	v8 =	vadd.f32 v9, v8;
	v62 =	vpop (erf);
	v4 =	vperm.xlane v4, v0;
	v5 =	vperm.xlane v5, v0  }
0x212: {  	v6 =	vsel vm0, $0x0, v6;
	v7 =	vadd.f32 v61, v7;
	v63 =	vpop (erf);
	s19 =	simm.s32 @p0 $0x3D8  }
0x213: {  	v6 =	vadd.f32 v8, v6;
	s18 =	ssub.s32 s18, s19;
	v10 =	vperm.xlane v63, v0;
	v4 =	vsel vm0, v4, v5  }
0x214: {  	v5 =	vadd.f32 v62, v7;
	v7 =	vmov s18;
	v4 =	vmul.f32 $-8.998998990e-01, v4  }
0x215: {  	v6 =	vmul.f32 $-1.001001000e-04, v6;
	v8 =	vsel vm0, $0x0, v10;
	vm1 =	veq.s32 v7, v1  }
0x216: {  	v5 =	vadd.f32 v8, v5;
	v4 =	vnsel vm1, $0x80000000, v4  }
0x217: {  	[tilespmem:s17+$0x4100] =	vst v3;
	s18 =	simm.s32 $0x0;
	v3 =	vadd.f32 v6, v4  }
0x218: {  	s30 =	sand.u32 $0x70, s18;
	s31 =	sand.u32 $0x1C00, s18;
	[tilespmem:s17+$0x4900] =	vst v5  }
0x219: {  	s20 =	sor.u32 s30, s31;
	[tilespmem:s17+$0x5100] =	vst v3  }
0x21a: {  	s19 =	simm.s32 $0x10;
	v3 =	vimm.f32 $-3.000000010e+38;
	v7 =	vld [tilespmem:s20+$0x2080]  }
.LBB2_39:
0x21b: {  	p0 =	sne.s32 s19, $0x3D0  }
.Ltmp18:
0x21c: {  	_ = 	snop;
	(pc) =	sbr.rel @p0 .LBB2_39-.Ltmp18, $4  }
0x21d: {  	s18 =	sadd.s32 $0x80, s18  }
0x21e: {  	s20 =	sand.u32 $0x70, s19;
	s21 =	sand.u32 $0x1C00, s18  }
0x21f: {  	s20 =	sor.u32 s20, s21  }
0x220: {  	s19 =	sadd.s32 $0x10, s19;
	v3 =	vmax.f32 v3, v7;
	v7 =	vld [tilespmem:s20+$0x2080]  }
0x221: {  	v4 =	vld [tilespmem:$0x3CD0]  }
0x222: {  	v5 =	vld.msk [tilespmem:$0x3CE0], $0xff;
	_ =	sdelay $0x1  }
0x223: {  	s18 =	simm.s32 $0x0  }
0x224: {  	s19 =	sand.u32 $0x70, s18;
	s18 =	sand.u32 $0x1C00, s18  }
0x225: {  	s18 =	sor.u32 s19, s18  }
0x226: {  	v9 =	vld [tilespmem:s18+$0x2080];
	v6 =	vperm.xlane v4, v0;
	v8 =	vperm.xlane v5, v0;
	_ =	sdelay $0x1  }
0x227: {  	v6 =	vsel vm0, v6, v8  }
0x228: {  	s29 =	simm.s32 $0x10;
	s30 =	simm.s32 $0x80;
	v3 =	vmax.f32 v3, v7;
	v7 =	vsel vm0, $0xFF61B1E6, v6  }
0x229: {  	s19 =	sand.u32 $0x70, s29;
	s18 =	sand.u32 $0x1C00, s30;
	v3 =	vmax.f32 v3, v7  }
0x22a: {  	s18 =	sor.u32 s19, s18;
	v10 =	vsub.f32 v9, v3  }
0x22b: {  	v8 =	vld [tilespmem:s18+$0x2080]  }
0x22c: {  	v10 =	vmul.f32 $1.442695020e+00, v10;
	_ =	sdelay $0x1  }
0x22d: {  	s31 =	simm.s32 $0x20;
	s18 =	simm.s32 $0x100;
	v7 =	vimm.f32 $0.0e+00;
	(erf) = vpow2.f32 v10  }
0x22e: {  	s19 =	sand.u32 $0x70, s31;
	s20 =	sand.u32 $0x1C00, s18;
	v9 =	vadd.f32 v9, v7  }
0x22f: {  	s20 =	sor.u32 s19, s20;
	v11 =	vsub.f32 v8, v3  }
0x230: {  	v8 =	vadd.f32 v8, v9;
	v9 =	vld [tilespmem:s20+$0x2080]  }
0x231: {  	s19 =	simm.s32 $0x30;
	v10 =	vperm.xlane v3, v0;
	v11 =	vmul.f32 $1.442695020e+00, v11  }
.LBB2_41:
0x232: {  	p0 =	sne.s32 s19, $0x3D0  }
.Ltmp19:
0x233: {  	s20 =	sand.u32 $0x70, s19;
	s18 =	sadd.s32 $0x80, s18;
	(erf) = vpow2.f32 v11;
	(pc) =	sbr.rel @p0 .LBB2_41-.Ltmp19, $4  }
0x234: {  	s19 =	sadd.s32 $0x10, s19;
	s21 =	sand.u32 $0x1C00, s18  }
0x235: {  	s20 =	sor.u32 s20, s21;
	v11 =	vsub.f32 v9, v3;
	v8 =	vadd.f32 v9, v8  }
0x236: {  	v9 =	vld [tilespmem:s20+$0x2080];
	v12 =	vpop (erf)  }
0x237: {  	v11 =	vmul.f32 $1.442695020e+00, v11;
	v7 =	vadd.f32 v12, v7  }
0x238: {  	(v2sf) =	vpush v2, $0x9;
	_ =	sdelay $0xe  }
0x239: {  	s18 =	spop (v2sf)  }
0x23a: {  	s19 =	sand.u32 $0xF, s18  }
0x23b: {  	s20 =	sshra.s32 s18, $0x1F;
	p0 =	slt.s32 s18, $0x1;
	p1 =	sne.s32 s19, $0x0  }
0x23c: {  	s28 =	sshrl.u32 s20, $0x1C;
	p0 =	por !p0, !p1  }
0x23d: {  	s20 =	simm.s32 $0x1;
	s19 =	sadd.s32 s28, s18;
	p0 =	por !p0, !p0  }
0x23e: {  	s19 =	sshrl.u32 s19, $0x4;
	s20 =	simm.s32 @!p0 $0x0  }
0x23f: {  	s19 =	ssub.s32 s19, s20  }
0x240: {  	s19 =	sshll.u32 s19, $0x4  }
0x241: {  	v12 =	vsub.f32 v9, v3;
	p0 =	slt.s32 s19, $0x3D0  }
0x242: {  	v10 =	vsub.f32 v5, v10;
	s19 =	simm.s32 @!p0 $0x3D0  }
0x243: {  	v12 =	vmul.f32 $1.442695020e+00, v12;
	s29 =	sshll.u32 s19, $0x3  }
0x244: {  	(erf) = vpow2.f32 v11;
	v10 =	vmul.f32 $1.442695020e+00, v10;
	s21 =	sand.u32 $0x70, s19;
	s20 =	sand.u32 $0xFFFFFC00, s29  }
0x245: {  	(erf) = vpow2.f32 v12;
	s20 =	sor.u32 s21, s20  }
0x246: {  	(erf) = vpow2.f32 v10;
	v59 =	vld [tilespmem:s20+$0x2080];
	_ =	sdelay $0x4  }
0x247: {  	v10 =	vperm.xlane v59, v0  }
0x248: {  	v60 =	vpop (erf);
	p0 =	sgt.s32 s18, $0x3DF  }
0x249: {  	v7 =	vadd.f32 v60, v7;
	v61 =	vpop (erf);
	v4 =	vpsel p0, v4, v10;
	v5 =	vpsel p0, v5, v10  }
0x24a: {  	v8 =	vadd.f32 v9, v8;
	v62 =	vpop (erf);
	v4 =	vperm.xlane v4, v0;
	v5 =	vperm.xlane v5, v0  }
0x24b: {  	v6 =	vsel vm0, $0x0, v6;
	v7 =	vadd.f32 v61, v7;
	v63 =	vpop (erf);
	s19 =	simm.s32 @p0 $0x3D8  }
0x24c: {  	v6 =	vadd.f32 v8, v6;
	s18 =	ssub.s32 s18, s19;
	v10 =	vperm.xlane v63, v0;
	v4 =	vsel vm0, v4, v5  }
0x24d: {  	v5 =	vadd.f32 v62, v7;
	v7 =	vmov s18;
	v4 =	vmul.f32 $-8.998998990e-01, v4  }
0x24e: {  	v6 =	vmul.f32 $-1.001001000e-04, v6;
	v8 =	vsel vm0, $0x0, v10;
	vm1 =	veq.s32 v7, v1  }
0x24f: {  	v5 =	vadd.f32 v8, v5;
	v4 =	vnsel vm1, $0x80000000, v4  }
0x250: {  	[tilespmem:s17+$0x4110] =	vst v3;
	s18 =	simm.s32 $0x0;
	v3 =	vadd.f32 v6, v4  }
0x251: {  	s30 =	sand.u32 $0x70, s18;
	s31 =	sand.u32 $0x1C00, s18;
	[tilespmem:s17+$0x4910] =	vst v5  }
0x252: {  	s20 =	sor.u32 s30, s31;
	[tilespmem:s17+$0x5110] =	vst v3  }
0x253: {  	s19 =	simm.s32 $0x10;
	v3 =	vimm.f32 $-3.000000010e+38;
	v7 =	vld [tilespmem:s20+$0x2100]  }
.LBB2_43:
0x254: {  	p0 =	sne.s32 s19, $0x3D0  }
.Ltmp20:
0x255: {  	_ = 	snop;
	(pc) =	sbr.rel @p0 .LBB2_43-.Ltmp20, $4  }
0x256: {  	s18 =	sadd.s32 $0x80, s18  }
0x257: {  	s20 =	sand.u32 $0x70, s19;
	s21 =	sand.u32 $0x1C00, s18  }
0x258: {  	s20 =	sor.u32 s20, s21  }
0x259: {  	s19 =	sadd.s32 $0x10, s19;
	v3 =	vmax.f32 v3, v7;
	v7 =	vld [tilespmem:s20+$0x2100]  }
0x25a: {  	v4 =	vld [tilespmem:$0x3D50]  }
0x25b: {  	v5 =	vld.msk [tilespmem:$0x3D60], $0xff;
	_ =	sdelay $0x1  }
0x25c: {  	s18 =	simm.s32 $0x0  }
0x25d: {  	s19 =	sand.u32 $0x70, s18;
	s18 =	sand.u32 $0x1C00, s18  }
0x25e: {  	s18 =	sor.u32 s19, s18  }
0x25f: {  	v9 =	vld [tilespmem:s18+$0x2100];
	v6 =	vperm.xlane v4, v0;
	v8 =	vperm.xlane v5, v0;
	_ =	sdelay $0x1  }
0x260: {  	v6 =	vsel vm0, v6, v8  }
0x261: {  	s29 =	simm.s32 $0x10;
	s30 =	simm.s32 $0x80;
	v3 =	vmax.f32 v3, v7;
	v7 =	vsel vm0, $0xFF61B1E6, v6  }
0x262: {  	s19 =	sand.u32 $0x70, s29;
	s18 =	sand.u32 $0x1C00, s30;
	v3 =	vmax.f32 v3, v7  }
0x263: {  	s18 =	sor.u32 s19, s18;
	v10 =	vsub.f32 v9, v3  }
0x264: {  	v8 =	vld [tilespmem:s18+$0x2100]  }
0x265: {  	v10 =	vmul.f32 $1.442695020e+00, v10;
	_ =	sdelay $0x1  }
0x266: {  	s31 =	simm.s32 $0x20;
	s18 =	simm.s32 $0x100;
	v7 =	vimm.f32 $0.0e+00;
	(erf) = vpow2.f32 v10  }
0x267: {  	s19 =	sand.u32 $0x70, s31;
	s20 =	sand.u32 $0x1C00, s18;
	v9 =	vadd.f32 v9, v7  }
0x268: {  	s20 =	sor.u32 s19, s20;
	v11 =	vsub.f32 v8, v3  }
0x269: {  	v8 =	vadd.f32 v8, v9;
	v9 =	vld [tilespmem:s20+$0x2100]  }
0x26a: {  	s19 =	simm.s32 $0x30;
	v10 =	vperm.xlane v3, v0;
	v11 =	vmul.f32 $1.442695020e+00, v11  }
.LBB2_45:
0x26b: {  	p0 =	sne.s32 s19, $0x3D0  }
.Ltmp21:
0x26c: {  	s20 =	sand.u32 $0x70, s19;
	s18 =	sadd.s32 $0x80, s18;
	(erf) = vpow2.f32 v11;
	(pc) =	sbr.rel @p0 .LBB2_45-.Ltmp21, $4  }
0x26d: {  	s19 =	sadd.s32 $0x10, s19;
	s21 =	sand.u32 $0x1C00, s18  }
0x26e: {  	s20 =	sor.u32 s20, s21;
	v11 =	vsub.f32 v9, v3;
	v8 =	vadd.f32 v9, v8  }
0x26f: {  	v9 =	vld [tilespmem:s20+$0x2100];
	v12 =	vpop (erf)  }
0x270: {  	v11 =	vmul.f32 $1.442695020e+00, v11;
	v7 =	vadd.f32 v12, v7  }
0x271: {  	(v2sf) =	vpush v2, $0xA;
	_ =	sdelay $0xe  }
0x272: {  	s18 =	spop (v2sf)  }
0x273: {  	s19 =	sand.u32 $0xF, s18  }
0x274: {  	s20 =	sshra.s32 s18, $0x1F;
	p0 =	slt.s32 s18, $0x1;
	p1 =	sne.s32 s19, $0x0  }
0x275: {  	s28 =	sshrl.u32 s20, $0x1C;
	p0 =	por !p0, !p1  }
0x276: {  	s20 =	simm.s32 $0x1;
	s19 =	sadd.s32 s28, s18;
	p0 =	por !p0, !p0  }
0x277: {  	s19 =	sshrl.u32 s19, $0x4;
	s20 =	simm.s32 @!p0 $0x0  }
0x278: {  	s19 =	ssub.s32 s19, s20  }
0x279: {  	s19 =	sshll.u32 s19, $0x4  }
0x27a: {  	v12 =	vsub.f32 v9, v3;
	p0 =	slt.s32 s19, $0x3D0  }
0x27b: {  	v10 =	vsub.f32 v5, v10;
	s19 =	simm.s32 @!p0 $0x3D0  }
0x27c: {  	v12 =	vmul.f32 $1.442695020e+00, v12;
	s29 =	sshll.u32 s19, $0x3  }
0x27d: {  	(erf) = vpow2.f32 v11;
	v10 =	vmul.f32 $1.442695020e+00, v10;
	s21 =	sand.u32 $0x70, s19;
	s20 =	sand.u32 $0xFFFFFC00, s29  }
0x27e: {  	(erf) = vpow2.f32 v12;
	s20 =	sor.u32 s21, s20  }
0x27f: {  	(erf) = vpow2.f32 v10;
	v59 =	vld [tilespmem:s20+$0x2100];
	_ =	sdelay $0x4  }
0x280: {  	v10 =	vperm.xlane v59, v0  }
0x281: {  	v60 =	vpop (erf);
	p0 =	sgt.s32 s18, $0x3DF  }
0x282: {  	v7 =	vadd.f32 v60, v7;
	v61 =	vpop (erf);
	v4 =	vpsel p0, v4, v10;
	v5 =	vpsel p0, v5, v10  }
0x283: {  	v8 =	vadd.f32 v9, v8;
	v62 =	vpop (erf);
	v4 =	vperm.xlane v4, v0;
	v5 =	vperm.xlane v5, v0  }
0x284: {  	v6 =	vsel vm0, $0x0, v6;
	v7 =	vadd.f32 v61, v7;
	v63 =	vpop (erf);
	s19 =	simm.s32 @p0 $0x3D8  }
0x285: {  	v6 =	vadd.f32 v8, v6;
	s18 =	ssub.s32 s18, s19;
	v10 =	vperm.xlane v63, v0;
	v4 =	vsel vm0, v4, v5  }
0x286: {  	v5 =	vadd.f32 v62, v7;
	v7 =	vmov s18;
	v4 =	vmul.f32 $-8.998998990e-01, v4  }
0x287: {  	v6 =	vmul.f32 $-1.001001000e-04, v6;
	v8 =	vsel vm0, $0x0, v10;
	vm1 =	veq.s32 v7, v1  }
0x288: {  	v5 =	vadd.f32 v8, v5;
	v4 =	vnsel vm1, $0x80000000, v4  }
0x289: {  	[tilespmem:s17+$0x4120] =	vst v3;
	s18 =	simm.s32 $0x0;
	v3 =	vadd.f32 v6, v4  }
0x28a: {  	s30 =	sand.u32 $0x70, s18;
	s31 =	sand.u32 $0x1C00, s18;
	[tilespmem:s17+$0x4920] =	vst v5  }
0x28b: {  	s20 =	sor.u32 s30, s31;
	[tilespmem:s17+$0x5120] =	vst v3  }
0x28c: {  	s19 =	simm.s32 $0x10;
	v3 =	vimm.f32 $-3.000000010e+38;
	v7 =	vld [tilespmem:s20+$0x2180]  }
.LBB2_47:
0x28d: {  	p0 =	sne.s32 s19, $0x3D0  }
.Ltmp22:
0x28e: {  	_ = 	snop;
	(pc) =	sbr.rel @p0 .LBB2_47-.Ltmp22, $4  }
0x28f: {  	s18 =	sadd.s32 $0x80, s18  }
0x290: {  	s20 =	sand.u32 $0x70, s19;
	s21 =	sand.u32 $0x1C00, s18  }
0x291: {  	s20 =	sor.u32 s20, s21  }
0x292: {  	s19 =	sadd.s32 $0x10, s19;
	v3 =	vmax.f32 v3, v7;
	v7 =	vld [tilespmem:s20+$0x2180]  }
0x293: {  	v4 =	vld [tilespmem:$0x3DD0]  }
0x294: {  	v5 =	vld.msk [tilespmem:$0x3DE0], $0xff;
	_ =	sdelay $0x1  }
0x295: {  	s18 =	simm.s32 $0x0  }
0x296: {  	s19 =	sand.u32 $0x70, s18;
	s18 =	sand.u32 $0x1C00, s18  }
0x297: {  	s18 =	sor.u32 s19, s18  }
0x298: {  	v9 =	vld [tilespmem:s18+$0x2180];
	v6 =	vperm.xlane v4, v0;
	v8 =	vperm.xlane v5, v0;
	_ =	sdelay $0x1  }
0x299: {  	v6 =	vsel vm0, v6, v8  }
0x29a: {  	s29 =	simm.s32 $0x10;
	s30 =	simm.s32 $0x80;
	v3 =	vmax.f32 v3, v7;
	v7 =	vsel vm0, $0xFF61B1E6, v6  }
0x29b: {  	s19 =	sand.u32 $0x70, s29;
	s18 =	sand.u32 $0x1C00, s30;
	v3 =	vmax.f32 v3, v7  }
0x29c: {  	s18 =	sor.u32 s19, s18;
	v10 =	vsub.f32 v9, v3  }
0x29d: {  	v8 =	vld [tilespmem:s18+$0x2180]  }
0x29e: {  	v10 =	vmul.f32 $1.442695020e+00, v10;
	_ =	sdelay $0x1  }
0x29f: {  	s31 =	simm.s32 $0x20;
	s18 =	simm.s32 $0x100;
	v7 =	vimm.f32 $0.0e+00;
	(erf) = vpow2.f32 v10  }
0x2a0: {  	s19 =	sand.u32 $0x70, s31;
	s20 =	sand.u32 $0x1C00, s18;
	v9 =	vadd.f32 v9, v7  }
0x2a1: {  	s20 =	sor.u32 s19, s20;
	v11 =	vsub.f32 v8, v3  }
0x2a2: {  	v8 =	vadd.f32 v8, v9;
	v9 =	vld [tilespmem:s20+$0x2180]  }
0x2a3: {  	s19 =	simm.s32 $0x30;
	v10 =	vperm.xlane v3, v0;
	v11 =	vmul.f32 $1.442695020e+00, v11  }
.LBB2_49:
0x2a4: {  	p0 =	sne.s32 s19, $0x3D0  }
.Ltmp23:
0x2a5: {  	s20 =	sand.u32 $0x70, s19;
	s18 =	sadd.s32 $0x80, s18;
	(erf) = vpow2.f32 v11;
	(pc) =	sbr.rel @p0 .LBB2_49-.Ltmp23, $4  }
0x2a6: {  	s19 =	sadd.s32 $0x10, s19;
	s21 =	sand.u32 $0x1C00, s18  }
0x2a7: {  	s20 =	sor.u32 s20, s21;
	v11 =	vsub.f32 v9, v3;
	v8 =	vadd.f32 v9, v8  }
0x2a8: {  	v9 =	vld [tilespmem:s20+$0x2180];
	v12 =	vpop (erf)  }
0x2a9: {  	v11 =	vmul.f32 $1.442695020e+00, v11;
	v7 =	vadd.f32 v12, v7  }
0x2aa: {  	(v2sf) =	vpush v2, $0xB;
	_ =	sdelay $0xe  }
0x2ab: {  	s18 =	spop (v2sf)  }
0x2ac: {  	s19 =	sand.u32 $0xF, s18  }
0x2ad: {  	s20 =	sshra.s32 s18, $0x1F;
	p0 =	slt.s32 s18, $0x1;
	p1 =	sne.s32 s19, $0x0  }
0x2ae: {  	s28 =	sshrl.u32 s20, $0x1C;
	p0 =	por !p0, !p1  }
0x2af: {  	s20 =	simm.s32 $0x1;
	s19 =	sadd.s32 s28, s18;
	p0 =	por !p0, !p0  }
0x2b0: {  	s19 =	sshrl.u32 s19, $0x4;
	s20 =	simm.s32 @!p0 $0x0  }
0x2b1: {  	s19 =	ssub.s32 s19, s20  }
0x2b2: {  	s19 =	sshll.u32 s19, $0x4  }
0x2b3: {  	v12 =	vsub.f32 v9, v3;
	p0 =	slt.s32 s19, $0x3D0  }
0x2b4: {  	v10 =	vsub.f32 v5, v10;
	s19 =	simm.s32 @!p0 $0x3D0  }
0x2b5: {  	v12 =	vmul.f32 $1.442695020e+00, v12;
	s29 =	sshll.u32 s19, $0x3  }
0x2b6: {  	(erf) = vpow2.f32 v11;
	v10 =	vmul.f32 $1.442695020e+00, v10;
	s21 =	sand.u32 $0x70, s19;
	s20 =	sand.u32 $0xFFFFFC00, s29  }
0x2b7: {  	(erf) = vpow2.f32 v12;
	s20 =	sor.u32 s21, s20  }
0x2b8: {  	(erf) = vpow2.f32 v10;
	v59 =	vld [tilespmem:s20+$0x2180];
	_ =	sdelay $0x4  }
0x2b9: {  	v10 =	vperm.xlane v59, v0  }
0x2ba: {  	v60 =	vpop (erf);
	p0 =	sgt.s32 s18, $0x3DF  }
0x2bb: {  	v7 =	vadd.f32 v60, v7;
	v61 =	vpop (erf);
	v4 =	vpsel p0, v4, v10;
	v5 =	vpsel p0, v5, v10  }
0x2bc: {  	v8 =	vadd.f32 v9, v8;
	v62 =	vpop (erf);
	v4 =	vperm.xlane v4, v0;
	v5 =	vperm.xlane v5, v0  }
0x2bd: {  	v6 =	vsel vm0, $0x0, v6;
	v7 =	vadd.f32 v61, v7;
	v63 =	vpop (erf);
	s19 =	simm.s32 @p0 $0x3D8  }
0x2be: {  	v6 =	vadd.f32 v8, v6;
	s18 =	ssub.s32 s18, s19;
	v10 =	vperm.xlane v63, v0;
	v4 =	vsel vm0, v4, v5  }
0x2bf: {  	v5 =	vadd.f32 v62, v7;
	v7 =	vmov s18;
	v4 =	vmul.f32 $-8.998998990e-01, v4  }
0x2c0: {  	v6 =	vmul.f32 $-1.001001000e-04, v6;
	v8 =	vsel vm0, $0x0, v10;
	vm1 =	veq.s32 v7, v1  }
0x2c1: {  	v5 =	vadd.f32 v8, v5;
	v4 =	vnsel vm1, $0x80000000, v4  }
0x2c2: {  	[tilespmem:s17+$0x4130] =	vst v3;
	s18 =	simm.s32 $0x0;
	v3 =	vadd.f32 v6, v4  }
0x2c3: {  	s30 =	sand.u32 $0x70, s18;
	s31 =	sand.u32 $0x1C00, s18;
	[tilespmem:s17+$0x4930] =	vst v5  }
0x2c4: {  	s20 =	sor.u32 s30, s31;
	[tilespmem:s17+$0x5130] =	vst v3  }
0x2c5: {  	s19 =	simm.s32 $0x10;
	v3 =	vimm.f32 $-3.000000010e+38;
	v7 =	vld [tilespmem:s20+$0x2200]  }
.LBB2_51:
0x2c6: {  	p0 =	sne.s32 s19, $0x3D0  }
.Ltmp24:
0x2c7: {  	_ = 	snop;
	(pc) =	sbr.rel @p0 .LBB2_51-.Ltmp24, $4  }
0x2c8: {  	s18 =	sadd.s32 $0x80, s18  }
0x2c9: {  	s20 =	sand.u32 $0x70, s19;
	s21 =	sand.u32 $0x1C00, s18  }
0x2ca: {  	s20 =	sor.u32 s20, s21  }
0x2cb: {  	s19 =	sadd.s32 $0x10, s19;
	v3 =	vmax.f32 v3, v7;
	v7 =	vld [tilespmem:s20+$0x2200]  }
0x2cc: {  	v4 =	vld [tilespmem:$0x3E50]  }
0x2cd: {  	v5 =	vld.msk [tilespmem:$0x3E60], $0xff;
	_ =	sdelay $0x1  }
0x2ce: {  	s18 =	simm.s32 $0x0  }
0x2cf: {  	s19 =	sand.u32 $0x70, s18;
	s18 =	sand.u32 $0x1C00, s18  }
0x2d0: {  	s18 =	sor.u32 s19, s18  }
0x2d1: {  	v9 =	vld [tilespmem:s18+$0x2200];
	v6 =	vperm.xlane v4, v0;
	v8 =	vperm.xlane v5, v0;
	_ =	sdelay $0x1  }
0x2d2: {  	v6 =	vsel vm0, v6, v8  }
0x2d3: {  	s29 =	simm.s32 $0x10;
	s30 =	simm.s32 $0x80;
	v3 =	vmax.f32 v3, v7;
	v7 =	vsel vm0, $0xFF61B1E6, v6  }
0x2d4: {  	s19 =	sand.u32 $0x70, s29;
	s18 =	sand.u32 $0x1C00, s30;
	v3 =	vmax.f32 v3, v7  }
0x2d5: {  	s18 =	sor.u32 s19, s18;
	v10 =	vsub.f32 v9, v3  }
0x2d6: {  	v8 =	vld [tilespmem:s18+$0x2200]  }
0x2d7: {  	v10 =	vmul.f32 $1.442695020e+00, v10;
	_ =	sdelay $0x1  }
0x2d8: {  	s31 =	simm.s32 $0x20;
	s18 =	simm.s32 $0x100;
	v7 =	vimm.f32 $0.0e+00;
	(erf) = vpow2.f32 v10  }
0x2d9: {  	s19 =	sand.u32 $0x70, s31;
	s20 =	sand.u32 $0x1C00, s18;
	v9 =	vadd.f32 v9, v7  }
0x2da: {  	s20 =	sor.u32 s19, s20;
	v11 =	vsub.f32 v8, v3  }
0x2db: {  	v8 =	vadd.f32 v8, v9;
	v9 =	vld [tilespmem:s20+$0x2200]  }
0x2dc: {  	s19 =	simm.s32 $0x30;
	v10 =	vperm.xlane v3, v0;
	v11 =	vmul.f32 $1.442695020e+00, v11  }
.LBB2_53:
0x2dd: {  	p0 =	sne.s32 s19, $0x3D0  }
.Ltmp25:
0x2de: {  	s20 =	sand.u32 $0x70, s19;
	s18 =	sadd.s32 $0x80, s18;
	(erf) = vpow2.f32 v11;
	(pc) =	sbr.rel @p0 .LBB2_53-.Ltmp25, $4  }
0x2df: {  	s19 =	sadd.s32 $0x10, s19;
	s21 =	sand.u32 $0x1C00, s18  }
0x2e0: {  	s20 =	sor.u32 s20, s21;
	v11 =	vsub.f32 v9, v3;
	v8 =	vadd.f32 v9, v8  }
0x2e1: {  	v9 =	vld [tilespmem:s20+$0x2200];
	v12 =	vpop (erf)  }
0x2e2: {  	v11 =	vmul.f32 $1.442695020e+00, v11;
	v7 =	vadd.f32 v12, v7  }
0x2e3: {  	(v2sf) =	vpush v2, $0xC;
	_ =	sdelay $0xe  }
0x2e4: {  	s18 =	spop (v2sf)  }
0x2e5: {  	s19 =	sand.u32 $0xF, s18  }
0x2e6: {  	s20 =	sshra.s32 s18, $0x1F;
	p0 =	slt.s32 s18, $0x1;
	p1 =	sne.s32 s19, $0x0  }
0x2e7: {  	s28 =	sshrl.u32 s20, $0x1C;
	p0 =	por !p0, !p1  }
0x2e8: {  	s20 =	simm.s32 $0x1;
	s19 =	sadd.s32 s28, s18;
	p0 =	por !p0, !p0  }
0x2e9: {  	s19 =	sshrl.u32 s19, $0x4;
	s20 =	simm.s32 @!p0 $0x0  }
0x2ea: {  	s19 =	ssub.s32 s19, s20  }
0x2eb: {  	s19 =	sshll.u32 s19, $0x4  }
0x2ec: {  	v12 =	vsub.f32 v9, v3;
	p0 =	slt.s32 s19, $0x3D0  }
0x2ed: {  	v10 =	vsub.f32 v5, v10;
	s19 =	simm.s32 @!p0 $0x3D0  }
0x2ee: {  	v12 =	vmul.f32 $1.442695020e+00, v12;
	s29 =	sshll.u32 s19, $0x3  }
0x2ef: {  	(erf) = vpow2.f32 v11;
	v10 =	vmul.f32 $1.442695020e+00, v10;
	s21 =	sand.u32 $0x70, s19;
	s20 =	sand.u32 $0xFFFFFC00, s29  }
0x2f0: {  	(erf) = vpow2.f32 v12;
	s20 =	sor.u32 s21, s20  }
0x2f1: {  	(erf) = vpow2.f32 v10;
	v59 =	vld [tilespmem:s20+$0x2200];
	_ =	sdelay $0x4  }
0x2f2: {  	v10 =	vperm.xlane v59, v0  }
0x2f3: {  	v60 =	vpop (erf);
	p0 =	sgt.s32 s18, $0x3DF  }
0x2f4: {  	v7 =	vadd.f32 v60, v7;
	v61 =	vpop (erf);
	v4 =	vpsel p0, v4, v10;
	v5 =	vpsel p0, v5, v10  }
0x2f5: {  	v8 =	vadd.f32 v9, v8;
	v62 =	vpop (erf);
	v4 =	vperm.xlane v4, v0;
	v5 =	vperm.xlane v5, v0  }
0x2f6: {  	v6 =	vsel vm0, $0x0, v6;
	v7 =	vadd.f32 v61, v7;
	v63 =	vpop (erf);
	s19 =	simm.s32 @p0 $0x3D8  }
0x2f7: {  	v6 =	vadd.f32 v8, v6;
	s18 =	ssub.s32 s18, s19;
	v10 =	vperm.xlane v63, v0;
	v4 =	vsel vm0, v4, v5  }
0x2f8: {  	v5 =	vadd.f32 v62, v7;
	v7 =	vmov s18;
	v4 =	vmul.f32 $-8.998998990e-01, v4  }
0x2f9: {  	v6 =	vmul.f32 $-1.001001000e-04, v6;
	v8 =	vsel vm0, $0x0, v10;
	vm1 =	veq.s32 v7, v1  }
0x2fa: {  	v5 =	vadd.f32 v8, v5;
	v4 =	vnsel vm1, $0x80000000, v4  }
0x2fb: {  	[tilespmem:s17+$0x4140] =	vst v3;
	s18 =	simm.s32 $0x0;
	v3 =	vadd.f32 v6, v4  }
0x2fc: {  	s30 =	sand.u32 $0x70, s18;
	s31 =	sand.u32 $0x1C00, s18;
	[tilespmem:s17+$0x4940] =	vst v5  }
0x2fd: {  	s20 =	sor.u32 s30, s31;
	[tilespmem:s17+$0x5140] =	vst v3  }
0x2fe: {  	s19 =	simm.s32 $0x10;
	v3 =	vimm.f32 $-3.000000010e+38;
	v7 =	vld [tilespmem:s20+$0x2280]  }
.LBB2_55:
0x2ff: {  	p0 =	sne.s32 s19, $0x3D0  }
.Ltmp26:
0x300: {  	_ = 	snop;
	(pc) =	sbr.rel @p0 .LBB2_55-.Ltmp26, $4  }
0x301: {  	s18 =	sadd.s32 $0x80, s18  }
0x302: {  	s20 =	sand.u32 $0x70, s19;
	s21 =	sand.u32 $0x1C00, s18  }
0x303: {  	s20 =	sor.u32 s20, s21  }
0x304: {  	s19 =	sadd.s32 $0x10, s19;
	v3 =	vmax.f32 v3, v7;
	v7 =	vld [tilespmem:s20+$0x2280]  }
0x305: {  	v4 =	vld [tilespmem:$0x3ED0]  }
0x306: {  	v5 =	vld.msk [tilespmem:$0x3EE0], $0xff;
	_ =	sdelay $0x1  }
0x307: {  	s18 =	simm.s32 $0x0  }
0x308: {  	s19 =	sand.u32 $0x70, s18;
	s18 =	sand.u32 $0x1C00, s18  }
0x309: {  	s18 =	sor.u32 s19, s18  }
0x30a: {  	v9 =	vld [tilespmem:s18+$0x2280];
	v6 =	vperm.xlane v4, v0;
	v8 =	vperm.xlane v5, v0;
	_ =	sdelay $0x1  }
0x30b: {  	v6 =	vsel vm0, v6, v8  }
0x30c: {  	s29 =	simm.s32 $0x10;
	s30 =	simm.s32 $0x80;
	v3 =	vmax.f32 v3, v7;
	v7 =	vsel vm0, $0xFF61B1E6, v6  }
0x30d: {  	s19 =	sand.u32 $0x70, s29;
	s18 =	sand.u32 $0x1C00, s30;
	v3 =	vmax.f32 v3, v7  }
0x30e: {  	s18 =	sor.u32 s19, s18;
	v10 =	vsub.f32 v9, v3  }
0x30f: {  	v8 =	vld [tilespmem:s18+$0x2280]  }
0x310: {  	v10 =	vmul.f32 $1.442695020e+00, v10;
	_ =	sdelay $0x1  }
0x311: {  	s31 =	simm.s32 $0x20;
	s18 =	simm.s32 $0x100;
	v7 =	vimm.f32 $0.0e+00;
	(erf) = vpow2.f32 v10  }
0x312: {  	s19 =	sand.u32 $0x70, s31;
	s20 =	sand.u32 $0x1C00, s18;
	v9 =	vadd.f32 v9, v7  }
0x313: {  	s20 =	sor.u32 s19, s20;
	v11 =	vsub.f32 v8, v3  }
0x314: {  	v8 =	vadd.f32 v8, v9;
	v9 =	vld [tilespmem:s20+$0x2280]  }
0x315: {  	s19 =	simm.s32 $0x30;
	v10 =	vperm.xlane v3, v0;
	v11 =	vmul.f32 $1.442695020e+00, v11  }
.LBB2_57:
0x316: {  	p0 =	sne.s32 s19, $0x3D0  }
.Ltmp27:
0x317: {  	s20 =	sand.u32 $0x70, s19;
	s18 =	sadd.s32 $0x80, s18;
	(erf) = vpow2.f32 v11;
	(pc) =	sbr.rel @p0 .LBB2_57-.Ltmp27, $4  }
0x318: {  	s19 =	sadd.s32 $0x10, s19;
	s21 =	sand.u32 $0x1C00, s18  }
0x319: {  	s20 =	sor.u32 s20, s21;
	v11 =	vsub.f32 v9, v3;
	v8 =	vadd.f32 v9, v8  }
0x31a: {  	v9 =	vld [tilespmem:s20+$0x2280];
	v12 =	vpop (erf)  }
0x31b: {  	v11 =	vmul.f32 $1.442695020e+00, v11;
	v7 =	vadd.f32 v12, v7  }
0x31c: {  	(v2sf) =	vpush v2, $0xD;
	_ =	sdelay $0xe  }
0x31d: {  	s18 =	spop (v2sf)  }
0x31e: {  	s19 =	sand.u32 $0xF, s18  }
0x31f: {  	s20 =	sshra.s32 s18, $0x1F;
	p0 =	slt.s32 s18, $0x1;
	p1 =	sne.s32 s19, $0x0  }
0x320: {  	s28 =	sshrl.u32 s20, $0x1C;
	p0 =	por !p0, !p1  }
0x321: {  	s20 =	simm.s32 $0x1;
	s19 =	sadd.s32 s28, s18;
	p0 =	por !p0, !p0  }
0x322: {  	s19 =	sshrl.u32 s19, $0x4;
	s20 =	simm.s32 @!p0 $0x0  }
0x323: {  	s19 =	ssub.s32 s19, s20  }
0x324: {  	s19 =	sshll.u32 s19, $0x4  }
0x325: {  	v12 =	vsub.f32 v9, v3;
	p0 =	slt.s32 s19, $0x3D0  }
0x326: {  	v10 =	vsub.f32 v5, v10;
	s19 =	simm.s32 @!p0 $0x3D0  }
0x327: {  	v12 =	vmul.f32 $1.442695020e+00, v12;
	s29 =	sshll.u32 s19, $0x3  }
0x328: {  	(erf) = vpow2.f32 v11;
	v10 =	vmul.f32 $1.442695020e+00, v10;
	s21 =	sand.u32 $0x70, s19;
	s20 =	sand.u32 $0xFFFFFC00, s29  }
0x329: {  	(erf) = vpow2.f32 v12;
	s20 =	sor.u32 s21, s20  }
0x32a: {  	(erf) = vpow2.f32 v10;
	v59 =	vld [tilespmem:s20+$0x2280];
	_ =	sdelay $0x4  }
0x32b: {  	v10 =	vperm.xlane v59, v0  }
0x32c: {  	v60 =	vpop (erf);
	p0 =	sgt.s32 s18, $0x3DF  }
0x32d: {  	v7 =	vadd.f32 v60, v7;
	v61 =	vpop (erf);
	v4 =	vpsel p0, v4, v10;
	v5 =	vpsel p0, v5, v10  }
0x32e: {  	v8 =	vadd.f32 v9, v8;
	v62 =	vpop (erf);
	v4 =	vperm.xlane v4, v0;
	v5 =	vperm.xlane v5, v0  }
0x32f: {  	v6 =	vsel vm0, $0x0, v6;
	v7 =	vadd.f32 v61, v7;
	v63 =	vpop (erf);
	s19 =	simm.s32 @p0 $0x3D8  }
0x330: {  	v6 =	vadd.f32 v8, v6;
	s18 =	ssub.s32 s18, s19;
	v10 =	vperm.xlane v63, v0;
	v4 =	vsel vm0, v4, v5  }
0x331: {  	v5 =	vadd.f32 v62, v7;
	v7 =	vmov s18;
	v4 =	vmul.f32 $-8.998998990e-01, v4  }
0x332: {  	v6 =	vmul.f32 $-1.001001000e-04, v6;
	v8 =	vsel vm0, $0x0, v10;
	vm1 =	veq.s32 v7, v1  }
0x333: {  	v5 =	vadd.f32 v8, v5;
	v4 =	vnsel vm1, $0x80000000, v4  }
0x334: {  	[tilespmem:s17+$0x4150] =	vst v3;
	s18 =	simm.s32 $0x0;
	v3 =	vadd.f32 v6, v4  }
0x335: {  	s30 =	sand.u32 $0x70, s18;
	s31 =	sand.u32 $0x1C00, s18;
	[tilespmem:s17+$0x4950] =	vst v5  }
0x336: {  	s20 =	sor.u32 s30, s31;
	[tilespmem:s17+$0x5150] =	vst v3  }
0x337: {  	s19 =	simm.s32 $0x10;
	v3 =	vimm.f32 $-3.000000010e+38;
	v7 =	vld [tilespmem:s20+$0x2300]  }
.LBB2_59:
0x338: {  	p0 =	sne.s32 s19, $0x3D0  }
.Ltmp28:
0x339: {  	_ = 	snop;
	(pc) =	sbr.rel @p0 .LBB2_59-.Ltmp28, $4  }
0x33a: {  	s18 =	sadd.s32 $0x80, s18  }
0x33b: {  	s20 =	sand.u32 $0x70, s19;
	s21 =	sand.u32 $0x1C00, s18  }
0x33c: {  	s20 =	sor.u32 s20, s21  }
0x33d: {  	s19 =	sadd.s32 $0x10, s19;
	v3 =	vmax.f32 v3, v7;
	v7 =	vld [tilespmem:s20+$0x2300]  }
0x33e: {  	v4 =	vld [tilespmem:$0x3F50]  }
0x33f: {  	v5 =	vld.msk [tilespmem:$0x3F60], $0xff;
	_ =	sdelay $0x1  }
0x340: {  	s18 =	simm.s32 $0x0  }
0x341: {  	s19 =	sand.u32 $0x70, s18;
	s18 =	sand.u32 $0x1C00, s18  }
0x342: {  	s18 =	sor.u32 s19, s18  }
0x343: {  	v9 =	vld [tilespmem:s18+$0x2300];
	v6 =	vperm.xlane v4, v0;
	v8 =	vperm.xlane v5, v0;
	_ =	sdelay $0x1  }
0x344: {  	v6 =	vsel vm0, v6, v8  }
0x345: {  	s29 =	simm.s32 $0x10;
	s30 =	simm.s32 $0x80;
	v3 =	vmax.f32 v3, v7;
	v7 =	vsel vm0, $0xFF61B1E6, v6  }
0x346: {  	s19 =	sand.u32 $0x70, s29;
	s18 =	sand.u32 $0x1C00, s30;
	v3 =	vmax.f32 v3, v7  }
0x347: {  	s18 =	sor.u32 s19, s18;
	v10 =	vsub.f32 v9, v3  }
0x348: {  	v8 =	vld [tilespmem:s18+$0x2300]  }
0x349: {  	v10 =	vmul.f32 $1.442695020e+00, v10;
	_ =	sdelay $0x1  }
0x34a: {  	s31 =	simm.s32 $0x20;
	s18 =	simm.s32 $0x100;
	v7 =	vimm.f32 $0.0e+00;
	(erf) = vpow2.f32 v10  }
0x34b: {  	s19 =	sand.u32 $0x70, s31;
	s20 =	sand.u32 $0x1C00, s18;
	v9 =	vadd.f32 v9, v7  }
0x34c: {  	s20 =	sor.u32 s19, s20;
	v11 =	vsub.f32 v8, v3  }
0x34d: {  	v8 =	vadd.f32 v8, v9;
	v9 =	vld [tilespmem:s20+$0x2300]  }
0x34e: {  	s19 =	simm.s32 $0x30;
	v10 =	vperm.xlane v3, v0;
	v11 =	vmul.f32 $1.442695020e+00, v11  }
.LBB2_61:
0x34f: {  	p0 =	sne.s32 s19, $0x3D0  }
.Ltmp29:
0x350: {  	s20 =	sand.u32 $0x70, s19;
	s18 =	sadd.s32 $0x80, s18;
	(erf) = vpow2.f32 v11;
	(pc) =	sbr.rel @p0 .LBB2_61-.Ltmp29, $4  }
0x351: {  	s19 =	sadd.s32 $0x10, s19;
	s21 =	sand.u32 $0x1C00, s18  }
0x352: {  	s20 =	sor.u32 s20, s21;
	v11 =	vsub.f32 v9, v3;
	v8 =	vadd.f32 v9, v8  }
0x353: {  	v9 =	vld [tilespmem:s20+$0x2300];
	v12 =	vpop (erf)  }
0x354: {  	v11 =	vmul.f32 $1.442695020e+00, v11;
	v7 =	vadd.f32 v12, v7  }
0x355: {  	(v2sf) =	vpush v2, $0xE;
	_ =	sdelay $0xe  }
0x356: {  	s18 =	spop (v2sf)  }
0x357: {  	s19 =	sand.u32 $0xF, s18  }
0x358: {  	s20 =	sshra.s32 s18, $0x1F;
	p0 =	slt.s32 s18, $0x1;
	p1 =	sne.s32 s19, $0x0  }
0x359: {  	s28 =	sshrl.u32 s20, $0x1C;
	p0 =	por !p0, !p1  }
0x35a: {  	s20 =	simm.s32 $0x1;
	s19 =	sadd.s32 s28, s18;
	p0 =	por !p0, !p0  }
0x35b: {  	s19 =	sshrl.u32 s19, $0x4;
	s20 =	simm.s32 @!p0 $0x0  }
0x35c: {  	s19 =	ssub.s32 s19, s20  }
0x35d: {  	s19 =	sshll.u32 s19, $0x4  }
0x35e: {  	v12 =	vsub.f32 v9, v3;
	p0 =	slt.s32 s19, $0x3D0  }
0x35f: {  	v10 =	vsub.f32 v5, v10;
	s19 =	simm.s32 @!p0 $0x3D0  }
0x360: {  	v12 =	vmul.f32 $1.442695020e+00, v12;
	s29 =	sshll.u32 s19, $0x3  }
0x361: {  	(erf) = vpow2.f32 v11;
	v10 =	vmul.f32 $1.442695020e+00, v10;
	s21 =	sand.u32 $0x70, s19;
	s20 =	sand.u32 $0xFFFFFC00, s29  }
0x362: {  	(erf) = vpow2.f32 v12;
	s20 =	sor.u32 s21, s20  }
0x363: {  	(erf) = vpow2.f32 v10;
	v59 =	vld [tilespmem:s20+$0x2300];
	_ =	sdelay $0x4  }
0x364: {  	v10 =	vperm.xlane v59, v0  }
0x365: {  	v60 =	vpop (erf);
	p0 =	sgt.s32 s18, $0x3DF  }
0x366: {  	v7 =	vadd.f32 v60, v7;
	v61 =	vpop (erf);
	v4 =	vpsel p0, v4, v10;
	v5 =	vpsel p0, v5, v10  }
0x367: {  	v8 =	vadd.f32 v9, v8;
	v62 =	vpop (erf);
	v4 =	vperm.xlane v4, v0;
	v5 =	vperm.xlane v5, v0  }
0x368: {  	v6 =	vsel vm0, $0x0, v6;
	v7 =	vadd.f32 v61, v7;
	v63 =	vpop (erf);
	s19 =	simm.s32 @p0 $0x3D8  }
0x369: {  	v6 =	vadd.f32 v8, v6;
	s18 =	ssub.s32 s18, s19;
	v10 =	vperm.xlane v63, v0;
	v4 =	vsel vm0, v4, v5  }
0x36a: {  	v5 =	vadd.f32 v62, v7;
	v7 =	vmov s18;
	v4 =	vmul.f32 $-8.998998990e-01, v4  }
0x36b: {  	v6 =	vmul.f32 $-1.001001000e-04, v6;
	v8 =	vsel vm0, $0x0, v10;
	vm1 =	veq.s32 v7, v1  }
0x36c: {  	v5 =	vadd.f32 v8, v5;
	v4 =	vnsel vm1, $0x80000000, v4  }
0x36d: {  	[tilespmem:s17+$0x4160] =	vst v3;
	s18 =	simm.s32 $0x0;
	v3 =	vadd.f32 v6, v4  }
0x36e: {  	s30 =	sand.u32 $0x70, s18;
	s31 =	sand.u32 $0x1C00, s18;
	[tilespmem:s17+$0x4960] =	vst v5  }
0x36f: {  	s20 =	sor.u32 s30, s31;
	[tilespmem:s17+$0x5160] =	vst v3  }
0x370: {  	s19 =	simm.s32 $0x10;
	v3 =	vimm.f32 $-3.000000010e+38;
	v7 =	vld [tilespmem:s20+$0x2380]  }
.LBB2_63:
0x371: {  	p0 =	sne.s32 s19, $0x3D0  }
.Ltmp30:
0x372: {  	_ = 	snop;
	(pc) =	sbr.rel @p0 .LBB2_63-.Ltmp30, $4  }
0x373: {  	s18 =	sadd.s32 $0x80, s18  }
0x374: {  	s20 =	sand.u32 $0x70, s19;
	s21 =	sand.u32 $0x1C00, s18  }
0x375: {  	s20 =	sor.u32 s20, s21  }
0x376: {  	s19 =	sadd.s32 $0x10, s19;
	v3 =	vmax.f32 v3, v7;
	v7 =	vld [tilespmem:s20+$0x2380]  }
0x377: {  	v4 =	vld [tilespmem:$0x3FD0]  }
0x378: {  	v5 =	vld.msk [tilespmem:$0x3FE0], $0xff;
	_ =	sdelay $0x1  }
0x379: {  	s18 =	simm.s32 $0x0  }
0x37a: {  	s19 =	sand.u32 $0x70, s18;
	s18 =	sand.u32 $0x1C00, s18  }
0x37b: {  	s18 =	sor.u32 s19, s18  }
0x37c: {  	v9 =	vld [tilespmem:s18+$0x2380];
	v6 =	vperm.xlane v4, v0;
	v8 =	vperm.xlane v5, v0;
	_ =	sdelay $0x1  }
0x37d: {  	v6 =	vsel vm0, v6, v8  }
0x37e: {  	s29 =	simm.s32 $0x10;
	s30 =	simm.s32 $0x80;
	v3 =	vmax.f32 v3, v7;
	v7 =	vsel vm0, $0xFF61B1E6, v6  }
0x37f: {  	s19 =	sand.u32 $0x70, s29;
	s18 =	sand.u32 $0x1C00, s30;
	v3 =	vmax.f32 v3, v7  }
0x380: {  	s18 =	sor.u32 s19, s18;
	v10 =	vsub.f32 v9, v3  }
0x381: {  	v8 =	vld [tilespmem:s18+$0x2380]  }
0x382: {  	v10 =	vmul.f32 $1.442695020e+00, v10;
	_ =	sdelay $0x1  }
0x383: {  	s31 =	simm.s32 $0x20;
	s18 =	simm.s32 $0x100;
	v7 =	vimm.f32 $0.0e+00;
	(erf) = vpow2.f32 v10  }
0x384: {  	s19 =	sand.u32 $0x70, s31;
	s20 =	sand.u32 $0x1C00, s18;
	v9 =	vadd.f32 v9, v7  }
0x385: {  	s20 =	sor.u32 s19, s20;
	v11 =	vsub.f32 v8, v3  }
0x386: {  	v8 =	vadd.f32 v8, v9;
	v9 =	vld [tilespmem:s20+$0x2380]  }
0x387: {  	s19 =	simm.s32 $0x30;
	v10 =	vperm.xlane v3, v0;
	v11 =	vmul.f32 $1.442695020e+00, v11  }
.LBB2_65:
0x388: {  	p0 =	sne.s32 s19, $0x3D0  }
.Ltmp31:
0x389: {  	s20 =	sand.u32 $0x70, s19;
	s18 =	sadd.s32 $0x80, s18;
	(erf) = vpow2.f32 v11;
	(pc) =	sbr.rel @p0 .LBB2_65-.Ltmp31, $4  }
0x38a: {  	s19 =	sadd.s32 $0x10, s19;
	s21 =	sand.u32 $0x1C00, s18  }
0x38b: {  	s20 =	sor.u32 s20, s21;
	v11 =	vsub.f32 v9, v3;
	v8 =	vadd.f32 v9, v8  }
0x38c: {  	v9 =	vld [tilespmem:s20+$0x2380];
	v12 =	vpop (erf)  }
0x38d: {  	v11 =	vmul.f32 $1.442695020e+00, v11;
	v7 =	vadd.f32 v12, v7  }
0x38e: {  	(v2sf) =	vpush v2, $0xF;
	_ =	sdelay $0xe  }
0x38f: {  	s18 =	spop (v2sf)  }
0x390: {  	s19 =	sand.u32 $0xF, s18  }
0x391: {  	s20 =	sshra.s32 s18, $0x1F;
	p0 =	slt.s32 s18, $0x1;
	p1 =	sne.s32 s19, $0x0  }
0x392: {  	s30 =	sshrl.u32 s20, $0x1C;
	p0 =	por !p0, !p1  }
0x393: {  	s20 =	simm.s32 $0x1;
	s19 =	sadd.s32 s30, s18;
	p0 =	por !p0, !p0  }
0x394: {  	s19 =	sshrl.u32 s19, $0x4;
	s20 =	simm.s32 @!p0 $0x0  }
0x395: {  	s19 =	ssub.s32 s19, s20  }
0x396: {  	s19 =	sshll.u32 s19, $0x4  }
0x397: {  	v2 =	vsub.f32 v9, v3;
	p0 =	slt.s32 s19, $0x3D0  }
0x398: {  	v10 =	vsub.f32 v5, v10;
	s19 =	simm.s32 @!p0 $0x3D0  }
0x399: {  	v2 =	vmul.f32 $1.442695020e+00, v2;
	s31 =	sshll.u32 s19, $0x3  }
0x39a: {  	(erf) = vpow2.f32 v11;
	v10 =	vmul.f32 $1.442695020e+00, v10;
	s21 =	sand.u32 $0x70, s19;
	s20 =	sand.u32 $0xFFFFFC00, s31  }
0x39b: {  	(erf) = vpow2.f32 v2;
	s20 =	sor.u32 s21, s20  }
0x39c: {  	(erf) = vpow2.f32 v10;
	v2 =	vld [tilespmem:s20+$0x2380];
	_ =	sdelay $0x4  }
0x39d: {  	v2 =	vperm.xlane v2, v0  }
0x39e: {  	v57 =	vpop (erf);
	p0 =	sgt.s32 s18, $0x3DF  }
0x39f: {  	v7 =	vadd.f32 v57, v7;
	v11 =	vpop (erf);
	v4 =	vpsel p0, v4, v2;
	v2 =	vpsel p0, v5, v2  }
0x3a0: {  	v58 =	vadd.f32 v9, v8;
	v59 =	vpop (erf);
	v4 =	vperm.xlane v4, v0;
	v2 =	vperm.xlane v2, v0  }
0x3a1: {  	v6 =	vsel vm0, $0x0, v6;
	v7 =	vadd.f32 v11, v7;
	v60 =	vpop (erf);
	s19 =	simm.s32 @p0 $0x3D8  }
0x3a2: {  	s16 =	sadd.s32 $0x1, s16;
	v9 =	vperm.xlane v60, v0;
	s18 =	ssub.s32 s18, s19;
	v5 =	vadd.f32 v58, v6;
	v2 =	vsel vm0, v4, v2  }
0x3a3: {  	v61 =	vadd.f32 v59, v7;
	v62 =	vmov s18;
	p0 =	sne.s32 s16, $0x8;
	v2 =	vmul.f32 $-8.998998990e-01, v2  }
.Ltmp32:
0x3a4: {  	v63 =	vsel vm0, $0x0, v9;
	vm1 =	veq.s32 v62, v1;
	v5 =	vmul.f32 $-1.001001000e-04, v5;
	(pc) =	sbr.rel @p0 .LBB2_2-.Ltmp32, $4  }
0x3a5: {  	v4 =	vadd.f32 v63, v61;
	v2 =	vnsel vm1, $0x80000000, v2  }
0x3a6: {  	[tilespmem:s17+$0x4170] =	vst v3;
	v2 =	vadd.f32 v5, v2  }
0x3a7: {  	[tilespmem:s17+$0x4970] =	vst v4  }
0x3a8: {  	[tilespmem:s17+$0x5170] =	vst v2  }
0x3a9: {  	[hbm4b:s6+s3] =	stream.linear.scatter [tilespmem:s12], [sflag:$0x1], $0x800, $0x38;
	[tilespmem:$0x5880] =	vst v63  }
0x3aa: {  	_ =	swait.ge [sflag:s10], $0x800  }
0x3ab: {  	[sflag:s10] =	ssyncset.done $0x0  }
0x3ac: {  	[sflag:s10] =	ssyncadd.s32 $0xFFFFF800  }
0x3ad: {  	[hbm4b:s7+s3] =	stream.linear.scatter [tilespmem:s13], [sflag:$0x1], $0x800, $0x38;
	[tilespmem:$0x5880] =	vst v63  }
0x3ae: {  	s15 =	sadd.s32 $0x1, s15;
	_ =	swait.ge [sflag:s10], $0x800  }
0x3af: {  	p0 =	sne.s32 s15, s9;
	[sflag:s10] =	ssyncset.done $0x0  }
.Ltmp33:
0x3b0: {  	[sflag:s10] =	ssyncadd.s32 $0xFFFFF800;
	(pc) =	sbr.rel @p0 .LBB2_1-.Ltmp33, $4  }
0x3b1: {  	[hbm4b:s8+s3] =	stream.linear.scatter [tilespmem:s14], [sflag:$0x1], $0x800, $0x38;
	[tilespmem:$0x5880] =	vst v63  }
0x3b2: {  	_ =	swait.ge [sflag:s10], $0x800  }
0x3b3: {  	[sflag:s10] =	ssyncset.done $0x0  }
0x3b4: {  	[sflag:s10] =	ssyncadd.s32 $0xFFFFF800  }
0x3b5: {  	_ =	sfence.sel $0x180000  }
0x3b6: {  	[bflag:$0x0] =	sbarrier.arrive $0xFFFF  }
0x3b7: {  	p0 =	sne.s32 s1, $0x0;
	_ =	strace $0x90000047  }
0x3b8: {  	s0 =	sadd.s32 @!p0 $0x100000, s0;
	[bflag:$0x2] =	sbarrier.arrive $0xFFFF  }
0x3b9: {  	[sflag:s0] =	ssyncadd.tile.s32 @!p0 $0x1;
	_ =	shalt  }
.Lfunc_end2:
_tile_overlayer_lowered:
.L_overlay_start_2:
0x3ba: {  	(tag) =	ssettag $0x2  }
0x3bb: {  	s0 =	rddreg [dreg:$0x0];
	s2 =	stileid.u32  }
0x3bc: {  	s1 =	rddreg [dreg:$0x1];
	p0 =	sne.s32 s2, $0x0  }
0x3bd: {  	s3 =	rddreg [dreg:$0x2];
	[bflag:$0x3] =	sbarrier.arrive $0xFFFF;
	s2 =	simm.s32 @!p0 $0x1C01  }
0x3be: {  	[timem:s3], [sflag:s2] =	dma.local @!p0 [hbm:s0], s1  }
0x3bf: {  	s0 =	simm.s32 @!p0 $0x1  }
0x3c0: {  	_ =	swait.ge @!p0 [sflag:s0], s1  }
0x3c1: {  	s1 =	ssub.s32 @!p0 $0x0, s1;
	[sflag:s0] =	ssyncset.done @!p0 $0x0  }
0x3c2: {  	[sflag:s0] =	ssyncadd.s32 @!p0 s1  }
0x3c3: {  	[bflag:$0x3] =	sbarrier.arrive $0xFFFF  }
0x3c4: {  	_ =	shalt  }

</sc_bundles>
